<compile_context>
chip_gen: v7x
topology: tpu7x:2x2x1
jax: 0.10.2.dev20260603
libtpu: 0.0.44.dev20260713+nightly
codegen_flags: <defaults>
</compile_context>

<pallas_src>
import functools

import jax
import jax.numpy as jnp
from jax import lax
from jax.experimental import pallas as pl
from jax.experimental.pallas import tpu as pltpu
from jax.experimental.pallas import tpu_sc as plsc

N = 10000
E = 320000
DF = 128
DO = 64
NC = 2
NS = 16
EPT = E // (NC * NS)
CH = 80
NCHUNK = EPT // CH
NBUF = 5
ABUF = 10
SLACK = 5
RPT = N // NS
DEGW = 16
NP = N // 2

_MESH = plsc.VectorSubcoreMesh(core_axis_name="c", subcore_axis_name="s")


def _copy_out(shared, out_hbm, c, s):
    pltpu.sync_copy(shared.at[pl.ds(s * 624, 624)],
                    out_hbm.at[c, pl.ds(s * 624, 624)])

    @pl.when(s == NS - 1)
    def _tail():
        pltpu.sync_copy(shared.at[pl.ds(9984, 16)],
                        out_hbm.at[c, pl.ds(9984, 16)])


def _deg_body(dst_hbm, out_hbm, idx_v, ones_v, zrow_v, deg_sh, sem, lsem):
    c = lax.axis_index("c")
    s = lax.axis_index("s")
    ldma = pltpu.async_copy(dst_hbm.at[c, s], idx_v, lsem)

    def fill(i, _):
        zrow_v[i, :] = jnp.zeros((DEGW,), jnp.float32)
        return _

    lax.fori_loop(0, 125, fill, None)

    def fill_o(i, _):
        ones_v[i, :] = jnp.ones((DEGW,), jnp.float32)
        return _

    lax.fori_loop(0, CH, fill_o, None)
    for t in range(5):
        pltpu.sync_copy(zrow_v, deg_sh.at[pl.ds(s * RPT + t * 125, 125)])
    ldma.wait()
    plsc.subcore_barrier()

    def fire(g):
        for b in range(NBUF):
            pltpu.async_copy(ones_v, deg_sh.at[idx_v.at[g * NBUF + b]], sem,
                             add=True)

    def drain(g):
        for b in range(NBUF):
            pltpu.make_async_copy(ones_v, deg_sh.at[idx_v.at[g * NBUF]],
                                  sem).wait()

    fire(0)

    def grp(g, _):
        fire(g)
        drain(g - 1)
        return _

    lax.fori_loop(1, NCHUNK // NBUF, grp, None)
    drain(NCHUNK // NBUF - 1)
    plsc.subcore_barrier()
    _copy_out(deg_sh, out_hbm, c, s)


_deg_call = functools.partial(
    pl.kernel,
    out_type=jax.ShapeDtypeStruct((NC, N, DEGW), jnp.float32),
    mesh=_MESH,
    scratch_types=[
        pltpu.VMEM((NCHUNK, CH), jnp.int32),
        pltpu.VMEM((CH, DEGW), jnp.float32),
        pltpu.VMEM((125, DEGW), jnp.float32),
        pltpu.VMEM_SHARED((N, DEGW), jnp.float32),
        pltpu.SemaphoreType.DMA,
        pltpu.SemaphoreType.DMA,
    ],
)(_deg_body)


def _agg_body(g_hbm, src_hbm, dst_hbm, out_hbm, srci, dsti, rbs, zb, acc_sh,
              gsems, lsems):
    c = lax.axis_index("c")
    s = lax.axis_index("s")
    ldma0 = pltpu.async_copy(src_hbm.at[c, s], srci, lsems[0])
    ldma1 = pltpu.async_copy(dst_hbm.at[c, s], dsti, lsems[1])

    def fz(i, _):
        for k in range(DO // 16):
            zb[i, pl.ds(k * 16, 16)] = jnp.zeros((16,), jnp.float32)
        return _

    lax.fori_loop(0, 125, fz, None)
    for t in range(5):
        pltpu.sync_copy(zb, acc_sh.at[pl.ds(s * RPT + t * 125, 125)])
    ldma0.wait()
    ldma1.wait()
    plsc.subcore_barrier()

    for b in range(NBUF):
        pltpu.async_copy(g_hbm.at[srci.at[b]], rbs[b], gsems[b])

    def grp(g, _):
        for b in range(NBUF):
            j = g * NBUF + b
            pltpu.make_async_copy(g_hbm.at[srci.at[j]], rbs[b],
                                  gsems[b]).wait()
            pltpu.sync_copy(rbs[b], acc_sh.at[dsti.at[j]], add=True)
            pltpu.async_copy(g_hbm.at[srci.at[j + NBUF]], rbs[b], gsems[b])
        return _

    lax.fori_loop(0, NCHUNK // NBUF - 1, grp, None)
    for b in range(NBUF):
        j = NCHUNK - NBUF + b
        pltpu.make_async_copy(g_hbm.at[srci.at[j]], rbs[b], gsems[b]).wait()
        pltpu.sync_copy(rbs[b], acc_sh.at[dsti.at[j]], add=True)
    plsc.subcore_barrier()
    _copy_out(acc_sh, out_hbm, c, s)


_agg_call = functools.partial(
    pl.kernel,
    out_type=jax.ShapeDtypeStruct((NC, N, DO), jnp.float32),
    mesh=_MESH,
    scratch_types=[
        pltpu.VMEM((NCHUNK, CH), jnp.int32),
        pltpu.VMEM((NCHUNK, CH), jnp.int32),
        [pltpu.VMEM((CH, DO), jnp.float32)] * NBUF,
        pltpu.VMEM((125, DO), jnp.float32),
        pltpu.VMEM_SHARED((N, DO), jnp.float32),
        [pltpu.SemaphoreType.DMA] * NBUF,
        [pltpu.SemaphoreType.DMA] * 2,
    ],
    compiler_params=pltpu.CompilerParams(use_tc_tiling_on_sc=False),
)(_agg_body)


_BM = 1000


def _dinvp_of(deg_ref):
    s = deg_ref[0] + deg_ref[1]
    de = lax.rsqrt(1.0 + jnp.sum(s[:, :DEGW], axis=1, keepdims=True))
    do = lax.rsqrt(1.0 + jnp.sum(s[:, DEGW:], axis=1, keepdims=True))
    return jnp.concatenate([jnp.broadcast_to(de, (_BM, DO)),
                            jnp.broadcast_to(do, (_BM, DO))], axis=1)


def _mm1_body(deg_ref, x_ref, w_ref, g_ref, dinvp_ref):
    dinvp = _dinvp_of(deg_ref)
    dinvp_ref[...] = dinvp
    g_ref[...] = jnp.dot(x_ref[...], w_ref[...],
                         preferred_element_type=jnp.float32) * dinvp


def _mm2_body(dinvp_ref, acc_ref, g0_ref, b0_ref, w1_ref, g1_ref):
    dinvp = dinvp_ref[...]
    t = (acc_ref[0] + acc_ref[1] + g0_ref[...]) * dinvp + b0_ref[...]
    t = jnp.maximum(t, 0.0)
    g1_ref[...] = jnp.dot(t, w1_ref[...],
                          preferred_element_type=jnp.float32) * dinvp


def _mm3_body(dinvp_ref, acc_ref, g1_ref, b1_ref, out_ref):
    out_ref[...] = ((acc_ref[0] + acc_ref[1] + g1_ref[...]) * dinvp_ref[...]
                    + b1_ref[...])


_deg_spec = pl.BlockSpec((NC, _BM, 2 * DEGW), lambda i: (0, i, 0))
_acc_spec = pl.BlockSpec((NC, _BM, 2 * DO), lambda i: (0, i, 0))
_row_spec = pl.BlockSpec((_BM, 2 * DO), lambda i: (i, 0))
_bias_spec = pl.BlockSpec((1, 2 * DO), lambda i: (0, 0))

_mm1 = pl.pallas_call(
    _mm1_body,
    grid=(NP // _BM,),
    in_specs=[_deg_spec,
              pl.BlockSpec((_BM, 2 * DF), lambda i: (i, 0)),
              pl.BlockSpec((2 * DF, 2 * DO), lambda i: (0, 0))],
    out_specs=[_row_spec, _row_spec],
    out_shape=[jax.ShapeDtypeStruct((NP, 2 * DO), jnp.float32),
               jax.ShapeDtypeStruct((NP, 2 * DO), jnp.float32)],
)

_mm2 = pl.pallas_call(
    _mm2_body,
    grid=(NP // _BM,),
    in_specs=[_row_spec, _acc_spec, _row_spec, _bias_spec,
              pl.BlockSpec((2 * DO, 2 * DO), lambda i: (0, 0))],
    out_specs=_row_spec,
    out_shape=jax.ShapeDtypeStruct((NP, 2 * DO), jnp.float32),
)

_mm3 = pl.pallas_call(
    _mm3_body,
    grid=(NP // _BM,),
    in_specs=[_row_spec, _acc_spec, _row_spec, _bias_spec],
    out_specs=_row_spec,
    out_shape=jax.ShapeDtypeStruct((NP, 2 * DO), jnp.float32),
)


def _blockdiag(W):
    k, m = W.shape
    Wbd = jnp.zeros((2 * k, 2 * m), W.dtype)
    return Wbd.at[:k, :m].set(W).at[k:, m:].set(W)


def kernel(x, edge_index, W0, b0, W1, b1):
    ei = edge_index.astype(jnp.int32)
    src_r = ei[0].reshape(NC, NS, NCHUNK, CH)
    dst_r = ei[1].reshape(NC, NS, NCHUNK, CH)
    xp = x.reshape(NP, 2 * DF)
    b0p = jnp.concatenate([b0, b0]).reshape(1, 2 * DO)
    b1p = jnp.concatenate([b1, b1]).reshape(1, 2 * DO)
    deg_parts = _deg_call(dst_r)
    degp = deg_parts.reshape(NC, NP, 2 * DEGW)
    g0p, dinvp = _mm1(degp, xp, _blockdiag(W0))
    g0 = g0p.reshape(N, DO)
    acc0 = _agg_call(g0, src_r, dst_r)
    g1p = _mm2(dinvp, acc0.reshape(NC, NP, 2 * DO), g0p, b0p, _blockdiag(W1))
    acc1 = _agg_call(g1p.reshape(N, DO), src_r, dst_r)
    outp = _mm3(dinvp, acc1.reshape(NC, NP, 2 * DO), g1p, b1p)
    return outp.reshape(N, DO)

# --- scband reference (transcript-rebuilt; emitter-appended) ---
"""Pipeline reference for scband-qgraph-convolutional-network-22239340659465 (READ-ONLY COPY).

The authoritative reference and input builder live on the scoring server;
editing this copy changes nothing except your own understanding.
"""

import jax, jax.numpy as jnp
import numpy as np

N_NODES = 10000
N_EDGES = 320000
D_FEAT = 128
D_OUT = 64


def _gcn_layer(x, src, dst, W, b):
    N = x.shape[0]
    loop = jnp.arange(N, dtype=src.dtype)
    src_sl = jnp.concatenate([src, loop])
    dst_sl = jnp.concatenate([dst, loop])
    deg = jnp.zeros((N,), dtype=x.dtype).at[dst_sl].add(1.0)
    dinv = 1.0 / jnp.sqrt(jnp.clip(deg, 1.0))
    norm = dinv[src_sl] * dinv[dst_sl]
    h = x @ W
    msg = jnp.take(h, src_sl, axis=0) * norm[:, None]
    out = jax.ops.segment_sum(msg, dst_sl, num_segments=N)
    return out + b


def setup_inputs(seed: int = 0) -> dict:
    key = jax.random.key(seed)
    k1, k2, k3, k4, k5, k6 = jax.random.split(key, 6)
    x = jax.random.normal(k1, (N_NODES, D_FEAT), dtype=jnp.float32)
    edge_index = jax.random.randint(k2, (2, N_EDGES), 0, N_NODES, dtype=jnp.int64)
    s0 = 1.0 / np.sqrt(D_FEAT)
    s1 = 1.0 / np.sqrt(D_OUT)
    W0 = jax.random.uniform(k3, (D_FEAT, D_OUT), dtype=jnp.float32, minval=-s0, maxval=s0)
    b0 = jax.random.uniform(k4, (D_OUT,), dtype=jnp.float32, minval=-s0, maxval=s0)
    W1 = jax.random.uniform(k5, (D_OUT, D_OUT), dtype=jnp.float32, minval=-s1, maxval=s1)
    b1 = jax.random.uniform(k6, (D_OUT,), dtype=jnp.float32, minval=-s1, maxval=s1)
    return {"x": x, "edge_index": edge_index, "W0": W0, "b0": b0, "W1": W1, "b1": b1}


def reference(x, edge_index, W0, b0, W1, b1):
    src, dst = edge_index[0], edge_index[1]
    h = _gcn_layer(x, src, dst, W0, b0)
    h = jax.nn.relu(h)
    out = _gcn_layer(h, src, dst, W1, b1)
    return out

if __name__ == "__main__":
    import jax
    _d = setup_inputs()
    print(jax.jit(kernel)(*tuple(_d.values())))

</pallas_src>

<mosaic_0001>
#map = affine_map<(d0, d1) -> (0, 0)>
#map1 = affine_map<(d0, d1) -> (0, 0, 0, 0)>
#map2 = affine_map<(d0, d1) -> (0, 0, 0)>
module attributes {stable_mosaic.version = 14 : i64} {
  func.func @_agg_body(%arg0: i32, %arg1: i32, %arg2: memref<10000x64xf32, #tpu.memory_space<hbm>>, %arg3: memref<2x16x125x80xi32, #tpu.memory_space<hbm>>, %arg4: memref<2x16x125x80xi32, #tpu.memory_space<hbm>>, %arg5: memref<2x10000x64xf32, #tpu.memory_space<hbm>>, %arg6: memref<125x80xi32, #tpu.memory_space<vmem>>, %arg7: memref<125x80xi32, #tpu.memory_space<vmem>>, %arg8: memref<80x64xf32, #tpu.memory_space<vmem>>, %arg9: memref<80x64xf32, #tpu.memory_space<vmem>>, %arg10: memref<80x64xf32, #tpu.memory_space<vmem>>, %arg11: memref<80x64xf32, #tpu.memory_space<vmem>>, %arg12: memref<80x64xf32, #tpu.memory_space<vmem>>, %arg13: memref<125x64xf32, #tpu.memory_space<vmem>>, %arg14: memref<10000x64xf32, #tpu.memory_space<vmem_shared>>, %arg15: memref<!tpu.dma_semaphore, #tpu.memory_space<semaphore_mem>>, %arg16: memref<!tpu.dma_semaphore, #tpu.memory_space<semaphore_mem>>, %arg17: memref<!tpu.dma_semaphore, #tpu.memory_space<semaphore_mem>>, %arg18: memref<!tpu.dma_semaphore, #tpu.memory_space<semaphore_mem>>, %arg19: memref<!tpu.dma_semaphore, #tpu.memory_space<semaphore_mem>>, %arg20: memref<!tpu.dma_semaphore, #tpu.memory_space<semaphore_mem>>, %arg21: memref<!tpu.dma_semaphore, #tpu.memory_space<semaphore_mem>>) attributes {dimension_semantics = [#tpu.dimension_semantics<core_parallel>, #tpu.dimension_semantics<subcore_parallel>], iteration_bounds = array<i64: 2, 16>, scalar_prefetch = 0 : i64, scratch_operands = 16 : i64, tpu.core_type = #tpu.core_type<sc_vector_subcore>, window_params = [{transform_indices = #map}, {transform_indices = #map1}, {transform_indices = #map1}, {transform_indices = #map2}]} {
    %dma_start3A = arith.constant 0 : i32
    %dma_start3A_0 = arith.constant 0 : i32
    %dma_start3A_1 = tpu.memref_slice %arg3[%arg0, %arg1, %dma_start3A, %dma_start3A_0] : memref<2x16x125x80xi32, #tpu.memory_space<hbm>> -> memref<1x1x125x80xi32, #tpu.memory_space<hbm>>
    %dma_start3A_2 = tpu.memref_squeeze %dma_start3A_1 : memref<1x1x125x80xi32, #tpu.memory_space<hbm>> -> memref<125x80xi32, #tpu.memory_space<hbm>>
    %dma_start3A_3 = arith.constant 0 : i32
    %dma_start3A_4 = arith.constant 0 : i32
    %dma_start3A_5 = tpu.memref_slice %arg3[%arg0, %arg1, %dma_start3A_3, %dma_start3A_4] : memref<2x16x125x80xi32, #tpu.memory_space<hbm>> -> memref<1x1x125x80xi32, #tpu.memory_space<hbm>>
    %dma_start3A_6 = tpu.memref_squeeze %dma_start3A_5 : memref<1x1x125x80xi32, #tpu.memory_space<hbm>> -> memref<125x80xi32, #tpu.memory_space<hbm>>
    tpu.enqueue_dma source(%dma_start3A_6 : memref<125x80xi32, #tpu.memory_space<hbm>>) target(%arg6 : memref<125x80xi32, #tpu.memory_space<vmem>>) target_semaphore(%arg20 : memref<!tpu.dma_semaphore, #tpu.memory_space<semaphore_mem>>)
    %dma_start3A_7 = arith.constant 0 : i32
    %dma_start3A_8 = arith.constant 0 : i32
    %dma_start3A_9 = tpu.memref_slice %arg4[%arg0, %arg1, %dma_start3A_7, %dma_start3A_8] : memref<2x16x125x80xi32, #tpu.memory_space<hbm>> -> memref<1x1x125x80xi32, #tpu.memory_space<hbm>>
    %dma_start3A_10 = tpu.memref_squeeze %dma_start3A_9 : memref<1x1x125x80xi32, #tpu.memory_space<hbm>> -> memref<125x80xi32, #tpu.memory_space<hbm>>
    %dma_start3A_11 = arith.constant 0 : i32
    %dma_start3A_12 = arith.constant 0 : i32
    %dma_start3A_13 = tpu.memref_slice %arg4[%arg0, %arg1, %dma_start3A_11, %dma_start3A_12] : memref<2x16x125x80xi32, #tpu.memory_space<hbm>> -> memref<1x1x125x80xi32, #tpu.memory_space<hbm>>
    %dma_start3A_14 = tpu.memref_squeeze %dma_start3A_13 : memref<1x1x125x80xi32, #tpu.memory_space<hbm>> -> memref<125x80xi32, #tpu.memory_space<hbm>>
    tpu.enqueue_dma source(%dma_start3A_14 : memref<125x80xi32, #tpu.memory_space<hbm>>) target(%arg7 : memref<125x80xi32, #tpu.memory_space<vmem>>) target_semaphore(%arg21 : memref<!tpu.dma_semaphore, #tpu.memory_space<semaphore_mem>>)
    %scan3A = arith.constant 0 : i32
    %scan3A_15 = arith.constant 125 : i32
    %scan3A_16 = arith.addi %scan3A, %scan3A_15 : i32
    %scan3A_17 = arith.constant 1 : i32
    scf.for %scan3A_138 = %scan3A to %scan3A_16 step %scan3A_17  : i32 {
      %broadcast_in_dim3A = arith.constant 0.000000e+00 : f32
      %broadcast_in_dim3A_139 = vector.broadcast %broadcast_in_dim3A : f32 to vector<16xf32>
      %swap3A = arith.index_cast %scan3A_138 : i32 to index
      %swap3A_140 = arith.constant 0 : index
      %swap3A_141 = tpu.vector_load %arg13[%swap3A, %swap3A_140] {strides = array<i32>} : memref<125x64xf32, #tpu.memory_space<vmem>>, vector<1x16xf32>,
      %swap3A_142 = vector.shape_cast %swap3A_141 : vector<1x16xf32> to vector<16xf32>
      %swap3A_143 = vector.shape_cast %broadcast_in_dim3A_139 : vector<16xf32> to vector<1x16xf32>
      tpu.vector_store %arg13[%swap3A, %swap3A_140], %swap3A_143 {strides = array<i32>} : memref<125x64xf32, #tpu.memory_space<vmem>>, vector<1x16xf32>,
      %broadcast_in_dim3A_144 = arith.constant 0.000000e+00 : f32
      %broadcast_in_dim3A_145 = vector.broadcast %broadcast_in_dim3A_144 : f32 to vector<16xf32>
      %swap3A_146 = arith.index_cast %scan3A_138 : i32 to index
      %swap3A_147 = arith.constant 16 : index
      %swap3A_148 = tpu.vector_load %arg13[%swap3A_146, %swap3A_147] {strides = array<i32>} : memref<125x64xf32, #tpu.memory_space<vmem>>, vector<1x16xf32>,
      %swap3A_149 = vector.shape_cast %swap3A_148 : vector<1x16xf32> to vector<16xf32>
      %swap3A_150 = vector.shape_cast %broadcast_in_dim3A_145 : vector<16xf32> to vector<1x16xf32>
      tpu.vector_store %arg13[%swap3A_146, %swap3A_147], %swap3A_150 {strides = array<i32>} : memref<125x64xf32, #tpu.memory_space<vmem>>, vector<1x16xf32>,
      %broadcast_in_dim3A_151 = arith.constant 0.000000e+00 : f32
      %broadcast_in_dim3A_152 = vector.broadcast %broadcast_in_dim3A_151 : f32 to vector<16xf32>
      %swap3A_153 = arith.index_cast %scan3A_138 : i32 to index
      %swap3A_154 = arith.constant 32 : index
      %swap3A_155 = tpu.vector_load %arg13[%swap3A_153, %swap3A_154] {strides = array<i32>} : memref<125x64xf32, #tpu.memory_space<vmem>>, vector<1x16xf32>,
      %swap3A_156 = vector.shape_cast %swap3A_155 : vector<1x16xf32> to vector<16xf32>
      %swap3A_157 = vector.shape_cast %broadcast_in_dim3A_152 : vector<16xf32> to vector<1x16xf32>
      tpu.vector_store %arg13[%swap3A_153, %swap3A_154], %swap3A_157 {strides = array<i32>} : memref<125x64xf32, #tpu.memory_space<vmem>>, vector<1x16xf32>,
      %broadcast_in_dim3A_158 = arith.constant 0.000000e+00 : f32
      %broadcast_in_dim3A_159 = vector.broadcast %broadcast_in_dim3A_158 : f32 to vector<16xf32>
      %swap3A_160 = arith.index_cast %scan3A_138 : i32 to index
      %swap3A_161 = arith.constant 48 : index
      %swap3A_162 = tpu.vector_load %arg13[%swap3A_160, %swap3A_161] {strides = array<i32>} : memref<125x64xf32, #tpu.memory_space<vmem>>, vector<1x16xf32>,
      %swap3A_163 = vector.shape_cast %swap3A_162 : vector<1x16xf32> to vector<16xf32>
      %swap3A_164 = vector.shape_cast %broadcast_in_dim3A_159 : vector<16xf32> to vector<1x16xf32>
      tpu.vector_store %arg13[%swap3A_160, %swap3A_161], %swap3A_164 {strides = array<i32>} : memref<125x64xf32, #tpu.memory_space<vmem>>, vector<1x16xf32>,
    }
    %scan3A_18 = arith.constant 125 : i32
    %mul3A = arith.constant 625 : i32
    %mul3A_19 = arith.muli %arg1, %mul3A : i32
    %add3A = arith.constant 0 : i32
    %add3A_20 = arith.addi %mul3A_19, %add3A : i32
    "tpu.region"() ({
      %run_scoped3A_138 = tpu.sem_alloc : memref<!tpu.dma_semaphore, #tpu.memory_space<semaphore_mem>>
      %dma_start3A_139 = arith.constant 0 : i32
      %dma_start3A_140 = tpu.memref_slice %arg14[%add3A_20, %dma_start3A_139] : memref<10000x64xf32, #tpu.memory_space<vmem_shared>> -> memref<125x64xf32, #tpu.memory_space<vmem_shared>>
      %dma_start3A_141 = arith.constant 0 : i32
      %dma_start3A_142 = tpu.memref_slice %arg14[%add3A_20, %dma_start3A_141] : memref<10000x64xf32, #tpu.memory_space<vmem_shared>> -> memref<125x64xf32, #tpu.memory_space<vmem_shared>>
      tpu.enqueue_dma source(%arg13 : memref<125x64xf32, #tpu.memory_space<vmem>>) target(%dma_start3A_142 : memref<125x64xf32, #tpu.memory_space<vmem_shared>>) target_semaphore(%run_scoped3A_138 : memref<!tpu.dma_semaphore, #tpu.memory_space<semaphore_mem>>)
      %dma_wait3A_143 = arith.constant 0 : i32
      %dma_wait3A_144 = tpu.memref_slice %arg14[%add3A_20, %dma_wait3A_143] : memref<10000x64xf32, #tpu.memory_space<vmem_shared>> -> memref<125x64xf32, #tpu.memory_space<vmem_shared>>
      %dma_wait3A_145 = arith.constant 0 : i32
      %dma_wait3A_146 = tpu.memref_slice %arg14[%add3A_20, %dma_wait3A_145] : memref<10000x64xf32, #tpu.memory_space<vmem_shared>> -> memref<125x64xf32, #tpu.memory_space<vmem_shared>>
      tpu.wait_dma2 semaphore(%run_scoped3A_138 : memref<!tpu.dma_semaphore, #tpu.memory_space<semaphore_mem>>) src(%arg13 : memref<125x64xf32, #tpu.memory_space<vmem>>) dst(%dma_wait3A_146 : memref<125x64xf32, #tpu.memory_space<vmem_shared>>)
      tpu.yield
    }) : () -> ()
    %mul3A_21 = arith.constant 625 : i32
    %mul3A_22 = arith.muli %arg1, %mul3A_21 : i32
    %add3A_23 = arith.constant 125 : i32
    %add3A_24 = arith.addi %mul3A_22, %add3A_23 : i32
    "tpu.region"() ({
      %run_scoped3A_138 = tpu.sem_alloc : memref<!tpu.dma_semaphore, #tpu.memory_space<semaphore_mem>>
      %dma_start3A_139 = arith.constant 0 : i32
      %dma_start3A_140 = tpu.memref_slice %arg14[%add3A_24, %dma_start3A_139] : memref<10000x64xf32, #tpu.memory_space<vmem_shared>> -> memref<125x64xf32, #tpu.memory_space<vmem_shared>>
      %dma_start3A_141 = arith.constant 0 : i32
      %dma_start3A_142 = tpu.memref_slice %arg14[%add3A_24, %dma_start3A_141] : memref<10000x64xf32, #tpu.memory_space<vmem_shared>> -> memref<125x64xf32, #tpu.memory_space<vmem_shared>>
      tpu.enqueue_dma source(%arg13 : memref<125x64xf32, #tpu.memory_space<vmem>>) target(%dma_start3A_142 : memref<125x64xf32, #tpu.memory_space<vmem_shared>>) target_semaphore(%run_scoped3A_138 : memref<!tpu.dma_semaphore, #tpu.memory_space<semaphore_mem>>)
      %dma_wait3A_143 = arith.constant 0 : i32
      %dma_wait3A_144 = tpu.memref_slice %arg14[%add3A_24, %dma_wait3A_143] : memref<10000x64xf32, #tpu.memory_space<vmem_shared>> -> memref<125x64xf32, #tpu.memory_space<vmem_shared>>
      %dma_wait3A_145 = arith.constant 0 : i32
      %dma_wait3A_146 = tpu.memref_slice %arg14[%add3A_24, %dma_wait3A_145] : memref<10000x64xf32, #tpu.memory_space<vmem_shared>> -> memref<125x64xf32, #tpu.memory_space<vmem_shared>>
      tpu.wait_dma2 semaphore(%run_scoped3A_138 : memref<!tpu.dma_semaphore, #tpu.memory_space<semaphore_mem>>) src(%arg13 : memref<125x64xf32, #tpu.memory_space<vmem>>) dst(%dma_wait3A_146 : memref<125x64xf32, #tpu.memory_space<vmem_shared>>)
      tpu.yield
    }) : () -> ()
    %mul3A_25 = arith.constant 625 : i32
    %mul3A_26 = arith.muli %arg1, %mul3A_25 : i32
    %add3A_27 = arith.constant 250 : i32
    %add3A_28 = arith.addi %mul3A_26, %add3A_27 : i32
    "tpu.region"() ({
      %run_scoped3A_138 = tpu.sem_alloc : memref<!tpu.dma_semaphore, #tpu.memory_space<semaphore_mem>>
      %dma_start3A_139 = arith.constant 0 : i32
      %dma_start3A_140 = tpu.memref_slice %arg14[%add3A_28, %dma_start3A_139] : memref<10000x64xf32, #tpu.memory_space<vmem_shared>> -> memref<125x64xf32, #tpu.memory_space<vmem_shared>>
      %dma_start3A_141 = arith.constant 0 : i32
      %dma_start3A_142 = tpu.memref_slice %arg14[%add3A_28, %dma_start3A_141] : memref<10000x64xf32, #tpu.memory_space<vmem_shared>> -> memref<125x64xf32, #tpu.memory_space<vmem_shared>>
      tpu.enqueue_dma source(%arg13 : memref<125x64xf32, #tpu.memory_space<vmem>>) target(%dma_start3A_142 : memref<125x64xf32, #tpu.memory_space<vmem_shared>>) target_semaphore(%run_scoped3A_138 : memref<!tpu.dma_semaphore, #tpu.memory_space<semaphore_mem>>)
      %dma_wait3A_143 = arith.constant 0 : i32
      %dma_wait3A_144 = tpu.memref_slice %arg14[%add3A_28, %dma_wait3A_143] : memref<10000x64xf32, #tpu.memory_space<vmem_shared>> -> memref<125x64xf32, #tpu.memory_space<vmem_shared>>
      %dma_wait3A_145 = arith.constant 0 : i32
      %dma_wait3A_146 = tpu.memref_slice %arg14[%add3A_28, %dma_wait3A_145] : memref<10000x64xf32, #tpu.memory_space<vmem_shared>> -> memref<125x64xf32, #tpu.memory_space<vmem_shared>>
      tpu.wait_dma2 semaphore(%run_scoped3A_138 : memref<!tpu.dma_semaphore, #tpu.memory_space<semaphore_mem>>) src(%arg13 : memref<125x64xf32, #tpu.memory_space<vmem>>) dst(%dma_wait3A_146 : memref<125x64xf32, #tpu.memory_space<vmem_shared>>)
      tpu.yield
    }) : () -> ()
    %mul3A_29 = arith.constant 625 : i32
    %mul3A_30 = arith.muli %arg1, %mul3A_29 : i32
    %add3A_31 = arith.constant 375 : i32
    %add3A_32 = arith.addi %mul3A_30, %add3A_31 : i32
    "tpu.region"() ({
      %run_scoped3A_138 = tpu.sem_alloc : memref<!tpu.dma_semaphore, #tpu.memory_space<semaphore_mem>>
      %dma_start3A_139 = arith.constant 0 : i32
      %dma_start3A_140 = tpu.memref_slice %arg14[%add3A_32, %dma_start3A_139] : memref<10000x64xf32, #tpu.memory_space<vmem_shared>> -> memref<125x64xf32, #tpu.memory_space<vmem_shared>>
      %dma_start3A_141 = arith.constant 0 : i32
      %dma_start3A_142 = tpu.memref_slice %arg14[%add3A_32, %dma_start3A_141] : memref<10000x64xf32, #tpu.memory_space<vmem_shared>> -> memref<125x64xf32, #tpu.memory_space<vmem_shared>>
      tpu.enqueue_dma source(%arg13 : memref<125x64xf32, #tpu.memory_space<vmem>>) target(%dma_start3A_142 : memref<125x64xf32, #tpu.memory_space<vmem_shared>>) target_semaphore(%run_scoped3A_138 : memref<!tpu.dma_semaphore, #tpu.memory_space<semaphore_mem>>)
      %dma_wait3A_143 = arith.constant 0 : i32
      %dma_wait3A_144 = tpu.memref_slice %arg14[%add3A_32, %dma_wait3A_143] : memref<10000x64xf32, #tpu.memory_space<vmem_shared>> -> memref<125x64xf32, #tpu.memory_space<vmem_shared>>
      %dma_wait3A_145 = arith.constant 0 : i32
      %dma_wait3A_146 = tpu.memref_slice %arg14[%add3A_32, %dma_wait3A_145] : memref<10000x64xf32, #tpu.memory_space<vmem_shared>> -> memref<125x64xf32, #tpu.memory_space<vmem_shared>>
      tpu.wait_dma2 semaphore(%run_scoped3A_138 : memref<!tpu.dma_semaphore, #tpu.memory_space<semaphore_mem>>) src(%arg13 : memref<125x64xf32, #tpu.memory_space<vmem>>) dst(%dma_wait3A_146 : memref<125x64xf32, #tpu.memory_space<vmem_shared>>)
      tpu.yield
    }) : () -> ()
    %mul3A_33 = arith.constant 625 : i32
    %mul3A_34 = arith.muli %arg1, %mul3A_33 : i32
    %add3A_35 = arith.constant 500 : i32
    %add3A_36 = arith.addi %mul3A_34, %add3A_35 : i32
    "tpu.region"() ({
      %run_scoped3A_138 = tpu.sem_alloc : memref<!tpu.dma_semaphore, #tpu.memory_space<semaphore_mem>>
      %dma_start3A_139 = arith.constant 0 : i32
      %dma_start3A_140 = tpu.memref_slice %arg14[%add3A_36, %dma_start3A_139] : memref<10000x64xf32, #tpu.memory_space<vmem_shared>> -> memref<125x64xf32, #tpu.memory_space<vmem_shared>>
      %dma_start3A_141 = arith.constant 0 : i32
      %dma_start3A_142 = tpu.memref_slice %arg14[%add3A_36, %dma_start3A_141] : memref<10000x64xf32, #tpu.memory_space<vmem_shared>> -> memref<125x64xf32, #tpu.memory_space<vmem_shared>>
      tpu.enqueue_dma source(%arg13 : memref<125x64xf32, #tpu.memory_space<vmem>>) target(%dma_start3A_142 : memref<125x64xf32, #tpu.memory_space<vmem_shared>>) target_semaphore(%run_scoped3A_138 : memref<!tpu.dma_semaphore, #tpu.memory_space<semaphore_mem>>)
      %dma_wait3A_143 = arith.constant 0 : i32
      %dma_wait3A_144 = tpu.memref_slice %arg14[%add3A_36, %dma_wait3A_143] : memref<10000x64xf32, #tpu.memory_space<vmem_shared>> -> memref<125x64xf32, #tpu.memory_space<vmem_shared>>
      %dma_wait3A_145 = arith.constant 0 : i32
      %dma_wait3A_146 = tpu.memref_slice %arg14[%add3A_36, %dma_wait3A_145] : memref<10000x64xf32, #tpu.memory_space<vmem_shared>> -> memref<125x64xf32, #tpu.memory_space<vmem_shared>>
      tpu.wait_dma2 semaphore(%run_scoped3A_138 : memref<!tpu.dma_semaphore, #tpu.memory_space<semaphore_mem>>) src(%arg13 : memref<125x64xf32, #tpu.memory_space<vmem>>) dst(%dma_wait3A_146 : memref<125x64xf32, #tpu.memory_space<vmem_shared>>)
      tpu.yield
    }) : () -> ()
    %dma_wait3A = arith.constant 0 : i32
    %dma_wait3A_37 = arith.constant 0 : i32
    %dma_wait3A_38 = tpu.memref_slice %arg3[%arg0, %arg1, %dma_wait3A, %dma_wait3A_37] : memref<2x16x125x80xi32, #tpu.memory_space<hbm>> -> memref<1x1x125x80xi32, #tpu.memory_space<hbm>>
    %dma_wait3A_39 = tpu.memref_squeeze %dma_wait3A_38 : memref<1x1x125x80xi32, #tpu.memory_space<hbm>> -> memref<125x80xi32, #tpu.memory_space<hbm>>
    %dma_wait3A_40 = arith.constant 0 : i32
    %dma_wait3A_41 = arith.constant 0 : i32
    %dma_wait3A_42 = tpu.memref_slice %arg3[%arg0, %arg1, %dma_wait3A_40, %dma_wait3A_41] : memref<2x16x125x80xi32, #tpu.memory_space<hbm>> -> memref<1x1x125x80xi32, #tpu.memory_space<hbm>>
    %dma_wait3A_43 = tpu.memref_squeeze %dma_wait3A_42 : memref<1x1x125x80xi32, #tpu.memory_space<hbm>> -> memref<125x80xi32, #tpu.memory_space<hbm>>
    tpu.wait_dma2 semaphore(%arg20 : memref<!tpu.dma_semaphore, #tpu.memory_space<semaphore_mem>>) src(%dma_wait3A_43 : memref<125x80xi32, #tpu.memory_space<hbm>>) dst(%arg6 : memref<125x80xi32, #tpu.memory_space<vmem>>)
    %dma_wait3A_44 = arith.constant 0 : i32
    %dma_wait3A_45 = arith.constant 0 : i32
    %dma_wait3A_46 = tpu.memref_slice %arg4[%arg0, %arg1, %dma_wait3A_44, %dma_wait3A_45] : memref<2x16x125x80xi32, #tpu.memory_space<hbm>> -> memref<1x1x125x80xi32, #tpu.memory_space<hbm>>
    %dma_wait3A_47 = tpu.memref_squeeze %dma_wait3A_46 : memref<1x1x125x80xi32, #tpu.memory_space<hbm>> -> memref<125x80xi32, #tpu.memory_space<hbm>>
    %dma_wait3A_48 = arith.constant 0 : i32
    %dma_wait3A_49 = arith.constant 0 : i32
    %dma_wait3A_50 = tpu.memref_slice %arg4[%arg0, %arg1, %dma_wait3A_48, %dma_wait3A_49] : memref<2x16x125x80xi32, #tpu.memory_space<hbm>> -> memref<1x1x125x80xi32, #tpu.memory_space<hbm>>
    %dma_wait3A_51 = tpu.memref_squeeze %dma_wait3A_50 : memref<1x1x125x80xi32, #tpu.memory_space<hbm>> -> memref<125x80xi32, #tpu.memory_space<hbm>>
    tpu.wait_dma2 semaphore(%arg21 : memref<!tpu.dma_semaphore, #tpu.memory_space<semaphore_mem>>) src(%dma_wait3A_51 : memref<125x80xi32, #tpu.memory_space<hbm>>) dst(%arg7 : memref<125x80xi32, #tpu.memory_space<vmem>>)
    %barrier3A = arith.constant 0 : index
    tpu.barrier barrier_id(%barrier3A)
    %dma_start3A_52 = arith.constant 0 : i32
    %dma_start3A_53 = arith.constant 0 : i32
    %dma_start3A_54 = tpu.memref_slice %arg6[%dma_start3A_52, %dma_start3A_53] : memref<125x80xi32, #tpu.memory_space<vmem>> -> memref<1x80xi32, #tpu.memory_space<vmem>>
    %dma_start3A_55 = tpu.memref_squeeze %dma_start3A_54 : memref<1x80xi32, #tpu.memory_space<vmem>> -> memref<80xi32, #tpu.memory_space<vmem>>
    %dma_start3A_56 = arith.constant 0 : i32
    %dma_start3A_57 = arith.constant 0 : i32
    %dma_start3A_58 = tpu.memref_slice %arg2[%dma_start3A_56, %dma_start3A_57] : memref<10000x64xf32, #tpu.memory_space<hbm>> -> memref<10000x64xf32, #tpu.memory_space<hbm>>
    tpu.enqueue_indirect_dma source(%dma_start3A_58 : memref<10000x64xf32, #tpu.memory_space<hbm>>) target(%arg8 : memref<80x64xf32, #tpu.memory_space<vmem>>) offsets(%dma_start3A_55 : memref<80xi32, #tpu.memory_space<vmem>>) semaphore(%arg15 : memref<!tpu.dma_semaphore, #tpu.memory_space<semaphore_mem>>)
    %dma_start3A_59 = arith.constant 1 : i32
    %dma_start3A_60 = arith.constant 0 : i32
    %dma_start3A_61 = tpu.memref_slice %arg6[%dma_start3A_59, %dma_start3A_60] : memref<125x80xi32, #tpu.memory_space<vmem>> -> memref<1x80xi32, #tpu.memory_space<vmem>>
    %dma_start3A_62 = tpu.memref_squeeze %dma_start3A_61 : memref<1x80xi32, #tpu.memory_space<vmem>> -> memref<80xi32, #tpu.memory_space<vmem>>
    %dma_start3A_63 = arith.constant 0 : i32
    %dma_start3A_64 = arith.constant 0 : i32
    %dma_start3A_65 = tpu.memref_slice %arg2[%dma_start3A_63, %dma_start3A_64] : memref<10000x64xf32, #tpu.memory_space<hbm>> -> memref<10000x64xf32, #tpu.memory_space<hbm>>
    tpu.enqueue_indirect_dma source(%dma_start3A_65 : memref<10000x64xf32, #tpu.memory_space<hbm>>) target(%arg9 : memref<80x64xf32, #tpu.memory_space<vmem>>) offsets(%dma_start3A_62 : memref<80xi32, #tpu.memory_space<vmem>>) semaphore(%arg16 : memref<!tpu.dma_semaphore, #tpu.memory_space<semaphore_mem>>)
    %dma_start3A_66 = arith.constant 2 : i32
    %dma_start3A_67 = arith.constant 0 : i32
    %dma_start3A_68 = tpu.memref_slice %arg6[%dma_start3A_66, %dma_start3A_67] : memref<125x80xi32, #tpu.memory_space<vmem>> -> memref<1x80xi32, #tpu.memory_space<vmem>>
    %dma_start3A_69 = tpu.memref_squeeze %dma_start3A_68 : memref<1x80xi32, #tpu.memory_space<vmem>> -> memref<80xi32, #tpu.memory_space<vmem>>
    %dma_start3A_70 = arith.constant 0 : i32
    %dma_start3A_71 = arith.constant 0 : i32
    %dma_start3A_72 = tpu.memref_slice %arg2[%dma_start3A_70, %dma_start3A_71] : memref<10000x64xf32, #tpu.memory_space<hbm>> -> memref<10000x64xf32, #tpu.memory_space<hbm>>
    tpu.enqueue_indirect_dma source(%dma_start3A_72 : memref<10000x64xf32, #tpu.memory_space<hbm>>) target(%arg10 : memref<80x64xf32, #tpu.memory_space<vmem>>) offsets(%dma_start3A_69 : memref<80xi32, #tpu.memory_space<vmem>>) semaphore(%arg17 : memref<!tpu.dma_semaphore, #tpu.memory_space<semaphore_mem>>)
    %dma_start3A_73 = arith.constant 3 : i32
    %dma_start3A_74 = arith.constant 0 : i32
    %dma_start3A_75 = tpu.memref_slice %arg6[%dma_start3A_73, %dma_start3A_74] : memref<125x80xi32, #tpu.memory_space<vmem>> -> memref<1x80xi32, #tpu.memory_space<vmem>>
    %dma_start3A_76 = tpu.memref_squeeze %dma_start3A_75 : memref<1x80xi32, #tpu.memory_space<vmem>> -> memref<80xi32, #tpu.memory_space<vmem>>
    %dma_start3A_77 = arith.constant 0 : i32
    %dma_start3A_78 = arith.constant 0 : i32
    %dma_start3A_79 = tpu.memref_slice %arg2[%dma_start3A_77, %dma_start3A_78] : memref<10000x64xf32, #tpu.memory_space<hbm>> -> memref<10000x64xf32, #tpu.memory_space<hbm>>
    tpu.enqueue_indirect_dma source(%dma_start3A_79 : memref<10000x64xf32, #tpu.memory_space<hbm>>) target(%arg11 : memref<80x64xf32, #tpu.memory_space<vmem>>) offsets(%dma_start3A_76 : memref<80xi32, #tpu.memory_space<vmem>>) semaphore(%arg18 : memref<!tpu.dma_semaphore, #tpu.memory_space<semaphore_mem>>)
    %dma_start3A_80 = arith.constant 4 : i32
    %dma_start3A_81 = arith.constant 0 : i32
    %dma_start3A_82 = tpu.memref_slice %arg6[%dma_start3A_80, %dma_start3A_81] : memref<125x80xi32, #tpu.memory_space<vmem>> -> memref<1x80xi32, #tpu.memory_space<vmem>>
    %dma_start3A_83 = tpu.memref_squeeze %dma_start3A_82 : memref<1x80xi32, #tpu.memory_space<vmem>> -> memref<80xi32, #tpu.memory_space<vmem>>
    %dma_start3A_84 = arith.constant 0 : i32
    %dma_start3A_85 = arith.constant 0 : i32
    %dma_start3A_86 = tpu.memref_slice %arg2[%dma_start3A_84, %dma_start3A_85] : memref<10000x64xf32, #tpu.memory_space<hbm>> -> memref<10000x64xf32, #tpu.memory_space<hbm>>
    tpu.enqueue_indirect_dma source(%dma_start3A_86 : memref<10000x64xf32, #tpu.memory_space<hbm>>) target(%arg12 : memref<80x64xf32, #tpu.memory_space<vmem>>) offsets(%dma_start3A_83 : memref<80xi32, #tpu.memory_space<vmem>>) semaphore(%arg19 : memref<!tpu.dma_semaphore, #tpu.memory_space<semaphore_mem>>)
    %scan3A_87 = arith.constant 0 : i32
    %scan3A_88 = arith.constant 24 : i32
    %scan3A_89 = arith.addi %scan3A_87, %scan3A_88 : i32
    %scan3A_90 = arith.constant 1 : i32
    scf.for %scan3A_138 = %scan3A_87 to %scan3A_89 step %scan3A_90  : i32 {
      %mul3A_139 = arith.constant 5 : i32
      %mul3A_140 = arith.muli %scan3A_138, %mul3A_139 : i32
      %add3A_141 = arith.constant 0 : i32
      %add3A_142 = arith.addi %mul3A_140, %add3A_141 : i32
      %dma_wait3A_143 = arith.constant 0 : i32
      %dma_wait3A_144 = tpu.memref_slice %arg6[%add3A_142, %dma_wait3A_143] : memref<125x80xi32, #tpu.memory_space<vmem>> -> memref<1x80xi32, #tpu.memory_space<vmem>>
      %dma_wait3A_145 = tpu.memref_squeeze %dma_wait3A_144 : memref<1x80xi32, #tpu.memory_space<vmem>> -> memref<80xi32, #tpu.memory_space<vmem>>
      %dma_wait3A_146 = arith.constant 0 : i32
      %dma_wait3A_147 = arith.constant 0 : i32
      %dma_wait3A_148 = tpu.memref_slice %arg2[%dma_wait3A_146, %dma_wait3A_147] : memref<10000x64xf32, #tpu.memory_space<hbm>> -> memref<10000x64xf32, #tpu.memory_space<hbm>>
      tpu.wait_indirect_dma semaphore(%arg15 : memref<!tpu.dma_semaphore, #tpu.memory_space<semaphore_mem>>) src(%dma_wait3A_148 : memref<10000x64xf32, #tpu.memory_space<hbm>>) dst(%arg8 : memref<80x64xf32, #tpu.memory_space<vmem>>)
      "tpu.region"() ({
        %run_scoped3A_229 = tpu.sem_alloc : memref<!tpu.dma_semaphore, #tpu.memory_space<semaphore_mem>>
        %dma_start3A_230 = arith.constant 0 : i32
        %dma_start3A_231 = tpu.memref_slice %arg7[%add3A_142, %dma_start3A_230] : memref<125x80xi32, #tpu.memory_space<vmem>> -> memref<1x80xi32, #tpu.memory_space<vmem>>
        %dma_start3A_232 = tpu.memref_squeeze %dma_start3A_231 : memref<1x80xi32, #tpu.memory_space<vmem>> -> memref<80xi32, #tpu.memory_space<vmem>>
        %dma_start3A_233 = arith.constant 0 : i32
        %dma_start3A_234 = arith.constant 0 : i32
        %dma_start3A_235 = tpu.memref_slice %arg14[%dma_start3A_233, %dma_start3A_234] : memref<10000x64xf32, #tpu.memory_space<vmem_shared>> -> memref<10000x64xf32, #tpu.memory_space<vmem_shared>>
        tpu.enqueue_indirect_dma source(%arg8 : memref<80x64xf32, #tpu.memory_space<vmem>>) target(%dma_start3A_235 : memref<10000x64xf32, #tpu.memory_space<vmem_shared>>) offsets(%dma_start3A_232 : memref<80xi32, #tpu.memory_space<vmem>>) semaphore(%run_scoped3A_229 : memref<!tpu.dma_semaphore, #tpu.memory_space<semaphore_mem>>) {add = true}
        %dma_wait3A_236 = arith.constant 0 : i32
        %dma_wait3A_237 = tpu.memref_slice %arg7[%add3A_142, %dma_wait3A_236] : memref<125x80xi32, #tpu.memory_space<vmem>> -> memref<1x80xi32, #tpu.memory_space<vmem>>
        %dma_wait3A_238 = tpu.memref_squeeze %dma_wait3A_237 : memref<1x80xi32, #tpu.memory_space<vmem>> -> memref<80xi32, #tpu.memory_space<vmem>>
        %dma_wait3A_239 = arith.constant 0 : i32
        %dma_wait3A_240 = arith.constant 0 : i32
        %dma_wait3A_241 = tpu.memref_slice %arg14[%dma_wait3A_239, %dma_wait3A_240] : memref<10000x64xf32, #tpu.memory_space<vmem_shared>> -> memref<10000x64xf32, #tpu.memory_space<vmem_shared>>
        tpu.wait_indirect_dma semaphore(%run_scoped3A_229 : memref<!tpu.dma_semaphore, #tpu.memory_space<semaphore_mem>>) src(%arg8 : memref<80x64xf32, #tpu.memory_space<vmem>>) dst(%dma_wait3A_241 : memref<10000x64xf32, #tpu.memory_space<vmem_shared>>)
        tpu.yield
      }) : () -> ()
      %add3A_149 = arith.constant 5 : i32
      %add3A_150 = arith.addi %add3A_142, %add3A_149 : i32
      %dma_start3A_151 = arith.constant 0 : i32
      %dma_start3A_152 = tpu.memref_slice %arg6[%add3A_150, %dma_start3A_151] : memref<125x80xi32, #tpu.memory_space<vmem>> -> memref<1x80xi32, #tpu.memory_space<vmem>>
      %dma_start3A_153 = tpu.memref_squeeze %dma_start3A_152 : memref<1x80xi32, #tpu.memory_space<vmem>> -> memref<80xi32, #tpu.memory_space<vmem>>
      %dma_start3A_154 = arith.constant 0 : i32
      %dma_start3A_155 = arith.constant 0 : i32
      %dma_start3A_156 = tpu.memref_slice %arg2[%dma_start3A_154, %dma_start3A_155] : memref<10000x64xf32, #tpu.memory_space<hbm>> -> memref<10000x64xf32, #tpu.memory_space<hbm>>
      tpu.enqueue_indirect_dma source(%dma_start3A_156 : memref<10000x64xf32, #tpu.memory_space<hbm>>) target(%arg8 : memref<80x64xf32, #tpu.memory_space<vmem>>) offsets(%dma_start3A_153 : memref<80xi32, #tpu.memory_space<vmem>>) semaphore(%arg15 : memref<!tpu.dma_semaphore, #tpu.memory_space<semaphore_mem>>)
      %mul3A_157 = arith.constant 5 : i32
      %mul3A_158 = arith.muli %scan3A_138, %mul3A_157 : i32
      %add3A_159 = arith.constant 1 : i32
      %add3A_160 = arith.addi %mul3A_158, %add3A_159 : i32
      %dma_wait3A_161 = arith.constant 0 : i32
      %dma_wait3A_162 = tpu.memref_slice %arg6[%add3A_160, %dma_wait3A_161] : memref<125x80xi32, #tpu.memory_space<vmem>> -> memref<1x80xi32, #tpu.memory_space<vmem>>
      %dma_wait3A_163 = tpu.memref_squeeze %dma_wait3A_162 : memref<1x80xi32, #tpu.memory_space<vmem>> -> memref<80xi32, #tpu.memory_space<vmem>>
      %dma_wait3A_164 = arith.constant 0 : i32
      %dma_wait3A_165 = arith.constant 0 : i32
      %dma_wait3A_166 = tpu.memref_slice %arg2[%dma_wait3A_164, %dma_wait3A_165] : memref<10000x64xf32, #tpu.memory_space<hbm>> -> memref<10000x64xf32, #tpu.memory_space<hbm>>
      tpu.wait_indirect_dma semaphore(%arg16 : memref<!tpu.dma_semaphore, #tpu.memory_space<semaphore_mem>>) src(%dma_wait3A_166 : memref<10000x64xf32, #tpu.memory_space<hbm>>) dst(%arg9 : memref<80x64xf32, #tpu.memory_space<vmem>>)
      "tpu.region"() ({
        %run_scoped3A_229 = tpu.sem_alloc : memref<!tpu.dma_semaphore, #tpu.memory_space<semaphore_mem>>
        %dma_start3A_230 = arith.constant 0 : i32
        %dma_start3A_231 = tpu.memref_slice %arg7[%add3A_160, %dma_start3A_230] : memref<125x80xi32, #tpu.memory_space<vmem>> -> memref<1x80xi32, #tpu.memory_space<vmem>>
        %dma_start3A_232 = tpu.memref_squeeze %dma_start3A_231 : memref<1x80xi32, #tpu.memory_space<vmem>> -> memref<80xi32, #tpu.memory_space<vmem>>
        %dma_start3A_233 = arith.constant 0 : i32
        %dma_start3A_234 = arith.constant 0 : i32
        %dma_start3A_235 = tpu.memref_slice %arg14[%dma_start3A_233, %dma_start3A_234] : memref<10000x64xf32, #tpu.memory_space<vmem_shared>> -> memref<10000x64xf32, #tpu.memory_space<vmem_shared>>
        tpu.enqueue_indirect_dma source(%arg9 : memref<80x64xf32, #tpu.memory_space<vmem>>) target(%dma_start3A_235 : memref<10000x64xf32, #tpu.memory_space<vmem_shared>>) offsets(%dma_start3A_232 : memref<80xi32, #tpu.memory_space<vmem>>) semaphore(%run_scoped3A_229 : memref<!tpu.dma_semaphore, #tpu.memory_space<semaphore_mem>>) {add = true}
        %dma_wait3A_236 = arith.constant 0 : i32
        %dma_wait3A_237 = tpu.memref_slice %arg7[%add3A_160, %dma_wait3A_236] : memref<125x80xi32, #tpu.memory_space<vmem>> -> memref<1x80xi32, #tpu.memory_space<vmem>>
        %dma_wait3A_238 = tpu.memref_squeeze %dma_wait3A_237 : memref<1x80xi32, #tpu.memory_space<vmem>> -> memref<80xi32, #tpu.memory_space<vmem>>
        %dma_wait3A_239 = arith.constant 0 : i32
        %dma_wait3A_240 = arith.constant 0 : i32
        %dma_wait3A_241 = tpu.memref_slice %arg14[%dma_wait3A_239, %dma_wait3A_240] : memref<10000x64xf32, #tpu.memory_space<vmem_shared>> -> memref<10000x64xf32, #tpu.memory_space<vmem_shared>>
        tpu.wait_indirect_dma semaphore(%run_scoped3A_229 : memref<!tpu.dma_semaphore, #tpu.memory_space<semaphore_mem>>) src(%arg9 : memref<80x64xf32, #tpu.memory_space<vmem>>) dst(%dma_wait3A_241 : memref<10000x64xf32, #tpu.memory_space<vmem_shared>>)
        tpu.yield
      }) : () -> ()
      %add3A_167 = arith.constant 5 : i32
      %add3A_168 = arith.addi %add3A_160, %add3A_167 : i32
      %dma_start3A_169 = arith.constant 0 : i32
      %dma_start3A_170 = tpu.memref_slice %arg6[%add3A_168, %dma_start3A_169] : memref<125x80xi32, #tpu.memory_space<vmem>> -> memref<1x80xi32, #tpu.memory_space<vmem>>
      %dma_start3A_171 = tpu.memref_squeeze %dma_start3A_170 : memref<1x80xi32, #tpu.memory_space<vmem>> -> memref<80xi32, #tpu.memory_space<vmem>>
      %dma_start3A_172 = arith.constant 0 : i32
      %dma_start3A_173 = arith.constant 0 : i32
      %dma_start3A_174 = tpu.memref_slice %arg2[%dma_start3A_172, %dma_start3A_173] : memref<10000x64xf32, #tpu.memory_space<hbm>> -> memref<10000x64xf32, #tpu.memory_space<hbm>>
      tpu.enqueue_indirect_dma source(%dma_start3A_174 : memref<10000x64xf32, #tpu.memory_space<hbm>>) target(%arg9 : memref<80x64xf32, #tpu.memory_space<vmem>>) offsets(%dma_start3A_171 : memref<80xi32, #tpu.memory_space<vmem>>) semaphore(%arg16 : memref<!tpu.dma_semaphore, #tpu.memory_space<semaphore_mem>>)
      %mul3A_175 = arith.constant 5 : i32
      %mul3A_176 = arith.muli %scan3A_138, %mul3A_175 : i32
      %add3A_177 = arith.constant 2 : i32
      %add3A_178 = arith.addi %mul3A_176, %add3A_177 : i32
      %dma_wait3A_179 = arith.constant 0 : i32
      %dma_wait3A_180 = tpu.memref_slice %arg6[%add3A_178, %dma_wait3A_179] : memref<125x80xi32, #tpu.memory_space<vmem>> -> memref<1x80xi32, #tpu.memory_space<vmem>>
      %dma_wait3A_181 = tpu.memref_squeeze %dma_wait3A_180 : memref<1x80xi32, #tpu.memory_space<vmem>> -> memref<80xi32, #tpu.memory_space<vmem>>
      %dma_wait3A_182 = arith.constant 0 : i32
      %dma_wait3A_183 = arith.constant 0 : i32
      %dma_wait3A_184 = tpu.memref_slice %arg2[%dma_wait3A_182, %dma_wait3A_183] : memref<10000x64xf32, #tpu.memory_space<hbm>> -> memref<10000x64xf32, #tpu.memory_space<hbm>>
      tpu.wait_indirect_dma semaphore(%arg17 : memref<!tpu.dma_semaphore, #tpu.memory_space<semaphore_mem>>) src(%dma_wait3A_184 : memref<10000x64xf32, #tpu.memory_space<hbm>>) dst(%arg10 : memref<80x64xf32, #tpu.memory_space<vmem>>)
      "tpu.region"() ({
        %run_scoped3A_229 = tpu.sem_alloc : memref<!tpu.dma_semaphore, #tpu.memory_space<semaphore_mem>>
        %dma_start3A_230 = arith.constant 0 : i32
        %dma_start3A_231 = tpu.memref_slice %arg7[%add3A_178, %dma_start3A_230] : memref<125x80xi32, #tpu.memory_space<vmem>> -> memref<1x80xi32, #tpu.memory_space<vmem>>
        %dma_start3A_232 = tpu.memref_squeeze %dma_start3A_231 : memref<1x80xi32, #tpu.memory_space<vmem>> -> memref<80xi32, #tpu.memory_space<vmem>>
        %dma_start3A_233 = arith.constant 0 : i32
        %dma_start3A_234 = arith.constant 0 : i32
        %dma_start3A_235 = tpu.memref_slice %arg14[%dma_start3A_233, %dma_start3A_234] : memref<10000x64xf32, #tpu.memory_space<vmem_shared>> -> memref<10000x64xf32, #tpu.memory_space<vmem_shared>>
        tpu.enqueue_indirect_dma source(%arg10 : memref<80x64xf32, #tpu.memory_space<vmem>>) target(%dma_start3A_235 : memref<10000x64xf32, #tpu.memory_space<vmem_shared>>) offsets(%dma_start3A_232 : memref<80xi32, #tpu.memory_space<vmem>>) semaphore(%run_scoped3A_229 : memref<!tpu.dma_semaphore, #tpu.memory_space<semaphore_mem>>) {add = true}
        %dma_wait3A_236 = arith.constant 0 : i32
        %dma_wait3A_237 = tpu.memref_slice %arg7[%add3A_178, %dma_wait3A_236] : memref<125x80xi32, #tpu.memory_space<vmem>> -> memref<1x80xi32, #tpu.memory_space<vmem>>
        %dma_wait3A_238 = tpu.memref_squeeze %dma_wait3A_237 : memref<1x80xi32, #tpu.memory_space<vmem>> -> memref<80xi32, #tpu.memory_space<vmem>>
        %dma_wait3A_239 = arith.constant 0 : i32
        %dma_wait3A_240 = arith.constant 0 : i32
        %dma_wait3A_241 = tpu.memref_slice %arg14[%dma_wait3A_239, %dma_wait3A_240] : memref<10000x64xf32, #tpu.memory_space<vmem_shared>> -> memref<10000x64xf32, #tpu.memory_space<vmem_shared>>
        tpu.wait_indirect_dma semaphore(%run_scoped3A_229 : memref<!tpu.dma_semaphore, #tpu.memory_space<semaphore_mem>>) src(%arg10 : memref<80x64xf32, #tpu.memory_space<vmem>>) dst(%dma_wait3A_241 : memref<10000x64xf32, #tpu.memory_space<vmem_shared>>)
        tpu.yield
      }) : () -> ()
      %add3A_185 = arith.constant 5 : i32
      %add3A_186 = arith.addi %add3A_178, %add3A_185 : i32
      %dma_start3A_187 = arith.constant 0 : i32
      %dma_start3A_188 = tpu.memref_slice %arg6[%add3A_186, %dma_start3A_187] : memref<125x80xi32, #tpu.memory_space<vmem>> -> memref<1x80xi32, #tpu.memory_space<vmem>>
      %dma_start3A_189 = tpu.memref_squeeze %dma_start3A_188 : memref<1x80xi32, #tpu.memory_space<vmem>> -> memref<80xi32, #tpu.memory_space<vmem>>
      %dma_start3A_190 = arith.constant 0 : i32
      %dma_start3A_191 = arith.constant 0 : i32
      %dma_start3A_192 = tpu.memref_slice %arg2[%dma_start3A_190, %dma_start3A_191] : memref<10000x64xf32, #tpu.memory_space<hbm>> -> memref<10000x64xf32, #tpu.memory_space<hbm>>
      tpu.enqueue_indirect_dma source(%dma_start3A_192 : memref<10000x64xf32, #tpu.memory_space<hbm>>) target(%arg10 : memref<80x64xf32, #tpu.memory_space<vmem>>) offsets(%dma_start3A_189 : memref<80xi32, #tpu.memory_space<vmem>>) semaphore(%arg17 : memref<!tpu.dma_semaphore, #tpu.memory_space<semaphore_mem>>)
      %mul3A_193 = arith.constant 5 : i32
      %mul3A_194 = arith.muli %scan3A_138, %mul3A_193 : i32
      %add3A_195 = arith.constant 3 : i32
      %add3A_196 = arith.addi %mul3A_194, %add3A_195 : i32
      %dma_wait3A_197 = arith.constant 0 : i32
      %dma_wait3A_198 = tpu.memref_slice %arg6[%add3A_196, %dma_wait3A_197] : memref<125x80xi32, #tpu.memory_space<vmem>> -> memref<1x80xi32, #tpu.memory_space<vmem>>
      %dma_wait3A_199 = tpu.memref_squeeze %dma_wait3A_198 : memref<1x80xi32, #tpu.memory_space<vmem>> -> memref<80xi32, #tpu.memory_space<vmem>>
      %dma_wait3A_200 = arith.constant 0 : i32
      %dma_wait3A_201 = arith.constant 0 : i32
      %dma_wait3A_202 = tpu.memref_slice %arg2[%dma_wait3A_200, %dma_wait3A_201] : memref<10000x64xf32, #tpu.memory_space<hbm>> -> memref<10000x64xf32, #tpu.memory_space<hbm>>
      tpu.wait_indirect_dma semaphore(%arg18 : memref<!tpu.dma_semaphore, #tpu.memory_space<semaphore_mem>>) src(%dma_wait3A_202 : memref<10000x64xf32, #tpu.memory_space<hbm>>) dst(%arg11 : memref<80x64xf32, #tpu.memory_space<vmem>>)
      "tpu.region"() ({
        %run_scoped3A_229 = tpu.sem_alloc : memref<!tpu.dma_semaphore, #tpu.memory_space<semaphore_mem>>
        %dma_start3A_230 = arith.constant 0 : i32
        %dma_start3A_231 = tpu.memref_slice %arg7[%add3A_196, %dma_start3A_230] : memref<125x80xi32, #tpu.memory_space<vmem>> -> memref<1x80xi32, #tpu.memory_space<vmem>>
        %dma_start3A_232 = tpu.memref_squeeze %dma_start3A_231 : memref<1x80xi32, #tpu.memory_space<vmem>> -> memref<80xi32, #tpu.memory_space<vmem>>
        %dma_start3A_233 = arith.constant 0 : i32
        %dma_start3A_234 = arith.constant 0 : i32
        %dma_start3A_235 = tpu.memref_slice %arg14[%dma_start3A_233, %dma_start3A_234] : memref<10000x64xf32, #tpu.memory_space<vmem_shared>> -> memref<10000x64xf32, #tpu.memory_space<vmem_shared>>
        tpu.enqueue_indirect_dma source(%arg11 : memref<80x64xf32, #tpu.memory_space<vmem>>) target(%dma_start3A_235 : memref<10000x64xf32, #tpu.memory_space<vmem_shared>>) offsets(%dma_start3A_232 : memref<80xi32, #tpu.memory_space<vmem>>) semaphore(%run_scoped3A_229 : memref<!tpu.dma_semaphore, #tpu.memory_space<semaphore_mem>>) {add = true}
        %dma_wait3A_236 = arith.constant 0 : i32
        %dma_wait3A_237 = tpu.memref_slice %arg7[%add3A_196, %dma_wait3A_236] : memref<125x80xi32, #tpu.memory_space<vmem>> -> memref<1x80xi32, #tpu.memory_space<vmem>>
        %dma_wait3A_238 = tpu.memref_squeeze %dma_wait3A_237 : memref<1x80xi32, #tpu.memory_space<vmem>> -> memref<80xi32, #tpu.memory_space<vmem>>
        %dma_wait3A_239 = arith.constant 0 : i32
        %dma_wait3A_240 = arith.constant 0 : i32
        %dma_wait3A_241 = tpu.memref_slice %arg14[%dma_wait3A_239, %dma_wait3A_240] : memref<10000x64xf32, #tpu.memory_space<vmem_shared>> -> memref<10000x64xf32, #tpu.memory_space<vmem_shared>>
        tpu.wait_indirect_dma semaphore(%run_scoped3A_229 : memref<!tpu.dma_semaphore, #tpu.memory_space<semaphore_mem>>) src(%arg11 : memref<80x64xf32, #tpu.memory_space<vmem>>) dst(%dma_wait3A_241 : memref<10000x64xf32, #tpu.memory_space<vmem_shared>>)
        tpu.yield
      }) : () -> ()
      %add3A_203 = arith.constant 5 : i32
      %add3A_204 = arith.addi %add3A_196, %add3A_203 : i32
      %dma_start3A_205 = arith.constant 0 : i32
      %dma_start3A_206 = tpu.memref_slice %arg6[%add3A_204, %dma_start3A_205] : memref<125x80xi32, #tpu.memory_space<vmem>> -> memref<1x80xi32, #tpu.memory_space<vmem>>
      %dma_start3A_207 = tpu.memref_squeeze %dma_start3A_206 : memref<1x80xi32, #tpu.memory_space<vmem>> -> memref<80xi32, #tpu.memory_space<vmem>>
      %dma_start3A_208 = arith.constant 0 : i32
      %dma_start3A_209 = arith.constant 0 : i32
      %dma_start3A_210 = tpu.memref_slice %arg2[%dma_start3A_208, %dma_start3A_209] : memref<10000x64xf32, #tpu.memory_space<hbm>> -> memref<10000x64xf32, #tpu.memory_space<hbm>>
      tpu.enqueue_indirect_dma source(%dma_start3A_210 : memref<10000x64xf32, #tpu.memory_space<hbm>>) target(%arg11 : memref<80x64xf32, #tpu.memory_space<vmem>>) offsets(%dma_start3A_207 : memref<80xi32, #tpu.memory_space<vmem>>) semaphore(%arg18 : memref<!tpu.dma_semaphore, #tpu.memory_space<semaphore_mem>>)
      %mul3A_211 = arith.constant 5 : i32
      %mul3A_212 = arith.muli %scan3A_138, %mul3A_211 : i32
      %add3A_213 = arith.constant 4 : i32
      %add3A_214 = arith.addi %mul3A_212, %add3A_213 : i32
      %dma_wait3A_215 = arith.constant 0 : i32
      %dma_wait3A_216 = tpu.memref_slice %arg6[%add3A_214, %dma_wait3A_215] : memref<125x80xi32, #tpu.memory_space<vmem>> -> memref<1x80xi32, #tpu.memory_space<vmem>>
      %dma_wait3A_217 = tpu.memref_squeeze %dma_wait3A_216 : memref<1x80xi32, #tpu.memory_space<vmem>> -> memref<80xi32, #tpu.memory_space<vmem>>
      %dma_wait3A_218 = arith.constant 0 : i32
      %dma_wait3A_219 = arith.constant 0 : i32
      %dma_wait3A_220 = tpu.memref_slice %arg2[%dma_wait3A_218, %dma_wait3A_219] : memref<10000x64xf32, #tpu.memory_space<hbm>> -> memref<10000x64xf32, #tpu.memory_space<hbm>>
      tpu.wait_indirect_dma semaphore(%arg19 : memref<!tpu.dma_semaphore, #tpu.memory_space<semaphore_mem>>) src(%dma_wait3A_220 : memref<10000x64xf32, #tpu.memory_space<hbm>>) dst(%arg12 : memref<80x64xf32, #tpu.memory_space<vmem>>)
      "tpu.region"() ({
        %run_scoped3A_229 = tpu.sem_alloc : memref<!tpu.dma_semaphore, #tpu.memory_space<semaphore_mem>>
        %dma_start3A_230 = arith.constant 0 : i32
        %dma_start3A_231 = tpu.memref_slice %arg7[%add3A_214, %dma_start3A_230] : memref<125x80xi32, #tpu.memory_space<vmem>> -> memref<1x80xi32, #tpu.memory_space<vmem>>
        %dma_start3A_232 = tpu.memref_squeeze %dma_start3A_231 : memref<1x80xi32, #tpu.memory_space<vmem>> -> memref<80xi32, #tpu.memory_space<vmem>>
        %dma_start3A_233 = arith.constant 0 : i32
        %dma_start3A_234 = arith.constant 0 : i32
        %dma_start3A_235 = tpu.memref_slice %arg14[%dma_start3A_233, %dma_start3A_234] : memref<10000x64xf32, #tpu.memory_space<vmem_shared>> -> memref<10000x64xf32, #tpu.memory_space<vmem_shared>>
        tpu.enqueue_indirect_dma source(%arg12 : memref<80x64xf32, #tpu.memory_space<vmem>>) target(%dma_start3A_235 : memref<10000x64xf32, #tpu.memory_space<vmem_shared>>) offsets(%dma_start3A_232 : memref<80xi32, #tpu.memory_space<vmem>>) semaphore(%run_scoped3A_229 : memref<!tpu.dma_semaphore, #tpu.memory_space<semaphore_mem>>) {add = true}
        %dma_wait3A_236 = arith.constant 0 : i32
        %dma_wait3A_237 = tpu.memref_slice %arg7[%add3A_214, %dma_wait3A_236] : memref<125x80xi32, #tpu.memory_space<vmem>> -> memref<1x80xi32, #tpu.memory_space<vmem>>
        %dma_wait3A_238 = tpu.memref_squeeze %dma_wait3A_237 : memref<1x80xi32, #tpu.memory_space<vmem>> -> memref<80xi32, #tpu.memory_space<vmem>>
        %dma_wait3A_239 = arith.constant 0 : i32
        %dma_wait3A_240 = arith.constant 0 : i32
        %dma_wait3A_241 = tpu.memref_slice %arg14[%dma_wait3A_239, %dma_wait3A_240] : memref<10000x64xf32, #tpu.memory_space<vmem_shared>> -> memref<10000x64xf32, #tpu.memory_space<vmem_shared>>
        tpu.wait_indirect_dma semaphore(%run_scoped3A_229 : memref<!tpu.dma_semaphore, #tpu.memory_space<semaphore_mem>>) src(%arg12 : memref<80x64xf32, #tpu.memory_space<vmem>>) dst(%dma_wait3A_241 : memref<10000x64xf32, #tpu.memory_space<vmem_shared>>)
        tpu.yield
      }) : () -> ()
      %add3A_221 = arith.constant 5 : i32
      %add3A_222 = arith.addi %add3A_214, %add3A_221 : i32
      %dma_start3A_223 = arith.constant 0 : i32
      %dma_start3A_224 = tpu.memref_slice %arg6[%add3A_222, %dma_start3A_223] : memref<125x80xi32, #tpu.memory_space<vmem>> -> memref<1x80xi32, #tpu.memory_space<vmem>>
      %dma_start3A_225 = tpu.memref_squeeze %dma_start3A_224 : memref<1x80xi32, #tpu.memory_space<vmem>> -> memref<80xi32, #tpu.memory_space<vmem>>
      %dma_start3A_226 = arith.constant 0 : i32
      %dma_start3A_227 = arith.constant 0 : i32
      %dma_start3A_228 = tpu.memref_slice %arg2[%dma_start3A_226, %dma_start3A_227] : memref<10000x64xf32, #tpu.memory_space<hbm>> -> memref<10000x64xf32, #tpu.memory_space<hbm>>
      tpu.enqueue_indirect_dma source(%dma_start3A_228 : memref<10000x64xf32, #tpu.memory_space<hbm>>) target(%arg12 : memref<80x64xf32, #tpu.memory_space<vmem>>) offsets(%dma_start3A_225 : memref<80xi32, #tpu.memory_space<vmem>>) semaphore(%arg19 : memref<!tpu.dma_semaphore, #tpu.memory_space<semaphore_mem>>)
    }
    %scan3A_91 = arith.constant 24 : i32
    %dma_wait3A_92 = arith.constant 120 : i32
    %dma_wait3A_93 = arith.constant 0 : i32
    %dma_wait3A_94 = tpu.memref_slice %arg6[%dma_wait3A_92, %dma_wait3A_93] : memref<125x80xi32, #tpu.memory_space<vmem>> -> memref<1x80xi32, #tpu.memory_space<vmem>>
    %dma_wait3A_95 = tpu.memref_squeeze %dma_wait3A_94 : memref<1x80xi32, #tpu.memory_space<vmem>> -> memref<80xi32, #tpu.memory_space<vmem>>
    %dma_wait3A_96 = arith.constant 0 : i32
    %dma_wait3A_97 = arith.constant 0 : i32
    %dma_wait3A_98 = tpu.memref_slice %arg2[%dma_wait3A_96, %dma_wait3A_97] : memref<10000x64xf32, #tpu.memory_space<hbm>> -> memref<10000x64xf32, #tpu.memory_space<hbm>>
    tpu.wait_indirect_dma semaphore(%arg15 : memref<!tpu.dma_semaphore, #tpu.memory_space<semaphore_mem>>) src(%dma_wait3A_98 : memref<10000x64xf32, #tpu.memory_space<hbm>>) dst(%arg8 : memref<80x64xf32, #tpu.memory_space<vmem>>)
    %run_scoped3A = arith.constant 120 : i32
    "tpu.region"() ({
      %run_scoped3A_138 = tpu.sem_alloc : memref<!tpu.dma_semaphore, #tpu.memory_space<semaphore_mem>>
      %dma_start3A_139 = arith.constant 0 : i32
      %dma_start3A_140 = tpu.memref_slice %arg7[%run_scoped3A, %dma_start3A_139] : memref<125x80xi32, #tpu.memory_space<vmem>> -> memref<1x80xi32, #tpu.memory_space<vmem>>
      %dma_start3A_141 = tpu.memref_squeeze %dma_start3A_140 : memref<1x80xi32, #tpu.memory_space<vmem>> -> memref<80xi32, #tpu.memory_space<vmem>>
      %dma_start3A_142 = arith.constant 0 : i32
      %dma_start3A_143 = arith.constant 0 : i32
      %dma_start3A_144 = tpu.memref_slice %arg14[%dma_start3A_142, %dma_start3A_143] : memref<10000x64xf32, #tpu.memory_space<vmem_shared>> -> memref<10000x64xf32, #tpu.memory_space<vmem_shared>>
      tpu.enqueue_indirect_dma source(%arg8 : memref<80x64xf32, #tpu.memory_space<vmem>>) target(%dma_start3A_144 : memref<10000x64xf32, #tpu.memory_space<vmem_shared>>) offsets(%dma_start3A_141 : memref<80xi32, #tpu.memory_space<vmem>>) semaphore(%run_scoped3A_138 : memref<!tpu.dma_semaphore, #tpu.memory_space<semaphore_mem>>) {add = true}
      %dma_wait3A_145 = arith.constant 0 : i32
      %dma_wait3A_146 = tpu.memref_slice %arg7[%run_scoped3A, %dma_wait3A_145] : memref<125x80xi32, #tpu.memory_space<vmem>> -> memref<1x80xi32, #tpu.memory_space<vmem>>
      %dma_wait3A_147 = tpu.memref_squeeze %dma_wait3A_146 : memref<1x80xi32, #tpu.memory_space<vmem>> -> memref<80xi32, #tpu.memory_space<vmem>>
      %dma_wait3A_148 = arith.constant 0 : i32
      %dma_wait3A_149 = arith.constant 0 : i32
      %dma_wait3A_150 = tpu.memref_slice %arg14[%dma_wait3A_148, %dma_wait3A_149] : memref<10000x64xf32, #tpu.memory_space<vmem_shared>> -> memref<10000x64xf32, #tpu.memory_space<vmem_shared>>
      tpu.wait_indirect_dma semaphore(%run_scoped3A_138 : memref<!tpu.dma_semaphore, #tpu.memory_space<semaphore_mem>>) src(%arg8 : memref<80x64xf32, #tpu.memory_space<vmem>>) dst(%dma_wait3A_150 : memref<10000x64xf32, #tpu.memory_space<vmem_shared>>)
      tpu.yield
    }) : () -> ()
    %dma_wait3A_99 = arith.constant 121 : i32
    %dma_wait3A_100 = arith.constant 0 : i32
    %dma_wait3A_101 = tpu.memref_slice %arg6[%dma_wait3A_99, %dma_wait3A_100] : memref<125x80xi32, #tpu.memory_space<vmem>> -> memref<1x80xi32, #tpu.memory_space<vmem>>
    %dma_wait3A_102 = tpu.memref_squeeze %dma_wait3A_101 : memref<1x80xi32, #tpu.memory_space<vmem>> -> memref<80xi32, #tpu.memory_space<vmem>>
    %dma_wait3A_103 = arith.constant 0 : i32
    %dma_wait3A_104 = arith.constant 0 : i32
    %dma_wait3A_105 = tpu.memref_slice %arg2[%dma_wait3A_103, %dma_wait3A_104] : memref<10000x64xf32, #tpu.memory_space<hbm>> -> memref<10000x64xf32, #tpu.memory_space<hbm>>
    tpu.wait_indirect_dma semaphore(%arg16 : memref<!tpu.dma_semaphore, #tpu.memory_space<semaphore_mem>>) src(%dma_wait3A_105 : memref<10000x64xf32, #tpu.memory_space<hbm>>) dst(%arg9 : memref<80x64xf32, #tpu.memory_space<vmem>>)
    %run_scoped3A_106 = arith.constant 121 : i32
    "tpu.region"() ({
      %run_scoped3A_138 = tpu.sem_alloc : memref<!tpu.dma_semaphore, #tpu.memory_space<semaphore_mem>>
      %dma_start3A_139 = arith.constant 0 : i32
      %dma_start3A_140 = tpu.memref_slice %arg7[%run_scoped3A_106, %dma_start3A_139] : memref<125x80xi32, #tpu.memory_space<vmem>> -> memref<1x80xi32, #tpu.memory_space<vmem>>
      %dma_start3A_141 = tpu.memref_squeeze %dma_start3A_140 : memref<1x80xi32, #tpu.memory_space<vmem>> -> memref<80xi32, #tpu.memory_space<vmem>>
      %dma_start3A_142 = arith.constant 0 : i32
      %dma_start3A_143 = arith.constant 0 : i32
      %dma_start3A_144 = tpu.memref_slice %arg14[%dma_start3A_142, %dma_start3A_143] : memref<10000x64xf32, #tpu.memory_space<vmem_shared>> -> memref<10000x64xf32, #tpu.memory_space<vmem_shared>>
      tpu.enqueue_indirect_dma source(%arg9 : memref<80x64xf32, #tpu.memory_space<vmem>>) target(%dma_start3A_144 : memref<10000x64xf32, #tpu.memory_space<vmem_shared>>) offsets(%dma_start3A_141 : memref<80xi32, #tpu.memory_space<vmem>>) semaphore(%run_scoped3A_138 : memref<!tpu.dma_semaphore, #tpu.memory_space<semaphore_mem>>) {add = true}
      %dma_wait3A_145 = arith.constant 0 : i32
      %dma_wait3A_146 = tpu.memref_slice %arg7[%run_scoped3A_106, %dma_wait3A_145] : memref<125x80xi32, #tpu.memory_space<vmem>> -> memref<1x80xi32, #tpu.memory_space<vmem>>
      %dma_wait3A_147 = tpu.memref_squeeze %dma_wait3A_146 : memref<1x80xi32, #tpu.memory_space<vmem>> -> memref<80xi32, #tpu.memory_space<vmem>>
      %dma_wait3A_148 = arith.constant 0 : i32
      %dma_wait3A_149 = arith.constant 0 : i32
      %dma_wait3A_150 = tpu.memref_slice %arg14[%dma_wait3A_148, %dma_wait3A_149] : memref<10000x64xf32, #tpu.memory_space<vmem_shared>> -> memref<10000x64xf32, #tpu.memory_space<vmem_shared>>
      tpu.wait_indirect_dma semaphore(%run_scoped3A_138 : memref<!tpu.dma_semaphore, #tpu.memory_space<semaphore_mem>>) src(%arg9 : memref<80x64xf32, #tpu.memory_space<vmem>>) dst(%dma_wait3A_150 : memref<10000x64xf32, #tpu.memory_space<vmem_shared>>)
      tpu.yield
    }) : () -> ()
    %dma_wait3A_107 = arith.constant 122 : i32
    %dma_wait3A_108 = arith.constant 0 : i32
    %dma_wait3A_109 = tpu.memref_slice %arg6[%dma_wait3A_107, %dma_wait3A_108] : memref<125x80xi32, #tpu.memory_space<vmem>> -> memref<1x80xi32, #tpu.memory_space<vmem>>
    %dma_wait3A_110 = tpu.memref_squeeze %dma_wait3A_109 : memref<1x80xi32, #tpu.memory_space<vmem>> -> memref<80xi32, #tpu.memory_space<vmem>>
    %dma_wait3A_111 = arith.constant 0 : i32
    %dma_wait3A_112 = arith.constant 0 : i32
    %dma_wait3A_113 = tpu.memref_slice %arg2[%dma_wait3A_111, %dma_wait3A_112] : memref<10000x64xf32, #tpu.memory_space<hbm>> -> memref<10000x64xf32, #tpu.memory_space<hbm>>
    tpu.wait_indirect_dma semaphore(%arg17 : memref<!tpu.dma_semaphore, #tpu.memory_space<semaphore_mem>>) src(%dma_wait3A_113 : memref<10000x64xf32, #tpu.memory_space<hbm>>) dst(%arg10 : memref<80x64xf32, #tpu.memory_space<vmem>>)
    %run_scoped3A_114 = arith.constant 122 : i32
    "tpu.region"() ({
      %run_scoped3A_138 = tpu.sem_alloc : memref<!tpu.dma_semaphore, #tpu.memory_space<semaphore_mem>>
      %dma_start3A_139 = arith.constant 0 : i32
      %dma_start3A_140 = tpu.memref_slice %arg7[%run_scoped3A_114, %dma_start3A_139] : memref<125x80xi32, #tpu.memory_space<vmem>> -> memref<1x80xi32, #tpu.memory_space<vmem>>
      %dma_start3A_141 = tpu.memref_squeeze %dma_start3A_140 : memref<1x80xi32, #tpu.memory_space<vmem>> -> memref<80xi32, #tpu.memory_space<vmem>>
      %dma_start3A_142 = arith.constant 0 : i32
      %dma_start3A_143 = arith.constant 0 : i32
      %dma_start3A_144 = tpu.memref_slice %arg14[%dma_start3A_142, %dma_start3A_143] : memref<10000x64xf32, #tpu.memory_space<vmem_shared>> -> memref<10000x64xf32, #tpu.memory_space<vmem_shared>>
      tpu.enqueue_indirect_dma source(%arg10 : memref<80x64xf32, #tpu.memory_space<vmem>>) target(%dma_start3A_144 : memref<10000x64xf32, #tpu.memory_space<vmem_shared>>) offsets(%dma_start3A_141 : memref<80xi32, #tpu.memory_space<vmem>>) semaphore(%run_scoped3A_138 : memref<!tpu.dma_semaphore, #tpu.memory_space<semaphore_mem>>) {add = true}
      %dma_wait3A_145 = arith.constant 0 : i32
      %dma_wait3A_146 = tpu.memref_slice %arg7[%run_scoped3A_114, %dma_wait3A_145] : memref<125x80xi32, #tpu.memory_space<vmem>> -> memref<1x80xi32, #tpu.memory_space<vmem>>
      %dma_wait3A_147 = tpu.memref_squeeze %dma_wait3A_146 : memref<1x80xi32, #tpu.memory_space<vmem>> -> memref<80xi32, #tpu.memory_space<vmem>>
      %dma_wait3A_148 = arith.constant 0 : i32
      %dma_wait3A_149 = arith.constant 0 : i32
      %dma_wait3A_150 = tpu.memref_slice %arg14[%dma_wait3A_148, %dma_wait3A_149] : memref<10000x64xf32, #tpu.memory_space<vmem_shared>> -> memref<10000x64xf32, #tpu.memory_space<vmem_shared>>
      tpu.wait_indirect_dma semaphore(%run_scoped3A_138 : memref<!tpu.dma_semaphore, #tpu.memory_space<semaphore_mem>>) src(%arg10 : memref<80x64xf32, #tpu.memory_space<vmem>>) dst(%dma_wait3A_150 : memref<10000x64xf32, #tpu.memory_space<vmem_shared>>)
      tpu.yield
    }) : () -> ()
    %dma_wait3A_115 = arith.constant 123 : i32
    %dma_wait3A_116 = arith.constant 0 : i32
    %dma_wait3A_117 = tpu.memref_slice %arg6[%dma_wait3A_115, %dma_wait3A_116] : memref<125x80xi32, #tpu.memory_space<vmem>> -> memref<1x80xi32, #tpu.memory_space<vmem>>
    %dma_wait3A_118 = tpu.memref_squeeze %dma_wait3A_117 : memref<1x80xi32, #tpu.memory_space<vmem>> -> memref<80xi32, #tpu.memory_space<vmem>>
    %dma_wait3A_119 = arith.constant 0 : i32
    %dma_wait3A_120 = arith.constant 0 : i32
    %dma_wait3A_121 = tpu.memref_slice %arg2[%dma_wait3A_119, %dma_wait3A_120] : memref<10000x64xf32, #tpu.memory_space<hbm>> -> memref<10000x64xf32, #tpu.memory_space<hbm>>
    tpu.wait_indirect_dma semaphore(%arg18 : memref<!tpu.dma_semaphore, #tpu.memory_space<semaphore_mem>>) src(%dma_wait3A_121 : memref<10000x64xf32, #tpu.memory_space<hbm>>) dst(%arg11 : memref<80x64xf32, #tpu.memory_space<vmem>>)
    %run_scoped3A_122 = arith.constant 123 : i32
    "tpu.region"() ({
      %run_scoped3A_138 = tpu.sem_alloc : memref<!tpu.dma_semaphore, #tpu.memory_space<semaphore_mem>>
      %dma_start3A_139 = arith.constant 0 : i32
      %dma_start3A_140 = tpu.memref_slice %arg7[%run_scoped3A_122, %dma_start3A_139] : memref<125x80xi32, #tpu.memory_space<vmem>> -> memref<1x80xi32, #tpu.memory_space<vmem>>
      %dma_start3A_141 = tpu.memref_squeeze %dma_start3A_140 : memref<1x80xi32, #tpu.memory_space<vmem>> -> memref<80xi32, #tpu.memory_space<vmem>>
      %dma_start3A_142 = arith.constant 0 : i32
      %dma_start3A_143 = arith.constant 0 : i32
      %dma_start3A_144 = tpu.memref_slice %arg14[%dma_start3A_142, %dma_start3A_143] : memref<10000x64xf32, #tpu.memory_space<vmem_shared>> -> memref<10000x64xf32, #tpu.memory_space<vmem_shared>>
      tpu.enqueue_indirect_dma source(%arg11 : memref<80x64xf32, #tpu.memory_space<vmem>>) target(%dma_start3A_144 : memref<10000x64xf32, #tpu.memory_space<vmem_shared>>) offsets(%dma_start3A_141 : memref<80xi32, #tpu.memory_space<vmem>>) semaphore(%run_scoped3A_138 : memref<!tpu.dma_semaphore, #tpu.memory_space<semaphore_mem>>) {add = true}
      %dma_wait3A_145 = arith.constant 0 : i32
      %dma_wait3A_146 = tpu.memref_slice %arg7[%run_scoped3A_122, %dma_wait3A_145] : memref<125x80xi32, #tpu.memory_space<vmem>> -> memref<1x80xi32, #tpu.memory_space<vmem>>
      %dma_wait3A_147 = tpu.memref_squeeze %dma_wait3A_146 : memref<1x80xi32, #tpu.memory_space<vmem>> -> memref<80xi32, #tpu.memory_space<vmem>>
      %dma_wait3A_148 = arith.constant 0 : i32
      %dma_wait3A_149 = arith.constant 0 : i32
      %dma_wait3A_150 = tpu.memref_slice %arg14[%dma_wait3A_148, %dma_wait3A_149] : memref<10000x64xf32, #tpu.memory_space<vmem_shared>> -> memref<10000x64xf32, #tpu.memory_space<vmem_shared>>
      tpu.wait_indirect_dma semaphore(%run_scoped3A_138 : memref<!tpu.dma_semaphore, #tpu.memory_space<semaphore_mem>>) src(%arg11 : memref<80x64xf32, #tpu.memory_space<vmem>>) dst(%dma_wait3A_150 : memref<10000x64xf32, #tpu.memory_space<vmem_shared>>)
      tpu.yield
    }) : () -> ()
    %dma_wait3A_123 = arith.constant 124 : i32
    %dma_wait3A_124 = arith.constant 0 : i32
    %dma_wait3A_125 = tpu.memref_slice %arg6[%dma_wait3A_123, %dma_wait3A_124] : memref<125x80xi32, #tpu.memory_space<vmem>> -> memref<1x80xi32, #tpu.memory_space<vmem>>
    %dma_wait3A_126 = tpu.memref_squeeze %dma_wait3A_125 : memref<1x80xi32, #tpu.memory_space<vmem>> -> memref<80xi32, #tpu.memory_space<vmem>>
    %dma_wait3A_127 = arith.constant 0 : i32
    %dma_wait3A_128 = arith.constant 0 : i32
    %dma_wait3A_129 = tpu.memref_slice %arg2[%dma_wait3A_127, %dma_wait3A_128] : memref<10000x64xf32, #tpu.memory_space<hbm>> -> memref<10000x64xf32, #tpu.memory_space<hbm>>
    tpu.wait_indirect_dma semaphore(%arg19 : memref<!tpu.dma_semaphore, #tpu.memory_space<semaphore_mem>>) src(%dma_wait3A_129 : memref<10000x64xf32, #tpu.memory_space<hbm>>) dst(%arg12 : memref<80x64xf32, #tpu.memory_space<vmem>>)
    %run_scoped3A_130 = arith.constant 124 : i32
    "tpu.region"() ({
      %run_scoped3A_138 = tpu.sem_alloc : memref<!tpu.dma_semaphore, #tpu.memory_space<semaphore_mem>>
      %dma_start3A_139 = arith.constant 0 : i32
      %dma_start3A_140 = tpu.memref_slice %arg7[%run_scoped3A_130, %dma_start3A_139] : memref<125x80xi32, #tpu.memory_space<vmem>> -> memref<1x80xi32, #tpu.memory_space<vmem>>
      %dma_start3A_141 = tpu.memref_squeeze %dma_start3A_140 : memref<1x80xi32, #tpu.memory_space<vmem>> -> memref<80xi32, #tpu.memory_space<vmem>>
      %dma_start3A_142 = arith.constant 0 : i32
      %dma_start3A_143 = arith.constant 0 : i32
      %dma_start3A_144 = tpu.memref_slice %arg14[%dma_start3A_142, %dma_start3A_143] : memref<10000x64xf32, #tpu.memory_space<vmem_shared>> -> memref<10000x64xf32, #tpu.memory_space<vmem_shared>>
      tpu.enqueue_indirect_dma source(%arg12 : memref<80x64xf32, #tpu.memory_space<vmem>>) target(%dma_start3A_144 : memref<10000x64xf32, #tpu.memory_space<vmem_shared>>) offsets(%dma_start3A_141 : memref<80xi32, #tpu.memory_space<vmem>>) semaphore(%run_scoped3A_138 : memref<!tpu.dma_semaphore, #tpu.memory_space<semaphore_mem>>) {add = true}
      %dma_wait3A_145 = arith.constant 0 : i32
      %dma_wait3A_146 = tpu.memref_slice %arg7[%run_scoped3A_130, %dma_wait3A_145] : memref<125x80xi32, #tpu.memory_space<vmem>> -> memref<1x80xi32, #tpu.memory_space<vmem>>
      %dma_wait3A_147 = tpu.memref_squeeze %dma_wait3A_146 : memref<1x80xi32, #tpu.memory_space<vmem>> -> memref<80xi32, #tpu.memory_space<vmem>>
      %dma_wait3A_148 = arith.constant 0 : i32
      %dma_wait3A_149 = arith.constant 0 : i32
      %dma_wait3A_150 = tpu.memref_slice %arg14[%dma_wait3A_148, %dma_wait3A_149] : memref<10000x64xf32, #tpu.memory_space<vmem_shared>> -> memref<10000x64xf32, #tpu.memory_space<vmem_shared>>
      tpu.wait_indirect_dma semaphore(%run_scoped3A_138 : memref<!tpu.dma_semaphore, #tpu.memory_space<semaphore_mem>>) src(%arg12 : memref<80x64xf32, #tpu.memory_space<vmem>>) dst(%dma_wait3A_150 : memref<10000x64xf32, #tpu.memory_space<vmem_shared>>)
      tpu.yield
    }) : () -> ()
    %barrier3A_131 = arith.constant 0 : index
    tpu.barrier barrier_id(%barrier3A_131)
    %mul3A_132 = arith.constant 624 : i32
    %mul3A_133 = arith.muli %arg1, %mul3A_132 : i32
    %mul3A_134 = arith.constant 624 : i32
    %mul3A_135 = arith.muli %arg1, %mul3A_134 : i32
    "tpu.region"() ({
      %run_scoped3A_138 = tpu.sem_alloc : memref<!tpu.dma_semaphore, #tpu.memory_space<semaphore_mem>>
      %dma_start3A_139 = arith.constant 0 : i32
      %dma_start3A_140 = tpu.memref_slice %arg5[%arg0, %mul3A_135, %dma_start3A_139] : memref<2x10000x64xf32, #tpu.memory_space<hbm>> -> memref<1x624x64xf32, #tpu.memory_space<hbm>>
      %dma_start3A_141 = tpu.memref_squeeze %dma_start3A_140 : memref<1x624x64xf32, #tpu.memory_space<hbm>> -> memref<624x64xf32, #tpu.memory_space<hbm>>
      %dma_start3A_142 = arith.constant 0 : i32
      %dma_start3A_143 = tpu.memref_slice %arg14[%mul3A_133, %dma_start3A_142] : memref<10000x64xf32, #tpu.memory_space<vmem_shared>> -> memref<624x64xf32, #tpu.memory_space<vmem_shared>>
      tpu.enqueue_dma source(%dma_start3A_143 : memref<624x64xf32, #tpu.memory_space<vmem_shared>>) target(%dma_start3A_141 : memref<624x64xf32, #tpu.memory_space<hbm>>) target_semaphore(%run_scoped3A_138 : memref<!tpu.dma_semaphore, #tpu.memory_space<semaphore_mem>>)
      %dma_wait3A_144 = arith.constant 0 : i32
      %dma_wait3A_145 = tpu.memref_slice %arg5[%arg0, %mul3A_135, %dma_wait3A_144] : memref<2x10000x64xf32, #tpu.memory_space<hbm>> -> memref<1x624x64xf32, #tpu.memory_space<hbm>>
      %dma_wait3A_146 = tpu.memref_squeeze %dma_wait3A_145 : memref<1x624x64xf32, #tpu.memory_space<hbm>> -> memref<624x64xf32, #tpu.memory_space<hbm>>
      %dma_wait3A_147 = arith.constant 0 : i32
      %dma_wait3A_148 = tpu.memref_slice %arg14[%mul3A_133, %dma_wait3A_147] : memref<10000x64xf32, #tpu.memory_space<vmem_shared>> -> memref<624x64xf32, #tpu.memory_space<vmem_shared>>
      tpu.wait_dma2 semaphore(%run_scoped3A_138 : memref<!tpu.dma_semaphore, #tpu.memory_space<semaphore_mem>>) src(%dma_wait3A_148 : memref<624x64xf32, #tpu.memory_space<vmem_shared>>) dst(%dma_wait3A_146 : memref<624x64xf32, #tpu.memory_space<hbm>>)
      tpu.yield
    }) : () -> ()
    %eq3A = arith.constant 15 : i32
    %eq3A_136 = arith.cmpi eq, %arg1, %eq3A : i32
    %convert_element_type3A = arith.extui %eq3A_136 : i1 to i32
    %cond3A = arith.constant 0 : i32
    %cond3A_137 = arith.cmpi ne, %convert_element_type3A, %cond3A : i32
    scf.if %cond3A_137 {
      "tpu.region"() ({
        %run_scoped3A_138 = tpu.sem_alloc : memref<!tpu.dma_semaphore, #tpu.memory_space<semaphore_mem>>
        %dma_start3A_139 = arith.constant 9984 : i32
        %dma_start3A_140 = arith.constant 0 : i32
        %dma_start3A_141 = tpu.memref_slice %arg5[%arg0, %dma_start3A_139, %dma_start3A_140] : memref<2x10000x64xf32, #tpu.memory_space<hbm>> -> memref<1x16x64xf32, #tpu.memory_space<hbm>>
        %dma_start3A_142 = tpu.memref_squeeze %dma_start3A_141 : memref<1x16x64xf32, #tpu.memory_space<hbm>> -> memref<16x64xf32, #tpu.memory_space<hbm>>
        %dma_start3A_143 = arith.constant 9984 : i32
        %dma_start3A_144 = arith.constant 0 : i32
        %dma_start3A_145 = tpu.memref_slice %arg14[%dma_start3A_143, %dma_start3A_144] : memref<10000x64xf32, #tpu.memory_space<vmem_shared>> -> memref<16x64xf32, #tpu.memory_space<vmem_shared>>
        tpu.enqueue_dma source(%dma_start3A_145 : memref<16x64xf32, #tpu.memory_space<vmem_shared>>) target(%dma_start3A_142 : memref<16x64xf32, #tpu.memory_space<hbm>>) target_semaphore(%run_scoped3A_138 : memref<!tpu.dma_semaphore, #tpu.memory_space<semaphore_mem>>)
        %dma_wait3A_146 = arith.constant 9984 : i32
        %dma_wait3A_147 = arith.constant 0 : i32
        %dma_wait3A_148 = tpu.memref_slice %arg5[%arg0, %dma_wait3A_146, %dma_wait3A_147] : memref<2x10000x64xf32, #tpu.memory_space<hbm>> -> memref<1x16x64xf32, #tpu.memory_space<hbm>>
        %dma_wait3A_149 = tpu.memref_squeeze %dma_wait3A_148 : memref<1x16x64xf32, #tpu.memory_space<hbm>> -> memref<16x64xf32, #tpu.memory_space<hbm>>
        %dma_wait3A_150 = arith.constant 9984 : i32
        %dma_wait3A_151 = arith.constant 0 : i32
        %dma_wait3A_152 = tpu.memref_slice %arg14[%dma_wait3A_150, %dma_wait3A_151] : memref<10000x64xf32, #tpu.memory_space<vmem_shared>> -> memref<16x64xf32, #tpu.memory_space<vmem_shared>>
        tpu.wait_dma2 semaphore(%run_scoped3A_138 : memref<!tpu.dma_semaphore, #tpu.memory_space<semaphore_mem>>) src(%dma_wait3A_152 : memref<16x64xf32, #tpu.memory_space<vmem_shared>>) dst(%dma_wait3A_149 : memref<16x64xf32, #tpu.memory_space<hbm>>)
        tpu.yield
      }) : () -> ()
    } else {
    }
    return
  }
}

#map = affine_map<(d0, d1) -> (0, 0, 0, 0)>
#map1 = affine_map<(d0, d1) -> (0, 0, 0)>
module attributes {stable_mosaic.version = 14 : i64} {
  func.func @_deg_body(%arg0: i32, %arg1: i32, %arg2: memref<2x16x125x80xi32, #tpu.memory_space<hbm>>, %arg3: memref<2x10000x16xf32, #tpu.memory_space<hbm>>, %arg4: memref<125x80xi32, #tpu.memory_space<vmem>>, %arg5: memref<80x16xf32, #tpu.memory_space<vmem>>, %arg6: memref<125x16xf32, #tpu.memory_space<vmem>>, %arg7: memref<10000x16xf32, #tpu.memory_space<vmem_shared>>, %arg8: memref<!tpu.dma_semaphore, #tpu.memory_space<semaphore_mem>>, %arg9: memref<!tpu.dma_semaphore, #tpu.memory_space<semaphore_mem>>) attributes {dimension_semantics = [#tpu.dimension_semantics<core_parallel>, #tpu.dimension_semantics<subcore_parallel>], iteration_bounds = array<i64: 2, 16>, scalar_prefetch = 0 : i64, scratch_operands = 6 : i64, tpu.core_type = #tpu.core_type<sc_vector_subcore>, window_params = [{transform_indices = #map}, {transform_indices = #map1}]} {
    %dma_start3A = arith.constant 0 : i32
    %dma_start3A_0 = arith.constant 0 : i32
    %dma_start3A_1 = tpu.memref_slice %arg2[%arg0, %arg1, %dma_start3A, %dma_start3A_0] : memref<2x16x125x80xi32, #tpu.memory_space<hbm>> -> memref<1x1x125x80xi32, #tpu.memory_space<hbm>>
    %dma_start3A_2 = tpu.memref_squeeze %dma_start3A_1 : memref<1x1x125x80xi32, #tpu.memory_space<hbm>> -> memref<125x80xi32, #tpu.memory_space<hbm>>
    %dma_start3A_3 = arith.constant 0 : i32
    %dma_start3A_4 = arith.constant 0 : i32
    %dma_start3A_5 = tpu.memref_slice %arg2[%arg0, %arg1, %dma_start3A_3, %dma_start3A_4] : memref<2x16x125x80xi32, #tpu.memory_space<hbm>> -> memref<1x1x125x80xi32, #tpu.memory_space<hbm>>
    %dma_start3A_6 = tpu.memref_squeeze %dma_start3A_5 : memref<1x1x125x80xi32, #tpu.memory_space<hbm>> -> memref<125x80xi32, #tpu.memory_space<hbm>>
    tpu.enqueue_dma source(%dma_start3A_6 : memref<125x80xi32, #tpu.memory_space<hbm>>) target(%arg4 : memref<125x80xi32, #tpu.memory_space<vmem>>) target_semaphore(%arg9 : memref<!tpu.dma_semaphore, #tpu.memory_space<semaphore_mem>>)
    %scan3A = arith.constant 0 : i32
    %scan3A_7 = arith.constant 125 : i32
    %scan3A_8 = arith.addi %scan3A, %scan3A_7 : i32
    %scan3A_9 = arith.constant 1 : i32
    scf.for %scan3A_123 = %scan3A to %scan3A_8 step %scan3A_9  : i32 {
      %broadcast_in_dim3A = arith.constant 0.000000e+00 : f32
      %broadcast_in_dim3A_124 = vector.broadcast %broadcast_in_dim3A : f32 to vector<16xf32>
      %swap3A = arith.index_cast %scan3A_123 : i32 to index
      %swap3A_125 = arith.constant 0 : index
      %swap3A_126 = tpu.vector_load %arg6[%swap3A, %swap3A_125] {strides = array<i32>} : memref<125x16xf32, #tpu.memory_space<vmem>>, vector<1x16xf32>,
      %swap3A_127 = vector.shape_cast %swap3A_126 : vector<1x16xf32> to vector<16xf32>
      %swap3A_128 = vector.shape_cast %broadcast_in_dim3A_124 : vector<16xf32> to vector<1x16xf32>
      tpu.vector_store %arg6[%swap3A, %swap3A_125], %swap3A_128 {strides = array<i32>} : memref<125x16xf32, #tpu.memory_space<vmem>>, vector<1x16xf32>,
    }
    %scan3A_10 = arith.constant 125 : i32
    %scan3A_11 = arith.constant 0 : i32
    %scan3A_12 = arith.constant 80 : i32
    %scan3A_13 = arith.addi %scan3A_11, %scan3A_12 : i32
    %scan3A_14 = arith.constant 1 : i32
    scf.for %scan3A_123 = %scan3A_11 to %scan3A_13 step %scan3A_14  : i32 {
      %broadcast_in_dim3A = arith.constant 1.000000e+00 : f32
      %broadcast_in_dim3A_124 = vector.broadcast %broadcast_in_dim3A : f32 to vector<16xf32>
      %swap3A = arith.index_cast %scan3A_123 : i32 to index
      %swap3A_125 = arith.constant 0 : index
      %swap3A_126 = tpu.vector_load %arg5[%swap3A, %swap3A_125] {strides = array<i32>} : memref<80x16xf32, #tpu.memory_space<vmem>>, vector<1x16xf32>,
      %swap3A_127 = vector.shape_cast %swap3A_126 : vector<1x16xf32> to vector<16xf32>
      %swap3A_128 = vector.shape_cast %broadcast_in_dim3A_124 : vector<16xf32> to vector<1x16xf32>
      tpu.vector_store %arg5[%swap3A, %swap3A_125], %swap3A_128 {strides = array<i32>} : memref<80x16xf32, #tpu.memory_space<vmem>>, vector<1x16xf32>,
    }
    %scan3A_15 = arith.constant 80 : i32
    %mul3A = arith.constant 625 : i32
    %mul3A_16 = arith.muli %arg1, %mul3A : i32
    %add3A = arith.constant 0 : i32
    %add3A_17 = arith.addi %mul3A_16, %add3A : i32
    "tpu.region"() ({
      %run_scoped3A = tpu.sem_alloc : memref<!tpu.dma_semaphore, #tpu.memory_space<semaphore_mem>>
      %dma_start3A_123 = arith.constant 0 : i32
      %dma_start3A_124 = tpu.memref_slice %arg7[%add3A_17, %dma_start3A_123] : memref<10000x16xf32, #tpu.memory_space<vmem_shared>> -> memref<125x16xf32, #tpu.memory_space<vmem_shared>>
      %dma_start3A_125 = arith.constant 0 : i32
      %dma_start3A_126 = tpu.memref_slice %arg7[%add3A_17, %dma_start3A_125] : memref<10000x16xf32, #tpu.memory_space<vmem_shared>> -> memref<125x16xf32, #tpu.memory_space<vmem_shared>>
      tpu.enqueue_dma source(%arg6 : memref<125x16xf32, #tpu.memory_space<vmem>>) target(%dma_start3A_126 : memref<125x16xf32, #tpu.memory_space<vmem_shared>>) target_semaphore(%run_scoped3A : memref<!tpu.dma_semaphore, #tpu.memory_space<semaphore_mem>>)
      %dma_wait3A_127 = arith.constant 0 : i32
      %dma_wait3A_128 = tpu.memref_slice %arg7[%add3A_17, %dma_wait3A_127] : memref<10000x16xf32, #tpu.memory_space<vmem_shared>> -> memref<125x16xf32, #tpu.memory_space<vmem_shared>>
      %dma_wait3A_129 = arith.constant 0 : i32
      %dma_wait3A_130 = tpu.memref_slice %arg7[%add3A_17, %dma_wait3A_129] : memref<10000x16xf32, #tpu.memory_space<vmem_shared>> -> memref<125x16xf32, #tpu.memory_space<vmem_shared>>
      tpu.wait_dma2 semaphore(%run_scoped3A : memref<!tpu.dma_semaphore, #tpu.memory_space<semaphore_mem>>) src(%arg6 : memref<125x16xf32, #tpu.memory_space<vmem>>) dst(%dma_wait3A_130 : memref<125x16xf32, #tpu.memory_space<vmem_shared>>)
      tpu.yield
    }) : () -> ()
    %mul3A_18 = arith.constant 625 : i32
    %mul3A_19 = arith.muli %arg1, %mul3A_18 : i32
    %add3A_20 = arith.constant 125 : i32
    %add3A_21 = arith.addi %mul3A_19, %add3A_20 : i32
    "tpu.region"() ({
      %run_scoped3A = tpu.sem_alloc : memref<!tpu.dma_semaphore, #tpu.memory_space<semaphore_mem>>
      %dma_start3A_123 = arith.constant 0 : i32
      %dma_start3A_124 = tpu.memref_slice %arg7[%add3A_21, %dma_start3A_123] : memref<10000x16xf32, #tpu.memory_space<vmem_shared>> -> memref<125x16xf32, #tpu.memory_space<vmem_shared>>
      %dma_start3A_125 = arith.constant 0 : i32
      %dma_start3A_126 = tpu.memref_slice %arg7[%add3A_21, %dma_start3A_125] : memref<10000x16xf32, #tpu.memory_space<vmem_shared>> -> memref<125x16xf32, #tpu.memory_space<vmem_shared>>
      tpu.enqueue_dma source(%arg6 : memref<125x16xf32, #tpu.memory_space<vmem>>) target(%dma_start3A_126 : memref<125x16xf32, #tpu.memory_space<vmem_shared>>) target_semaphore(%run_scoped3A : memref<!tpu.dma_semaphore, #tpu.memory_space<semaphore_mem>>)
      %dma_wait3A_127 = arith.constant 0 : i32
      %dma_wait3A_128 = tpu.memref_slice %arg7[%add3A_21, %dma_wait3A_127] : memref<10000x16xf32, #tpu.memory_space<vmem_shared>> -> memref<125x16xf32, #tpu.memory_space<vmem_shared>>
      %dma_wait3A_129 = arith.constant 0 : i32
      %dma_wait3A_130 = tpu.memref_slice %arg7[%add3A_21, %dma_wait3A_129] : memref<10000x16xf32, #tpu.memory_space<vmem_shared>> -> memref<125x16xf32, #tpu.memory_space<vmem_shared>>
      tpu.wait_dma2 semaphore(%run_scoped3A : memref<!tpu.dma_semaphore, #tpu.memory_space<semaphore_mem>>) src(%arg6 : memref<125x16xf32, #tpu.memory_space<vmem>>) dst(%dma_wait3A_130 : memref<125x16xf32, #tpu.memory_space<vmem_shared>>)
      tpu.yield
    }) : () -> ()
    %mul3A_22 = arith.constant 625 : i32
    %mul3A_23 = arith.muli %arg1, %mul3A_22 : i32
    %add3A_24 = arith.constant 250 : i32
    %add3A_25 = arith.addi %mul3A_23, %add3A_24 : i32
    "tpu.region"() ({
      %run_scoped3A = tpu.sem_alloc : memref<!tpu.dma_semaphore, #tpu.memory_space<semaphore_mem>>
      %dma_start3A_123 = arith.constant 0 : i32
      %dma_start3A_124 = tpu.memref_slice %arg7[%add3A_25, %dma_start3A_123] : memref<10000x16xf32, #tpu.memory_space<vmem_shared>> -> memref<125x16xf32, #tpu.memory_space<vmem_shared>>
      %dma_start3A_125 = arith.constant 0 : i32
      %dma_start3A_126 = tpu.memref_slice %arg7[%add3A_25, %dma_start3A_125] : memref<10000x16xf32, #tpu.memory_space<vmem_shared>> -> memref<125x16xf32, #tpu.memory_space<vmem_shared>>
      tpu.enqueue_dma source(%arg6 : memref<125x16xf32, #tpu.memory_space<vmem>>) target(%dma_start3A_126 : memref<125x16xf32, #tpu.memory_space<vmem_shared>>) target_semaphore(%run_scoped3A : memref<!tpu.dma_semaphore, #tpu.memory_space<semaphore_mem>>)
      %dma_wait3A_127 = arith.constant 0 : i32
      %dma_wait3A_128 = tpu.memref_slice %arg7[%add3A_25, %dma_wait3A_127] : memref<10000x16xf32, #tpu.memory_space<vmem_shared>> -> memref<125x16xf32, #tpu.memory_space<vmem_shared>>
      %dma_wait3A_129 = arith.constant 0 : i32
      %dma_wait3A_130 = tpu.memref_slice %arg7[%add3A_25, %dma_wait3A_129] : memref<10000x16xf32, #tpu.memory_space<vmem_shared>> -> memref<125x16xf32, #tpu.memory_space<vmem_shared>>
      tpu.wait_dma2 semaphore(%run_scoped3A : memref<!tpu.dma_semaphore, #tpu.memory_space<semaphore_mem>>) src(%arg6 : memref<125x16xf32, #tpu.memory_space<vmem>>) dst(%dma_wait3A_130 : memref<125x16xf32, #tpu.memory_space<vmem_shared>>)
      tpu.yield
    }) : () -> ()
    %mul3A_26 = arith.constant 625 : i32
    %mul3A_27 = arith.muli %arg1, %mul3A_26 : i32
    %add3A_28 = arith.constant 375 : i32
    %add3A_29 = arith.addi %mul3A_27, %add3A_28 : i32
    "tpu.region"() ({
      %run_scoped3A = tpu.sem_alloc : memref<!tpu.dma_semaphore, #tpu.memory_space<semaphore_mem>>
      %dma_start3A_123 = arith.constant 0 : i32
      %dma_start3A_124 = tpu.memref_slice %arg7[%add3A_29, %dma_start3A_123] : memref<10000x16xf32, #tpu.memory_space<vmem_shared>> -> memref<125x16xf32, #tpu.memory_space<vmem_shared>>
      %dma_start3A_125 = arith.constant 0 : i32
      %dma_start3A_126 = tpu.memref_slice %arg7[%add3A_29, %dma_start3A_125] : memref<10000x16xf32, #tpu.memory_space<vmem_shared>> -> memref<125x16xf32, #tpu.memory_space<vmem_shared>>
      tpu.enqueue_dma source(%arg6 : memref<125x16xf32, #tpu.memory_space<vmem>>) target(%dma_start3A_126 : memref<125x16xf32, #tpu.memory_space<vmem_shared>>) target_semaphore(%run_scoped3A : memref<!tpu.dma_semaphore, #tpu.memory_space<semaphore_mem>>)
      %dma_wait3A_127 = arith.constant 0 : i32
      %dma_wait3A_128 = tpu.memref_slice %arg7[%add3A_29, %dma_wait3A_127] : memref<10000x16xf32, #tpu.memory_space<vmem_shared>> -> memref<125x16xf32, #tpu.memory_space<vmem_shared>>
      %dma_wait3A_129 = arith.constant 0 : i32
      %dma_wait3A_130 = tpu.memref_slice %arg7[%add3A_29, %dma_wait3A_129] : memref<10000x16xf32, #tpu.memory_space<vmem_shared>> -> memref<125x16xf32, #tpu.memory_space<vmem_shared>>
      tpu.wait_dma2 semaphore(%run_scoped3A : memref<!tpu.dma_semaphore, #tpu.memory_space<semaphore_mem>>) src(%arg6 : memref<125x16xf32, #tpu.memory_space<vmem>>) dst(%dma_wait3A_130 : memref<125x16xf32, #tpu.memory_space<vmem_shared>>)
      tpu.yield
    }) : () -> ()
    %mul3A_30 = arith.constant 625 : i32
    %mul3A_31 = arith.muli %arg1, %mul3A_30 : i32
    %add3A_32 = arith.constant 500 : i32
    %add3A_33 = arith.addi %mul3A_31, %add3A_32 : i32
    "tpu.region"() ({
      %run_scoped3A = tpu.sem_alloc : memref<!tpu.dma_semaphore, #tpu.memory_space<semaphore_mem>>
      %dma_start3A_123 = arith.constant 0 : i32
      %dma_start3A_124 = tpu.memref_slice %arg7[%add3A_33, %dma_start3A_123] : memref<10000x16xf32, #tpu.memory_space<vmem_shared>> -> memref<125x16xf32, #tpu.memory_space<vmem_shared>>
      %dma_start3A_125 = arith.constant 0 : i32
      %dma_start3A_126 = tpu.memref_slice %arg7[%add3A_33, %dma_start3A_125] : memref<10000x16xf32, #tpu.memory_space<vmem_shared>> -> memref<125x16xf32, #tpu.memory_space<vmem_shared>>
      tpu.enqueue_dma source(%arg6 : memref<125x16xf32, #tpu.memory_space<vmem>>) target(%dma_start3A_126 : memref<125x16xf32, #tpu.memory_space<vmem_shared>>) target_semaphore(%run_scoped3A : memref<!tpu.dma_semaphore, #tpu.memory_space<semaphore_mem>>)
      %dma_wait3A_127 = arith.constant 0 : i32
      %dma_wait3A_128 = tpu.memref_slice %arg7[%add3A_33, %dma_wait3A_127] : memref<10000x16xf32, #tpu.memory_space<vmem_shared>> -> memref<125x16xf32, #tpu.memory_space<vmem_shared>>
      %dma_wait3A_129 = arith.constant 0 : i32
      %dma_wait3A_130 = tpu.memref_slice %arg7[%add3A_33, %dma_wait3A_129] : memref<10000x16xf32, #tpu.memory_space<vmem_shared>> -> memref<125x16xf32, #tpu.memory_space<vmem_shared>>
      tpu.wait_dma2 semaphore(%run_scoped3A : memref<!tpu.dma_semaphore, #tpu.memory_space<semaphore_mem>>) src(%arg6 : memref<125x16xf32, #tpu.memory_space<vmem>>) dst(%dma_wait3A_130 : memref<125x16xf32, #tpu.memory_space<vmem_shared>>)
      tpu.yield
    }) : () -> ()
    %dma_wait3A = arith.constant 0 : i32
    %dma_wait3A_34 = arith.constant 0 : i32
    %dma_wait3A_35 = tpu.memref_slice %arg2[%arg0, %arg1, %dma_wait3A, %dma_wait3A_34] : memref<2x16x125x80xi32, #tpu.memory_space<hbm>> -> memref<1x1x125x80xi32, #tpu.memory_space<hbm>>
    %dma_wait3A_36 = tpu.memref_squeeze %dma_wait3A_35 : memref<1x1x125x80xi32, #tpu.memory_space<hbm>> -> memref<125x80xi32, #tpu.memory_space<hbm>>
    %dma_wait3A_37 = arith.constant 0 : i32
    %dma_wait3A_38 = arith.constant 0 : i32
    %dma_wait3A_39 = tpu.memref_slice %arg2[%arg0, %arg1, %dma_wait3A_37, %dma_wait3A_38] : memref<2x16x125x80xi32, #tpu.memory_space<hbm>> -> memref<1x1x125x80xi32, #tpu.memory_space<hbm>>
    %dma_wait3A_40 = tpu.memref_squeeze %dma_wait3A_39 : memref<1x1x125x80xi32, #tpu.memory_space<hbm>> -> memref<125x80xi32, #tpu.memory_space<hbm>>
    tpu.wait_dma2 semaphore(%arg9 : memref<!tpu.dma_semaphore, #tpu.memory_space<semaphore_mem>>) src(%dma_wait3A_40 : memref<125x80xi32, #tpu.memory_space<hbm>>) dst(%arg4 : memref<125x80xi32, #tpu.memory_space<vmem>>)
    %barrier3A = arith.constant 0 : index
    tpu.barrier barrier_id(%barrier3A)
    %dma_start3A_41 = arith.constant 0 : i32
    %dma_start3A_42 = arith.constant 0 : i32
    %dma_start3A_43 = tpu.memref_slice %arg4[%dma_start3A_41, %dma_start3A_42] : memref<125x80xi32, #tpu.memory_space<vmem>> -> memref<1x80xi32, #tpu.memory_space<vmem>>
    %dma_start3A_44 = tpu.memref_squeeze %dma_start3A_43 : memref<1x80xi32, #tpu.memory_space<vmem>> -> memref<80xi32, #tpu.memory_space<vmem>>
    %dma_start3A_45 = arith.constant 0 : i32
    %dma_start3A_46 = arith.constant 0 : i32
    %dma_start3A_47 = tpu.memref_slice %arg7[%dma_start3A_45, %dma_start3A_46] : memref<10000x16xf32, #tpu.memory_space<vmem_shared>> -> memref<10000x16xf32, #tpu.memory_space<vmem_shared>>
    tpu.enqueue_indirect_dma source(%arg5 : memref<80x16xf32, #tpu.memory_space<vmem>>) target(%dma_start3A_47 : memref<10000x16xf32, #tpu.memory_space<vmem_shared>>) offsets(%dma_start3A_44 : memref<80xi32, #tpu.memory_space<vmem>>) semaphore(%arg8 : memref<!tpu.dma_semaphore, #tpu.memory_space<semaphore_mem>>) {add = true}
    %dma_start3A_48 = arith.constant 1 : i32
    %dma_start3A_49 = arith.constant 0 : i32
    %dma_start3A_50 = tpu.memref_slice %arg4[%dma_start3A_48, %dma_start3A_49] : memref<125x80xi32, #tpu.memory_space<vmem>> -> memref<1x80xi32, #tpu.memory_space<vmem>>
    %dma_start3A_51 = tpu.memref_squeeze %dma_start3A_50 : memref<1x80xi32, #tpu.memory_space<vmem>> -> memref<80xi32, #tpu.memory_space<vmem>>
    %dma_start3A_52 = arith.constant 0 : i32
    %dma_start3A_53 = arith.constant 0 : i32
    %dma_start3A_54 = tpu.memref_slice %arg7[%dma_start3A_52, %dma_start3A_53] : memref<10000x16xf32, #tpu.memory_space<vmem_shared>> -> memref<10000x16xf32, #tpu.memory_space<vmem_shared>>
    tpu.enqueue_indirect_dma source(%arg5 : memref<80x16xf32, #tpu.memory_space<vmem>>) target(%dma_start3A_54 : memref<10000x16xf32, #tpu.memory_space<vmem_shared>>) offsets(%dma_start3A_51 : memref<80xi32, #tpu.memory_space<vmem>>) semaphore(%arg8 : memref<!tpu.dma_semaphore, #tpu.memory_space<semaphore_mem>>) {add = true}
    %dma_start3A_55 = arith.constant 2 : i32
    %dma_start3A_56 = arith.constant 0 : i32
    %dma_start3A_57 = tpu.memref_slice %arg4[%dma_start3A_55, %dma_start3A_56] : memref<125x80xi32, #tpu.memory_space<vmem>> -> memref<1x80xi32, #tpu.memory_space<vmem>>
    %dma_start3A_58 = tpu.memref_squeeze %dma_start3A_57 : memref<1x80xi32, #tpu.memory_space<vmem>> -> memref<80xi32, #tpu.memory_space<vmem>>
    %dma_start3A_59 = arith.constant 0 : i32
    %dma_start3A_60 = arith.constant 0 : i32
    %dma_start3A_61 = tpu.memref_slice %arg7[%dma_start3A_59, %dma_start3A_60] : memref<10000x16xf32, #tpu.memory_space<vmem_shared>> -> memref<10000x16xf32, #tpu.memory_space<vmem_shared>>
    tpu.enqueue_indirect_dma source(%arg5 : memref<80x16xf32, #tpu.memory_space<vmem>>) target(%dma_start3A_61 : memref<10000x16xf32, #tpu.memory_space<vmem_shared>>) offsets(%dma_start3A_58 : memref<80xi32, #tpu.memory_space<vmem>>) semaphore(%arg8 : memref<!tpu.dma_semaphore, #tpu.memory_space<semaphore_mem>>) {add = true}
    %dma_start3A_62 = arith.constant 3 : i32
    %dma_start3A_63 = arith.constant 0 : i32
    %dma_start3A_64 = tpu.memref_slice %arg4[%dma_start3A_62, %dma_start3A_63] : memref<125x80xi32, #tpu.memory_space<vmem>> -> memref<1x80xi32, #tpu.memory_space<vmem>>
    %dma_start3A_65 = tpu.memref_squeeze %dma_start3A_64 : memref<1x80xi32, #tpu.memory_space<vmem>> -> memref<80xi32, #tpu.memory_space<vmem>>
    %dma_start3A_66 = arith.constant 0 : i32
    %dma_start3A_67 = arith.constant 0 : i32
    %dma_start3A_68 = tpu.memref_slice %arg7[%dma_start3A_66, %dma_start3A_67] : memref<10000x16xf32, #tpu.memory_space<vmem_shared>> -> memref<10000x16xf32, #tpu.memory_space<vmem_shared>>
    tpu.enqueue_indirect_dma source(%arg5 : memref<80x16xf32, #tpu.memory_space<vmem>>) target(%dma_start3A_68 : memref<10000x16xf32, #tpu.memory_space<vmem_shared>>) offsets(%dma_start3A_65 : memref<80xi32, #tpu.memory_space<vmem>>) semaphore(%arg8 : memref<!tpu.dma_semaphore, #tpu.memory_space<semaphore_mem>>) {add = true}
    %dma_start3A_69 = arith.constant 4 : i32
    %dma_start3A_70 = arith.constant 0 : i32
    %dma_start3A_71 = tpu.memref_slice %arg4[%dma_start3A_69, %dma_start3A_70] : memref<125x80xi32, #tpu.memory_space<vmem>> -> memref<1x80xi32, #tpu.memory_space<vmem>>
    %dma_start3A_72 = tpu.memref_squeeze %dma_start3A_71 : memref<1x80xi32, #tpu.memory_space<vmem>> -> memref<80xi32, #tpu.memory_space<vmem>>
    %dma_start3A_73 = arith.constant 0 : i32
    %dma_start3A_74 = arith.constant 0 : i32
    %dma_start3A_75 = tpu.memref_slice %arg7[%dma_start3A_73, %dma_start3A_74] : memref<10000x16xf32, #tpu.memory_space<vmem_shared>> -> memref<10000x16xf32, #tpu.memory_space<vmem_shared>>
    tpu.enqueue_indirect_dma source(%arg5 : memref<80x16xf32, #tpu.memory_space<vmem>>) target(%dma_start3A_75 : memref<10000x16xf32, #tpu.memory_space<vmem_shared>>) offsets(%dma_start3A_72 : memref<80xi32, #tpu.memory_space<vmem>>) semaphore(%arg8 : memref<!tpu.dma_semaphore, #tpu.memory_space<semaphore_mem>>) {add = true}
    %scan3A_76 = arith.constant 1 : i32
    %scan3A_77 = arith.constant 24 : i32
    %scan3A_78 = arith.addi %scan3A_76, %scan3A_77 : i32
    %scan3A_79 = arith.constant 1 : i32
    scf.for %scan3A_123 = %scan3A_76 to %scan3A_78 step %scan3A_79  : i32 {
      %mul3A_124 = arith.constant 5 : i32
      %mul3A_125 = arith.muli %scan3A_123, %mul3A_124 : i32
      %add3A_126 = arith.constant 0 : i32
      %add3A_127 = arith.addi %mul3A_125, %add3A_126 : i32
      %dma_start3A_128 = arith.constant 0 : i32
      %dma_start3A_129 = tpu.memref_slice %arg4[%add3A_127, %dma_start3A_128] : memref<125x80xi32, #tpu.memory_space<vmem>> -> memref<1x80xi32, #tpu.memory_space<vmem>>
      %dma_start3A_130 = tpu.memref_squeeze %dma_start3A_129 : memref<1x80xi32, #tpu.memory_space<vmem>> -> memref<80xi32, #tpu.memory_space<vmem>>
      %dma_start3A_131 = arith.constant 0 : i32
      %dma_start3A_132 = arith.constant 0 : i32
      %dma_start3A_133 = tpu.memref_slice %arg7[%dma_start3A_131, %dma_start3A_132] : memref<10000x16xf32, #tpu.memory_space<vmem_shared>> -> memref<10000x16xf32, #tpu.memory_space<vmem_shared>>
      tpu.enqueue_indirect_dma source(%arg5 : memref<80x16xf32, #tpu.memory_space<vmem>>) target(%dma_start3A_133 : memref<10000x16xf32, #tpu.memory_space<vmem_shared>>) offsets(%dma_start3A_130 : memref<80xi32, #tpu.memory_space<vmem>>) semaphore(%arg8 : memref<!tpu.dma_semaphore, #tpu.memory_space<semaphore_mem>>) {add = true}
      %mul3A_134 = arith.constant 5 : i32
      %mul3A_135 = arith.muli %scan3A_123, %mul3A_134 : i32
      %add3A_136 = arith.constant 1 : i32
      %add3A_137 = arith.addi %mul3A_135, %add3A_136 : i32
      %dma_start3A_138 = arith.constant 0 : i32
      %dma_start3A_139 = tpu.memref_slice %arg4[%add3A_137, %dma_start3A_138] : memref<125x80xi32, #tpu.memory_space<vmem>> -> memref<1x80xi32, #tpu.memory_space<vmem>>
      %dma_start3A_140 = tpu.memref_squeeze %dma_start3A_139 : memref<1x80xi32, #tpu.memory_space<vmem>> -> memref<80xi32, #tpu.memory_space<vmem>>
      %dma_start3A_141 = arith.constant 0 : i32
      %dma_start3A_142 = arith.constant 0 : i32
      %dma_start3A_143 = tpu.memref_slice %arg7[%dma_start3A_141, %dma_start3A_142] : memref<10000x16xf32, #tpu.memory_space<vmem_shared>> -> memref<10000x16xf32, #tpu.memory_space<vmem_shared>>
      tpu.enqueue_indirect_dma source(%arg5 : memref<80x16xf32, #tpu.memory_space<vmem>>) target(%dma_start3A_143 : memref<10000x16xf32, #tpu.memory_space<vmem_shared>>) offsets(%dma_start3A_140 : memref<80xi32, #tpu.memory_space<vmem>>) semaphore(%arg8 : memref<!tpu.dma_semaphore, #tpu.memory_space<semaphore_mem>>) {add = true}
      %mul3A_144 = arith.constant 5 : i32
      %mul3A_145 = arith.muli %scan3A_123, %mul3A_144 : i32
      %add3A_146 = arith.constant 2 : i32
      %add3A_147 = arith.addi %mul3A_145, %add3A_146 : i32
      %dma_start3A_148 = arith.constant 0 : i32
      %dma_start3A_149 = tpu.memref_slice %arg4[%add3A_147, %dma_start3A_148] : memref<125x80xi32, #tpu.memory_space<vmem>> -> memref<1x80xi32, #tpu.memory_space<vmem>>
      %dma_start3A_150 = tpu.memref_squeeze %dma_start3A_149 : memref<1x80xi32, #tpu.memory_space<vmem>> -> memref<80xi32, #tpu.memory_space<vmem>>
      %dma_start3A_151 = arith.constant 0 : i32
      %dma_start3A_152 = arith.constant 0 : i32
      %dma_start3A_153 = tpu.memref_slice %arg7[%dma_start3A_151, %dma_start3A_152] : memref<10000x16xf32, #tpu.memory_space<vmem_shared>> -> memref<10000x16xf32, #tpu.memory_space<vmem_shared>>
      tpu.enqueue_indirect_dma source(%arg5 : memref<80x16xf32, #tpu.memory_space<vmem>>) target(%dma_start3A_153 : memref<10000x16xf32, #tpu.memory_space<vmem_shared>>) offsets(%dma_start3A_150 : memref<80xi32, #tpu.memory_space<vmem>>) semaphore(%arg8 : memref<!tpu.dma_semaphore, #tpu.memory_space<semaphore_mem>>) {add = true}
      %mul3A_154 = arith.constant 5 : i32
      %mul3A_155 = arith.muli %scan3A_123, %mul3A_154 : i32
      %add3A_156 = arith.constant 3 : i32
      %add3A_157 = arith.addi %mul3A_155, %add3A_156 : i32
      %dma_start3A_158 = arith.constant 0 : i32
      %dma_start3A_159 = tpu.memref_slice %arg4[%add3A_157, %dma_start3A_158] : memref<125x80xi32, #tpu.memory_space<vmem>> -> memref<1x80xi32, #tpu.memory_space<vmem>>
      %dma_start3A_160 = tpu.memref_squeeze %dma_start3A_159 : memref<1x80xi32, #tpu.memory_space<vmem>> -> memref<80xi32, #tpu.memory_space<vmem>>
      %dma_start3A_161 = arith.constant 0 : i32
      %dma_start3A_162 = arith.constant 0 : i32
      %dma_start3A_163 = tpu.memref_slice %arg7[%dma_start3A_161, %dma_start3A_162] : memref<10000x16xf32, #tpu.memory_space<vmem_shared>> -> memref<10000x16xf32, #tpu.memory_space<vmem_shared>>
      tpu.enqueue_indirect_dma source(%arg5 : memref<80x16xf32, #tpu.memory_space<vmem>>) target(%dma_start3A_163 : memref<10000x16xf32, #tpu.memory_space<vmem_shared>>) offsets(%dma_start3A_160 : memref<80xi32, #tpu.memory_space<vmem>>) semaphore(%arg8 : memref<!tpu.dma_semaphore, #tpu.memory_space<semaphore_mem>>) {add = true}
      %mul3A_164 = arith.constant 5 : i32
      %mul3A_165 = arith.muli %scan3A_123, %mul3A_164 : i32
      %add3A_166 = arith.constant 4 : i32
      %add3A_167 = arith.addi %mul3A_165, %add3A_166 : i32
      %dma_start3A_168 = arith.constant 0 : i32
      %dma_start3A_169 = tpu.memref_slice %arg4[%add3A_167, %dma_start3A_168] : memref<125x80xi32, #tpu.memory_space<vmem>> -> memref<1x80xi32, #tpu.memory_space<vmem>>
      %dma_start3A_170 = tpu.memref_squeeze %dma_start3A_169 : memref<1x80xi32, #tpu.memory_space<vmem>> -> memref<80xi32, #tpu.memory_space<vmem>>
      %dma_start3A_171 = arith.constant 0 : i32
      %dma_start3A_172 = arith.constant 0 : i32
      %dma_start3A_173 = tpu.memref_slice %arg7[%dma_start3A_171, %dma_start3A_172] : memref<10000x16xf32, #tpu.memory_space<vmem_shared>> -> memref<10000x16xf32, #tpu.memory_space<vmem_shared>>
      tpu.enqueue_indirect_dma source(%arg5 : memref<80x16xf32, #tpu.memory_space<vmem>>) target(%dma_start3A_173 : memref<10000x16xf32, #tpu.memory_space<vmem_shared>>) offsets(%dma_start3A_170 : memref<80xi32, #tpu.memory_space<vmem>>) semaphore(%arg8 : memref<!tpu.dma_semaphore, #tpu.memory_space<semaphore_mem>>) {add = true}
      %sub3A = arith.constant 1 : i32
      %sub3A_174 = arith.subi %scan3A_123, %sub3A : i32
      %mul3A_175 = arith.constant 5 : i32
      %mul3A_176 = arith.muli %sub3A_174, %mul3A_175 : i32
      %dma_wait3A_177 = arith.constant 0 : i32
      %dma_wait3A_178 = tpu.memref_slice %arg4[%mul3A_176, %dma_wait3A_177] : memref<125x80xi32, #tpu.memory_space<vmem>> -> memref<1x80xi32, #tpu.memory_space<vmem>>
      %dma_wait3A_179 = tpu.memref_squeeze %dma_wait3A_178 : memref<1x80xi32, #tpu.memory_space<vmem>> -> memref<80xi32, #tpu.memory_space<vmem>>
      %dma_wait3A_180 = arith.constant 0 : i32
      %dma_wait3A_181 = arith.constant 0 : i32
      %dma_wait3A_182 = tpu.memref_slice %arg7[%dma_wait3A_180, %dma_wait3A_181] : memref<10000x16xf32, #tpu.memory_space<vmem_shared>> -> memref<10000x16xf32, #tpu.memory_space<vmem_shared>>
      tpu.wait_indirect_dma semaphore(%arg8 : memref<!tpu.dma_semaphore, #tpu.memory_space<semaphore_mem>>) src(%arg5 : memref<80x16xf32, #tpu.memory_space<vmem>>) dst(%dma_wait3A_182 : memref<10000x16xf32, #tpu.memory_space<vmem_shared>>)
      %mul3A_183 = arith.constant 5 : i32
      %mul3A_184 = arith.muli %sub3A_174, %mul3A_183 : i32
      %dma_wait3A_185 = arith.constant 0 : i32
      %dma_wait3A_186 = tpu.memref_slice %arg4[%mul3A_184, %dma_wait3A_185] : memref<125x80xi32, #tpu.memory_space<vmem>> -> memref<1x80xi32, #tpu.memory_space<vmem>>
      %dma_wait3A_187 = tpu.memref_squeeze %dma_wait3A_186 : memref<1x80xi32, #tpu.memory_space<vmem>> -> memref<80xi32, #tpu.memory_space<vmem>>
      %dma_wait3A_188 = arith.constant 0 : i32
      %dma_wait3A_189 = arith.constant 0 : i32
      %dma_wait3A_190 = tpu.memref_slice %arg7[%dma_wait3A_188, %dma_wait3A_189] : memref<10000x16xf32, #tpu.memory_space<vmem_shared>> -> memref<10000x16xf32, #tpu.memory_space<vmem_shared>>
      tpu.wait_indirect_dma semaphore(%arg8 : memref<!tpu.dma_semaphore, #tpu.memory_space<semaphore_mem>>) src(%arg5 : memref<80x16xf32, #tpu.memory_space<vmem>>) dst(%dma_wait3A_190 : memref<10000x16xf32, #tpu.memory_space<vmem_shared>>)
      %mul3A_191 = arith.constant 5 : i32
      %mul3A_192 = arith.muli %sub3A_174, %mul3A_191 : i32
      %dma_wait3A_193 = arith.constant 0 : i32
      %dma_wait3A_194 = tpu.memref_slice %arg4[%mul3A_192, %dma_wait3A_193] : memref<125x80xi32, #tpu.memory_space<vmem>> -> memref<1x80xi32, #tpu.memory_space<vmem>>
      %dma_wait3A_195 = tpu.memref_squeeze %dma_wait3A_194 : memref<1x80xi32, #tpu.memory_space<vmem>> -> memref<80xi32, #tpu.memory_space<vmem>>
      %dma_wait3A_196 = arith.constant 0 : i32
      %dma_wait3A_197 = arith.constant 0 : i32
      %dma_wait3A_198 = tpu.memref_slice %arg7[%dma_wait3A_196, %dma_wait3A_197] : memref<10000x16xf32, #tpu.memory_space<vmem_shared>> -> memref<10000x16xf32, #tpu.memory_space<vmem_shared>>
      tpu.wait_indirect_dma semaphore(%arg8 : memref<!tpu.dma_semaphore, #tpu.memory_space<semaphore_mem>>) src(%arg5 : memref<80x16xf32, #tpu.memory_space<vmem>>) dst(%dma_wait3A_198 : memref<10000x16xf32, #tpu.memory_space<vmem_shared>>)
      %mul3A_199 = arith.constant 5 : i32
      %mul3A_200 = arith.muli %sub3A_174, %mul3A_199 : i32
      %dma_wait3A_201 = arith.constant 0 : i32
      %dma_wait3A_202 = tpu.memref_slice %arg4[%mul3A_200, %dma_wait3A_201] : memref<125x80xi32, #tpu.memory_space<vmem>> -> memref<1x80xi32, #tpu.memory_space<vmem>>
      %dma_wait3A_203 = tpu.memref_squeeze %dma_wait3A_202 : memref<1x80xi32, #tpu.memory_space<vmem>> -> memref<80xi32, #tpu.memory_space<vmem>>
      %dma_wait3A_204 = arith.constant 0 : i32
      %dma_wait3A_205 = arith.constant 0 : i32
      %dma_wait3A_206 = tpu.memref_slice %arg7[%dma_wait3A_204, %dma_wait3A_205] : memref<10000x16xf32, #tpu.memory_space<vmem_shared>> -> memref<10000x16xf32, #tpu.memory_space<vmem_shared>>
      tpu.wait_indirect_dma semaphore(%arg8 : memref<!tpu.dma_semaphore, #tpu.memory_space<semaphore_mem>>) src(%arg5 : memref<80x16xf32, #tpu.memory_space<vmem>>) dst(%dma_wait3A_206 : memref<10000x16xf32, #tpu.memory_space<vmem_shared>>)
      %mul3A_207 = arith.constant 5 : i32
      %mul3A_208 = arith.muli %sub3A_174, %mul3A_207 : i32
      %dma_wait3A_209 = arith.constant 0 : i32
      %dma_wait3A_210 = tpu.memref_slice %arg4[%mul3A_208, %dma_wait3A_209] : memref<125x80xi32, #tpu.memory_space<vmem>> -> memref<1x80xi32, #tpu.memory_space<vmem>>
      %dma_wait3A_211 = tpu.memref_squeeze %dma_wait3A_210 : memref<1x80xi32, #tpu.memory_space<vmem>> -> memref<80xi32, #tpu.memory_space<vmem>>
      %dma_wait3A_212 = arith.constant 0 : i32
      %dma_wait3A_213 = arith.constant 0 : i32
      %dma_wait3A_214 = tpu.memref_slice %arg7[%dma_wait3A_212, %dma_wait3A_213] : memref<10000x16xf32, #tpu.memory_space<vmem_shared>> -> memref<10000x16xf32, #tpu.memory_space<vmem_shared>>
      tpu.wait_indirect_dma semaphore(%arg8 : memref<!tpu.dma_semaphore, #tpu.memory_space<semaphore_mem>>) src(%arg5 : memref<80x16xf32, #tpu.memory_space<vmem>>) dst(%dma_wait3A_214 : memref<10000x16xf32, #tpu.memory_space<vmem_shared>>)
    }
    %scan3A_80 = arith.constant 24 : i32
    %dma_wait3A_81 = arith.constant 120 : i32
    %dma_wait3A_82 = arith.constant 0 : i32
    %dma_wait3A_83 = tpu.memref_slice %arg4[%dma_wait3A_81, %dma_wait3A_82] : memref<125x80xi32, #tpu.memory_space<vmem>> -> memref<1x80xi32, #tpu.memory_space<vmem>>
    %dma_wait3A_84 = tpu.memref_squeeze %dma_wait3A_83 : memref<1x80xi32, #tpu.memory_space<vmem>> -> memref<80xi32, #tpu.memory_space<vmem>>
    %dma_wait3A_85 = arith.constant 0 : i32
    %dma_wait3A_86 = arith.constant 0 : i32
    %dma_wait3A_87 = tpu.memref_slice %arg7[%dma_wait3A_85, %dma_wait3A_86] : memref<10000x16xf32, #tpu.memory_space<vmem_shared>> -> memref<10000x16xf32, #tpu.memory_space<vmem_shared>>
    tpu.wait_indirect_dma semaphore(%arg8 : memref<!tpu.dma_semaphore, #tpu.memory_space<semaphore_mem>>) src(%arg5 : memref<80x16xf32, #tpu.memory_space<vmem>>) dst(%dma_wait3A_87 : memref<10000x16xf32, #tpu.memory_space<vmem_shared>>)
    %dma_wait3A_88 = arith.constant 120 : i32
    %dma_wait3A_89 = arith.constant 0 : i32
    %dma_wait3A_90 = tpu.memref_slice %arg4[%dma_wait3A_88, %dma_wait3A_89] : memref<125x80xi32, #tpu.memory_space<vmem>> -> memref<1x80xi32, #tpu.memory_space<vmem>>
    %dma_wait3A_91 = tpu.memref_squeeze %dma_wait3A_90 : memref<1x80xi32, #tpu.memory_space<vmem>> -> memref<80xi32, #tpu.memory_space<vmem>>
    %dma_wait3A_92 = arith.constant 0 : i32
    %dma_wait3A_93 = arith.constant 0 : i32
    %dma_wait3A_94 = tpu.memref_slice %arg7[%dma_wait3A_92, %dma_wait3A_93] : memref<10000x16xf32, #tpu.memory_space<vmem_shared>> -> memref<10000x16xf32, #tpu.memory_space<vmem_shared>>
    tpu.wait_indirect_dma semaphore(%arg8 : memref<!tpu.dma_semaphore, #tpu.memory_space<semaphore_mem>>) src(%arg5 : memref<80x16xf32, #tpu.memory_space<vmem>>) dst(%dma_wait3A_94 : memref<10000x16xf32, #tpu.memory_space<vmem_shared>>)
    %dma_wait3A_95 = arith.constant 120 : i32
    %dma_wait3A_96 = arith.constant 0 : i32
    %dma_wait3A_97 = tpu.memref_slice %arg4[%dma_wait3A_95, %dma_wait3A_96] : memref<125x80xi32, #tpu.memory_space<vmem>> -> memref<1x80xi32, #tpu.memory_space<vmem>>
    %dma_wait3A_98 = tpu.memref_squeeze %dma_wait3A_97 : memref<1x80xi32, #tpu.memory_space<vmem>> -> memref<80xi32, #tpu.memory_space<vmem>>
    %dma_wait3A_99 = arith.constant 0 : i32
    %dma_wait3A_100 = arith.constant 0 : i32
    %dma_wait3A_101 = tpu.memref_slice %arg7[%dma_wait3A_99, %dma_wait3A_100] : memref<10000x16xf32, #tpu.memory_space<vmem_shared>> -> memref<10000x16xf32, #tpu.memory_space<vmem_shared>>
    tpu.wait_indirect_dma semaphore(%arg8 : memref<!tpu.dma_semaphore, #tpu.memory_space<semaphore_mem>>) src(%arg5 : memref<80x16xf32, #tpu.memory_space<vmem>>) dst(%dma_wait3A_101 : memref<10000x16xf32, #tpu.memory_space<vmem_shared>>)
    %dma_wait3A_102 = arith.constant 120 : i32
    %dma_wait3A_103 = arith.constant 0 : i32
    %dma_wait3A_104 = tpu.memref_slice %arg4[%dma_wait3A_102, %dma_wait3A_103] : memref<125x80xi32, #tpu.memory_space<vmem>> -> memref<1x80xi32, #tpu.memory_space<vmem>>
    %dma_wait3A_105 = tpu.memref_squeeze %dma_wait3A_104 : memref<1x80xi32, #tpu.memory_space<vmem>> -> memref<80xi32, #tpu.memory_space<vmem>>
    %dma_wait3A_106 = arith.constant 0 : i32
    %dma_wait3A_107 = arith.constant 0 : i32
    %dma_wait3A_108 = tpu.memref_slice %arg7[%dma_wait3A_106, %dma_wait3A_107] : memref<10000x16xf32, #tpu.memory_space<vmem_shared>> -> memref<10000x16xf32, #tpu.memory_space<vmem_shared>>
    tpu.wait_indirect_dma semaphore(%arg8 : memref<!tpu.dma_semaphore, #tpu.memory_space<semaphore_mem>>) src(%arg5 : memref<80x16xf32, #tpu.memory_space<vmem>>) dst(%dma_wait3A_108 : memref<10000x16xf32, #tpu.memory_space<vmem_shared>>)
    %dma_wait3A_109 = arith.constant 120 : i32
    %dma_wait3A_110 = arith.constant 0 : i32
    %dma_wait3A_111 = tpu.memref_slice %arg4[%dma_wait3A_109, %dma_wait3A_110] : memref<125x80xi32, #tpu.memory_space<vmem>> -> memref<1x80xi32, #tpu.memory_space<vmem>>
    %dma_wait3A_112 = tpu.memref_squeeze %dma_wait3A_111 : memref<1x80xi32, #tpu.memory_space<vmem>> -> memref<80xi32, #tpu.memory_space<vmem>>
    %dma_wait3A_113 = arith.constant 0 : i32
    %dma_wait3A_114 = arith.constant 0 : i32
    %dma_wait3A_115 = tpu.memref_slice %arg7[%dma_wait3A_113, %dma_wait3A_114] : memref<10000x16xf32, #tpu.memory_space<vmem_shared>> -> memref<10000x16xf32, #tpu.memory_space<vmem_shared>>
    tpu.wait_indirect_dma semaphore(%arg8 : memref<!tpu.dma_semaphore, #tpu.memory_space<semaphore_mem>>) src(%arg5 : memref<80x16xf32, #tpu.memory_space<vmem>>) dst(%dma_wait3A_115 : memref<10000x16xf32, #tpu.memory_space<vmem_shared>>)
    %barrier3A_116 = arith.constant 0 : index
    tpu.barrier barrier_id(%barrier3A_116)
    %mul3A_117 = arith.constant 624 : i32
    %mul3A_118 = arith.muli %arg1, %mul3A_117 : i32
    %mul3A_119 = arith.constant 624 : i32
    %mul3A_120 = arith.muli %arg1, %mul3A_119 : i32
    "tpu.region"() ({
      %run_scoped3A = tpu.sem_alloc : memref<!tpu.dma_semaphore, #tpu.memory_space<semaphore_mem>>
      %dma_start3A_123 = arith.constant 0 : i32
      %dma_start3A_124 = tpu.memref_slice %arg3[%arg0, %mul3A_120, %dma_start3A_123] : memref<2x10000x16xf32, #tpu.memory_space<hbm>> -> memref<1x624x16xf32, #tpu.memory_space<hbm>>
      %dma_start3A_125 = tpu.memref_squeeze %dma_start3A_124 : memref<1x624x16xf32, #tpu.memory_space<hbm>> -> memref<624x16xf32, #tpu.memory_space<hbm>>
      %dma_start3A_126 = arith.constant 0 : i32
      %dma_start3A_127 = tpu.memref_slice %arg7[%mul3A_118, %dma_start3A_126] : memref<10000x16xf32, #tpu.memory_space<vmem_shared>> -> memref<624x16xf32, #tpu.memory_space<vmem_shared>>
      tpu.enqueue_dma source(%dma_start3A_127 : memref<624x16xf32, #tpu.memory_space<vmem_shared>>) target(%dma_start3A_125 : memref<624x16xf32, #tpu.memory_space<hbm>>) target_semaphore(%run_scoped3A : memref<!tpu.dma_semaphore, #tpu.memory_space<semaphore_mem>>)
      %dma_wait3A_128 = arith.constant 0 : i32
      %dma_wait3A_129 = tpu.memref_slice %arg3[%arg0, %mul3A_120, %dma_wait3A_128] : memref<2x10000x16xf32, #tpu.memory_space<hbm>> -> memref<1x624x16xf32, #tpu.memory_space<hbm>>
      %dma_wait3A_130 = tpu.memref_squeeze %dma_wait3A_129 : memref<1x624x16xf32, #tpu.memory_space<hbm>> -> memref<624x16xf32, #tpu.memory_space<hbm>>
      %dma_wait3A_131 = arith.constant 0 : i32
      %dma_wait3A_132 = tpu.memref_slice %arg7[%mul3A_118, %dma_wait3A_131] : memref<10000x16xf32, #tpu.memory_space<vmem_shared>> -> memref<624x16xf32, #tpu.memory_space<vmem_shared>>
      tpu.wait_dma2 semaphore(%run_scoped3A : memref<!tpu.dma_semaphore, #tpu.memory_space<semaphore_mem>>) src(%dma_wait3A_132 : memref<624x16xf32, #tpu.memory_space<vmem_shared>>) dst(%dma_wait3A_130 : memref<624x16xf32, #tpu.memory_space<hbm>>)
      tpu.yield
    }) : () -> ()
    %eq3A = arith.constant 15 : i32
    %eq3A_121 = arith.cmpi eq, %arg1, %eq3A : i32
    %convert_element_type3A = arith.extui %eq3A_121 : i1 to i32
    %cond3A = arith.constant 0 : i32
    %cond3A_122 = arith.cmpi ne, %convert_element_type3A, %cond3A : i32
    scf.if %cond3A_122 {
      "tpu.region"() ({
        %run_scoped3A = tpu.sem_alloc : memref<!tpu.dma_semaphore, #tpu.memory_space<semaphore_mem>>
        %dma_start3A_123 = arith.constant 9984 : i32
        %dma_start3A_124 = arith.constant 0 : i32
        %dma_start3A_125 = tpu.memref_slice %arg3[%arg0, %dma_start3A_123, %dma_start3A_124] : memref<2x10000x16xf32, #tpu.memory_space<hbm>> -> memref<1x16x16xf32, #tpu.memory_space<hbm>>
        %dma_start3A_126 = tpu.memref_squeeze %dma_start3A_125 : memref<1x16x16xf32, #tpu.memory_space<hbm>> -> memref<16x16xf32, #tpu.memory_space<hbm>>
        %dma_start3A_127 = arith.constant 9984 : i32
        %dma_start3A_128 = arith.constant 0 : i32
        %dma_start3A_129 = tpu.memref_slice %arg7[%dma_start3A_127, %dma_start3A_128] : memref<10000x16xf32, #tpu.memory_space<vmem_shared>> -> memref<16x16xf32, #tpu.memory_space<vmem_shared>>
        tpu.enqueue_dma source(%dma_start3A_129 : memref<16x16xf32, #tpu.memory_space<vmem_shared>>) target(%dma_start3A_126 : memref<16x16xf32, #tpu.memory_space<hbm>>) target_semaphore(%run_scoped3A : memref<!tpu.dma_semaphore, #tpu.memory_space<semaphore_mem>>)
        %dma_wait3A_130 = arith.constant 9984 : i32
        %dma_wait3A_131 = arith.constant 0 : i32
        %dma_wait3A_132 = tpu.memref_slice %arg3[%arg0, %dma_wait3A_130, %dma_wait3A_131] : memref<2x10000x16xf32, #tpu.memory_space<hbm>> -> memref<1x16x16xf32, #tpu.memory_space<hbm>>
        %dma_wait3A_133 = tpu.memref_squeeze %dma_wait3A_132 : memref<1x16x16xf32, #tpu.memory_space<hbm>> -> memref<16x16xf32, #tpu.memory_space<hbm>>
        %dma_wait3A_134 = arith.constant 9984 : i32
        %dma_wait3A_135 = arith.constant 0 : i32
        %dma_wait3A_136 = tpu.memref_slice %arg7[%dma_wait3A_134, %dma_wait3A_135] : memref<10000x16xf32, #tpu.memory_space<vmem_shared>> -> memref<16x16xf32, #tpu.memory_space<vmem_shared>>
        tpu.wait_dma2 semaphore(%run_scoped3A : memref<!tpu.dma_semaphore, #tpu.memory_space<semaphore_mem>>) src(%dma_wait3A_136 : memref<16x16xf32, #tpu.memory_space<vmem_shared>>) dst(%dma_wait3A_133 : memref<16x16xf32, #tpu.memory_space<hbm>>)
        tpu.yield
      }) : () -> ()
    } else {
    }
    return
  }
}

#map = affine_map<(d0, d1) -> (0, 0)>
#map1 = affine_map<(d0, d1) -> (0, 0, 0, 0)>
#map2 = affine_map<(d0, d1) -> (0, 0, 0)>
module attributes {stable_mosaic.version = 14 : i64} {
  func.func @_agg_body(%arg0: i32, %arg1: i32, %arg2: memref<10000x64xf32, #tpu.memory_space<hbm>>, %arg3: memref<2x16x125x80xi32, #tpu.memory_space<hbm>>, %arg4: memref<2x16x125x80xi32, #tpu.memory_space<hbm>>, %arg5: memref<2x10000x64xf32, #tpu.memory_space<hbm>>, %arg6: memref<125x80xi32, #tpu.memory_space<vmem>>, %arg7: memref<125x80xi32, #tpu.memory_space<vmem>>, %arg8: memref<80x64xf32, #tpu.memory_space<vmem>>, %arg9: memref<80x64xf32, #tpu.memory_space<vmem>>, %arg10: memref<80x64xf32, #tpu.memory_space<vmem>>, %arg11: memref<80x64xf32, #tpu.memory_space<vmem>>, %arg12: memref<80x64xf32, #tpu.memory_space<vmem>>, %arg13: memref<125x64xf32, #tpu.memory_space<vmem>>, %arg14: memref<10000x64xf32, #tpu.memory_space<vmem_shared>>, %arg15: memref<!tpu.dma_semaphore, #tpu.memory_space<semaphore_mem>>, %arg16: memref<!tpu.dma_semaphore, #tpu.memory_space<semaphore_mem>>, %arg17: memref<!tpu.dma_semaphore, #tpu.memory_space<semaphore_mem>>, %arg18: memref<!tpu.dma_semaphore, #tpu.memory_space<semaphore_mem>>, %arg19: memref<!tpu.dma_semaphore, #tpu.memory_space<semaphore_mem>>, %arg20: memref<!tpu.dma_semaphore, #tpu.memory_space<semaphore_mem>>, %arg21: memref<!tpu.dma_semaphore, #tpu.memory_space<semaphore_mem>>) attributes {dimension_semantics = [#tpu.dimension_semantics<core_parallel>, #tpu.dimension_semantics<subcore_parallel>], iteration_bounds = array<i64: 2, 16>, scalar_prefetch = 0 : i64, scratch_operands = 16 : i64, tpu.core_type = #tpu.core_type<sc_vector_subcore>, window_params = [{transform_indices = #map}, {transform_indices = #map1}, {transform_indices = #map1}, {transform_indices = #map2}]} {
    %dma_start3A = arith.constant 0 : i32
    %dma_start3A_0 = arith.constant 0 : i32
    %dma_start3A_1 = tpu.memref_slice %arg3[%arg0, %arg1, %dma_start3A, %dma_start3A_0] : memref<2x16x125x80xi32, #tpu.memory_space<hbm>> -> memref<1x1x125x80xi32, #tpu.memory_space<hbm>>
    %dma_start3A_2 = tpu.memref_squeeze %dma_start3A_1 : memref<1x1x125x80xi32, #tpu.memory_space<hbm>> -> memref<125x80xi32, #tpu.memory_space<hbm>>
    %dma_start3A_3 = arith.constant 0 : i32
    %dma_start3A_4 = arith.constant 0 : i32
    %dma_start3A_5 = tpu.memref_slice %arg3[%arg0, %arg1, %dma_start3A_3, %dma_start3A_4] : memref<2x16x125x80xi32, #tpu.memory_space<hbm>> -> memref<1x1x125x80xi32, #tpu.memory_space<hbm>>
    %dma_start3A_6 = tpu.memref_squeeze %dma_start3A_5 : memref<1x1x125x80xi32, #tpu.memory_space<hbm>> -> memref<125x80xi32, #tpu.memory_space<hbm>>
    tpu.enqueue_dma source(%dma_start3A_6 : memref<125x80xi32, #tpu.memory_space<hbm>>) target(%arg6 : memref<125x80xi32, #tpu.memory_space<vmem>>) target_semaphore(%arg20 : memref<!tpu.dma_semaphore, #tpu.memory_space<semaphore_mem>>)
    %dma_start3A_7 = arith.constant 0 : i32
    %dma_start3A_8 = arith.constant 0 : i32
    %dma_start3A_9 = tpu.memref_slice %arg4[%arg0, %arg1, %dma_start3A_7, %dma_start3A_8] : memref<2x16x125x80xi32, #tpu.memory_space<hbm>> -> memref<1x1x125x80xi32, #tpu.memory_space<hbm>>
    %dma_start3A_10 = tpu.memref_squeeze %dma_start3A_9 : memref<1x1x125x80xi32, #tpu.memory_space<hbm>> -> memref<125x80xi32, #tpu.memory_space<hbm>>
    %dma_start3A_11 = arith.constant 0 : i32
    %dma_start3A_12 = arith.constant 0 : i32
    %dma_start3A_13 = tpu.memref_slice %arg4[%arg0, %arg1, %dma_start3A_11, %dma_start3A_12] : memref<2x16x125x80xi32, #tpu.memory_space<hbm>> -> memref<1x1x125x80xi32, #tpu.memory_space<hbm>>
    %dma_start3A_14 = tpu.memref_squeeze %dma_start3A_13 : memref<1x1x125x80xi32, #tpu.memory_space<hbm>> -> memref<125x80xi32, #tpu.memory_space<hbm>>
    tpu.enqueue_dma source(%dma_start3A_14 : memref<125x80xi32, #tpu.memory_space<hbm>>) target(%arg7 : memref<125x80xi32, #tpu.memory_space<vmem>>) target_semaphore(%arg21 : memref<!tpu.dma_semaphore, #tpu.memory_space<semaphore_mem>>)
    %scan3A = arith.constant 0 : i32
    %scan3A_15 = arith.constant 125 : i32
    %scan3A_16 = arith.addi %scan3A, %scan3A_15 : i32
    %scan3A_17 = arith.constant 1 : i32
    scf.for %scan3A_138 = %scan3A to %scan3A_16 step %scan3A_17  : i32 {
      %broadcast_in_dim3A = arith.constant 0.000000e+00 : f32
      %broadcast_in_dim3A_139 = vector.broadcast %broadcast_in_dim3A : f32 to vector<16xf32>
      %swap3A = arith.index_cast %scan3A_138 : i32 to index
      %swap3A_140 = arith.constant 0 : index
      %swap3A_141 = tpu.vector_load %arg13[%swap3A, %swap3A_140] {strides = array<i32>} : memref<125x64xf32, #tpu.memory_space<vmem>>, vector<1x16xf32>,
      %swap3A_142 = vector.shape_cast %swap3A_141 : vector<1x16xf32> to vector<16xf32>
      %swap3A_143 = vector.shape_cast %broadcast_in_dim3A_139 : vector<16xf32> to vector<1x16xf32>
      tpu.vector_store %arg13[%swap3A, %swap3A_140], %swap3A_143 {strides = array<i32>} : memref<125x64xf32, #tpu.memory_space<vmem>>, vector<1x16xf32>,
      %broadcast_in_dim3A_144 = arith.constant 0.000000e+00 : f32
      %broadcast_in_dim3A_145 = vector.broadcast %broadcast_in_dim3A_144 : f32 to vector<16xf32>
      %swap3A_146 = arith.index_cast %scan3A_138 : i32 to index
      %swap3A_147 = arith.constant 16 : index
      %swap3A_148 = tpu.vector_load %arg13[%swap3A_146, %swap3A_147] {strides = array<i32>} : memref<125x64xf32, #tpu.memory_space<vmem>>, vector<1x16xf32>,
      %swap3A_149 = vector.shape_cast %swap3A_148 : vector<1x16xf32> to vector<16xf32>
      %swap3A_150 = vector.shape_cast %broadcast_in_dim3A_145 : vector<16xf32> to vector<1x16xf32>
      tpu.vector_store %arg13[%swap3A_146, %swap3A_147], %swap3A_150 {strides = array<i32>} : memref<125x64xf32, #tpu.memory_space<vmem>>, vector<1x16xf32>,
      %broadcast_in_dim3A_151 = arith.constant 0.000000e+00 : f32
      %broadcast_in_dim3A_152 = vector.broadcast %broadcast_in_dim3A_151 : f32 to vector<16xf32>
      %swap3A_153 = arith.index_cast %scan3A_138 : i32 to index
      %swap3A_154 = arith.constant 32 : index
      %swap3A_155 = tpu.vector_load %arg13[%swap3A_153, %swap3A_154] {strides = array<i32>} : memref<125x64xf32, #tpu.memory_space<vmem>>, vector<1x16xf32>,
      %swap3A_156 = vector.shape_cast %swap3A_155 : vector<1x16xf32> to vector<16xf32>
      %swap3A_157 = vector.shape_cast %broadcast_in_dim3A_152 : vector<16xf32> to vector<1x16xf32>
      tpu.vector_store %arg13[%swap3A_153, %swap3A_154], %swap3A_157 {strides = array<i32>} : memref<125x64xf32, #tpu.memory_space<vmem>>, vector<1x16xf32>,
      %broadcast_in_dim3A_158 = arith.constant 0.000000e+00 : f32
      %broadcast_in_dim3A_159 = vector.broadcast %broadcast_in_dim3A_158 : f32 to vector<16xf32>
      %swap3A_160 = arith.index_cast %scan3A_138 : i32 to index
      %swap3A_161 = arith.constant 48 : index
      %swap3A_162 = tpu.vector_load %arg13[%swap3A_160, %swap3A_161] {strides = array<i32>} : memref<125x64xf32, #tpu.memory_space<vmem>>, vector<1x16xf32>,
      %swap3A_163 = vector.shape_cast %swap3A_162 : vector<1x16xf32> to vector<16xf32>
      %swap3A_164 = vector.shape_cast %broadcast_in_dim3A_159 : vector<16xf32> to vector<1x16xf32>
      tpu.vector_store %arg13[%swap3A_160, %swap3A_161], %swap3A_164 {strides = array<i32>} : memref<125x64xf32, #tpu.memory_space<vmem>>, vector<1x16xf32>,
    }
    %scan3A_18 = arith.constant 125 : i32
    %mul3A = arith.constant 625 : i32
    %mul3A_19 = arith.muli %arg1, %mul3A : i32
    %add3A = arith.constant 0 : i32
    %add3A_20 = arith.addi %mul3A_19, %add3A : i32
    "tpu.region"() ({
      %run_scoped3A_138 = tpu.sem_alloc : memref<!tpu.dma_semaphore, #tpu.memory_space<semaphore_mem>>
      %dma_start3A_139 = arith.constant 0 : i32
      %dma_start3A_140 = tpu.memref_slice %arg14[%add3A_20, %dma_start3A_139] : memref<10000x64xf32, #tpu.memory_space<vmem_shared>> -> memref<125x64xf32, #tpu.memory_space<vmem_shared>>
      %dma_start3A_141 = arith.constant 0 : i32
      %dma_start3A_142 = tpu.memref_slice %arg14[%add3A_20, %dma_start3A_141] : memref<10000x64xf32, #tpu.memory_space<vmem_shared>> -> memref<125x64xf32, #tpu.memory_space<vmem_shared>>
      tpu.enqueue_dma source(%arg13 : memref<125x64xf32, #tpu.memory_space<vmem>>) target(%dma_start3A_142 : memref<125x64xf32, #tpu.memory_space<vmem_shared>>) target_semaphore(%run_scoped3A_138 : memref<!tpu.dma_semaphore, #tpu.memory_space<semaphore_mem>>)
      %dma_wait3A_143 = arith.constant 0 : i32
      %dma_wait3A_144 = tpu.memref_slice %arg14[%add3A_20, %dma_wait3A_143] : memref<10000x64xf32, #tpu.memory_space<vmem_shared>> -> memref<125x64xf32, #tpu.memory_space<vmem_shared>>
      %dma_wait3A_145 = arith.constant 0 : i32
      %dma_wait3A_146 = tpu.memref_slice %arg14[%add3A_20, %dma_wait3A_145] : memref<10000x64xf32, #tpu.memory_space<vmem_shared>> -> memref<125x64xf32, #tpu.memory_space<vmem_shared>>
      tpu.wait_dma2 semaphore(%run_scoped3A_138 : memref<!tpu.dma_semaphore, #tpu.memory_space<semaphore_mem>>) src(%arg13 : memref<125x64xf32, #tpu.memory_space<vmem>>) dst(%dma_wait3A_146 : memref<125x64xf32, #tpu.memory_space<vmem_shared>>)
      tpu.yield
    }) : () -> ()
    %mul3A_21 = arith.constant 625 : i32
    %mul3A_22 = arith.muli %arg1, %mul3A_21 : i32
    %add3A_23 = arith.constant 125 : i32
    %add3A_24 = arith.addi %mul3A_22, %add3A_23 : i32
    "tpu.region"() ({
      %run_scoped3A_138 = tpu.sem_alloc : memref<!tpu.dma_semaphore, #tpu.memory_space<semaphore_mem>>
      %dma_start3A_139 = arith.constant 0 : i32
      %dma_start3A_140 = tpu.memref_slice %arg14[%add3A_24, %dma_start3A_139] : memref<10000x64xf32, #tpu.memory_space<vmem_shared>> -> memref<125x64xf32, #tpu.memory_space<vmem_shared>>
      %dma_start3A_141 = arith.constant 0 : i32
      %dma_start3A_142 = tpu.memref_slice %arg14[%add3A_24, %dma_start3A_141] : memref<10000x64xf32, #tpu.memory_space<vmem_shared>> -> memref<125x64xf32, #tpu.memory_space<vmem_shared>>
      tpu.enqueue_dma source(%arg13 : memref<125x64xf32, #tpu.memory_space<vmem>>) target(%dma_start3A_142 : memref<125x64xf32, #tpu.memory_space<vmem_shared>>) target_semaphore(%run_scoped3A_138 : memref<!tpu.dma_semaphore, #tpu.memory_space<semaphore_mem>>)
      %dma_wait3A_143 = arith.constant 0 : i32
      %dma_wait3A_144 = tpu.memref_slice %arg14[%add3A_24, %dma_wait3A_143] : memref<10000x64xf32, #tpu.memory_space<vmem_shared>> -> memref<125x64xf32, #tpu.memory_space<vmem_shared>>
      %dma_wait3A_145 = arith.constant 0 : i32
      %dma_wait3A_146 = tpu.memref_slice %arg14[%add3A_24, %dma_wait3A_145] : memref<10000x64xf32, #tpu.memory_space<vmem_shared>> -> memref<125x64xf32, #tpu.memory_space<vmem_shared>>
      tpu.wait_dma2 semaphore(%run_scoped3A_138 : memref<!tpu.dma_semaphore, #tpu.memory_space<semaphore_mem>>) src(%arg13 : memref<125x64xf32, #tpu.memory_space<vmem>>) dst(%dma_wait3A_146 : memref<125x64xf32, #tpu.memory_space<vmem_shared>>)
      tpu.yield
    }) : () -> ()
    %mul3A_25 = arith.constant 625 : i32
    %mul3A_26 = arith.muli %arg1, %mul3A_25 : i32
    %add3A_27 = arith.constant 250 : i32
    %add3A_28 = arith.addi %mul3A_26, %add3A_27 : i32
    "tpu.region"() ({
      %run_scoped3A_138 = tpu.sem_alloc : memref<!tpu.dma_semaphore, #tpu.memory_space<semaphore_mem>>
      %dma_start3A_139 = arith.constant 0 : i32
      %dma_start3A_140 = tpu.memref_slice %arg14[%add3A_28, %dma_start3A_139] : memref<10000x64xf32, #tpu.memory_space<vmem_shared>> -> memref<125x64xf32, #tpu.memory_space<vmem_shared>>
      %dma_start3A_141 = arith.constant 0 : i32
      %dma_start3A_142 = tpu.memref_slice %arg14[%add3A_28, %dma_start3A_141] : memref<10000x64xf32, #tpu.memory_space<vmem_shared>> -> memref<125x64xf32, #tpu.memory_space<vmem_shared>>
      tpu.enqueue_dma source(%arg13 : memref<125x64xf32, #tpu.memory_space<vmem>>) target(%dma_start3A_142 : memref<125x64xf32, #tpu.memory_space<vmem_shared>>) target_semaphore(%run_scoped3A_138 : memref<!tpu.dma_semaphore, #tpu.memory_space<semaphore_mem>>)
      %dma_wait3A_143 = arith.constant 0 : i32
      %dma_wait3A_144 = tpu.memref_slice %arg14[%add3A_28, %dma_wait3A_143] : memref<10000x64xf32, #tpu.memory_space<vmem_shared>> -> memref<125x64xf32, #tpu.memory_space<vmem_shared>>
      %dma_wait3A_145 = arith.constant 0 : i32
      %dma_wait3A_146 = tpu.memref_slice %arg14[%add3A_28, %dma_wait3A_145] : memref<10000x64xf32, #tpu.memory_space<vmem_shared>> -> memref<125x64xf32, #tpu.memory_space<vmem_shared>>
      tpu.wait_dma2 semaphore(%run_scoped3A_138 : memref<!tpu.dma_semaphore, #tpu.memory_space<semaphore_mem>>) src(%arg13 : memref<125x64xf32, #tpu.memory_space<vmem>>) dst(%dma_wait3A_146 : memref<125x64xf32, #tpu.memory_space<vmem_shared>>)
      tpu.yield
    }) : () -> ()
    %mul3A_29 = arith.constant 625 : i32
    %mul3A_30 = arith.muli %arg1, %mul3A_29 : i32
    %add3A_31 = arith.constant 375 : i32
    %add3A_32 = arith.addi %mul3A_30, %add3A_31 : i32
    "tpu.region"() ({
      %run_scoped3A_138 = tpu.sem_alloc : memref<!tpu.dma_semaphore, #tpu.memory_space<semaphore_mem>>
      %dma_start3A_139 = arith.constant 0 : i32
      %dma_start3A_140 = tpu.memref_slice %arg14[%add3A_32, %dma_start3A_139] : memref<10000x64xf32, #tpu.memory_space<vmem_shared>> -> memref<125x64xf32, #tpu.memory_space<vmem_shared>>
      %dma_start3A_141 = arith.constant 0 : i32
      %dma_start3A_142 = tpu.memref_slice %arg14[%add3A_32, %dma_start3A_141] : memref<10000x64xf32, #tpu.memory_space<vmem_shared>> -> memref<125x64xf32, #tpu.memory_space<vmem_shared>>
      tpu.enqueue_dma source(%arg13 : memref<125x64xf32, #tpu.memory_space<vmem>>) target(%dma_start3A_142 : memref<125x64xf32, #tpu.memory_space<vmem_shared>>) target_semaphore(%run_scoped3A_138 : memref<!tpu.dma_semaphore, #tpu.memory_space<semaphore_mem>>)
      %dma_wait3A_143 = arith.constant 0 : i32
      %dma_wait3A_144 = tpu.memref_slice %arg14[%add3A_32, %dma_wait3A_143] : memref<10000x64xf32, #tpu.memory_space<vmem_shared>> -> memref<125x64xf32, #tpu.memory_space<vmem_shared>>
      %dma_wait3A_145 = arith.constant 0 : i32
      %dma_wait3A_146 = tpu.memref_slice %arg14[%add3A_32, %dma_wait3A_145] : memref<10000x64xf32, #tpu.memory_space<vmem_shared>> -> memref<125x64xf32, #tpu.memory_space<vmem_shared>>
      tpu.wait_dma2 semaphore(%run_scoped3A_138 : memref<!tpu.dma_semaphore, #tpu.memory_space<semaphore_mem>>) src(%arg13 : memref<125x64xf32, #tpu.memory_space<vmem>>) dst(%dma_wait3A_146 : memref<125x64xf32, #tpu.memory_space<vmem_shared>>)
      tpu.yield
    }) : () -> ()
    %mul3A_33 = arith.constant 625 : i32
    %mul3A_34 = arith.muli %arg1, %mul3A_33 : i32
    %add3A_35 = arith.constant 500 : i32
    %add3A_36 = arith.addi %mul3A_34, %add3A_35 : i32
    "tpu.region"() ({
      %run_scoped3A_138 = tpu.sem_alloc : memref<!tpu.dma_semaphore, #tpu.memory_space<semaphore_mem>>
      %dma_start3A_139 = arith.constant 0 : i32
      %dma_start3A_140 = tpu.memref_slice %arg14[%add3A_36, %dma_start3A_139] : memref<10000x64xf32, #tpu.memory_space<vmem_shared>> -> memref<125x64xf32, #tpu.memory_space<vmem_shared>>
      %dma_start3A_141 = arith.constant 0 : i32
      %dma_start3A_142 = tpu.memref_slice %arg14[%add3A_36, %dma_start3A_141] : memref<10000x64xf32, #tpu.memory_space<vmem_shared>> -> memref<125x64xf32, #tpu.memory_space<vmem_shared>>
      tpu.enqueue_dma source(%arg13 : memref<125x64xf32, #tpu.memory_space<vmem>>) target(%dma_start3A_142 : memref<125x64xf32, #tpu.memory_space<vmem_shared>>) target_semaphore(%run_scoped3A_138 : memref<!tpu.dma_semaphore, #tpu.memory_space<semaphore_mem>>)
      %dma_wait3A_143 = arith.constant 0 : i32
      %dma_wait3A_144 = tpu.memref_slice %arg14[%add3A_36, %dma_wait3A_143] : memref<10000x64xf32, #tpu.memory_space<vmem_shared>> -> memref<125x64xf32, #tpu.memory_space<vmem_shared>>
      %dma_wait3A_145 = arith.constant 0 : i32
      %dma_wait3A_146 = tpu.memref_slice %arg14[%add3A_36, %dma_wait3A_145] : memref<10000x64xf32, #tpu.memory_space<vmem_shared>> -> memref<125x64xf32, #tpu.memory_space<vmem_shared>>
      tpu.wait_dma2 semaphore(%run_scoped3A_138 : memref<!tpu.dma_semaphore, #tpu.memory_space<semaphore_mem>>) src(%arg13 : memref<125x64xf32, #tpu.memory_space<vmem>>) dst(%dma_wait3A_146 : memref<125x64xf32, #tpu.memory_space<vmem_shared>>)
      tpu.yield
    }) : () -> ()
    %dma_wait3A = arith.constant 0 : i32
    %dma_wait3A_37 = arith.constant 0 : i32
    %dma_wait3A_38 = tpu.memref_slice %arg3[%arg0, %arg1, %dma_wait3A, %dma_wait3A_37] : memref<2x16x125x80xi32, #tpu.memory_space<hbm>> -> memref<1x1x125x80xi32, #tpu.memory_space<hbm>>
    %dma_wait3A_39 = tpu.memref_squeeze %dma_wait3A_38 : memref<1x1x125x80xi32, #tpu.memory_space<hbm>> -> memref<125x80xi32, #tpu.memory_space<hbm>>
    %dma_wait3A_40 = arith.constant 0 : i32
    %dma_wait3A_41 = arith.constant 0 : i32
    %dma_wait3A_42 = tpu.memref_slice %arg3[%arg0, %arg1, %dma_wait3A_40, %dma_wait3A_41] : memref<2x16x125x80xi32, #tpu.memory_space<hbm>> -> memref<1x1x125x80xi32, #tpu.memory_space<hbm>>
    %dma_wait3A_43 = tpu.memref_squeeze %dma_wait3A_42 : memref<1x1x125x80xi32, #tpu.memory_space<hbm>> -> memref<125x80xi32, #tpu.memory_space<hbm>>
    tpu.wait_dma2 semaphore(%arg20 : memref<!tpu.dma_semaphore, #tpu.memory_space<semaphore_mem>>) src(%dma_wait3A_43 : memref<125x80xi32, #tpu.memory_space<hbm>>) dst(%arg6 : memref<125x80xi32, #tpu.memory_space<vmem>>)
    %dma_wait3A_44 = arith.constant 0 : i32
    %dma_wait3A_45 = arith.constant 0 : i32
    %dma_wait3A_46 = tpu.memref_slice %arg4[%arg0, %arg1, %dma_wait3A_44, %dma_wait3A_45] : memref<2x16x125x80xi32, #tpu.memory_space<hbm>> -> memref<1x1x125x80xi32, #tpu.memory_space<hbm>>
    %dma_wait3A_47 = tpu.memref_squeeze %dma_wait3A_46 : memref<1x1x125x80xi32, #tpu.memory_space<hbm>> -> memref<125x80xi32, #tpu.memory_space<hbm>>
    %dma_wait3A_48 = arith.constant 0 : i32
    %dma_wait3A_49 = arith.constant 0 : i32
    %dma_wait3A_50 = tpu.memref_slice %arg4[%arg0, %arg1, %dma_wait3A_48, %dma_wait3A_49] : memref<2x16x125x80xi32, #tpu.memory_space<hbm>> -> memref<1x1x125x80xi32, #tpu.memory_space<hbm>>
    %dma_wait3A_51 = tpu.memref_squeeze %dma_wait3A_50 : memref<1x1x125x80xi32, #tpu.memory_space<hbm>> -> memref<125x80xi32, #tpu.memory_space<hbm>>
    tpu.wait_dma2 semaphore(%arg21 : memref<!tpu.dma_semaphore, #tpu.memory_space<semaphore_mem>>) src(%dma_wait3A_51 : memref<125x80xi32, #tpu.memory_space<hbm>>) dst(%arg7 : memref<125x80xi32, #tpu.memory_space<vmem>>)
    %barrier3A = arith.constant 0 : index
    tpu.barrier barrier_id(%barrier3A)
    %dma_start3A_52 = arith.constant 0 : i32
    %dma_start3A_53 = arith.constant 0 : i32
    %dma_start3A_54 = tpu.memref_slice %arg6[%dma_start3A_52, %dma_start3A_53] : memref<125x80xi32, #tpu.memory_space<vmem>> -> memref<1x80xi32, #tpu.memory_space<vmem>>
    %dma_start3A_55 = tpu.memref_squeeze %dma_start3A_54 : memref<1x80xi32, #tpu.memory_space<vmem>> -> memref<80xi32, #tpu.memory_space<vmem>>
    %dma_start3A_56 = arith.constant 0 : i32
    %dma_start3A_57 = arith.constant 0 : i32
    %dma_start3A_58 = tpu.memref_slice %arg2[%dma_start3A_56, %dma_start3A_57] : memref<10000x64xf32, #tpu.memory_space<hbm>> -> memref<10000x64xf32, #tpu.memory_space<hbm>>
    tpu.enqueue_indirect_dma source(%dma_start3A_58 : memref<10000x64xf32, #tpu.memory_space<hbm>>) target(%arg8 : memref<80x64xf32, #tpu.memory_space<vmem>>) offsets(%dma_start3A_55 : memref<80xi32, #tpu.memory_space<vmem>>) semaphore(%arg15 : memref<!tpu.dma_semaphore, #tpu.memory_space<semaphore_mem>>)
    %dma_start3A_59 = arith.constant 1 : i32
    %dma_start3A_60 = arith.constant 0 : i32
    %dma_start3A_61 = tpu.memref_slice %arg6[%dma_start3A_59, %dma_start3A_60] : memref<125x80xi32, #tpu.memory_space<vmem>> -> memref<1x80xi32, #tpu.memory_space<vmem>>
    %dma_start3A_62 = tpu.memref_squeeze %dma_start3A_61 : memref<1x80xi32, #tpu.memory_space<vmem>> -> memref<80xi32, #tpu.memory_space<vmem>>
    %dma_start3A_63 = arith.constant 0 : i32
    %dma_start3A_64 = arith.constant 0 : i32
    %dma_start3A_65 = tpu.memref_slice %arg2[%dma_start3A_63, %dma_start3A_64] : memref<10000x64xf32, #tpu.memory_space<hbm>> -> memref<10000x64xf32, #tpu.memory_space<hbm>>
    tpu.enqueue_indirect_dma source(%dma_start3A_65 : memref<10000x64xf32, #tpu.memory_space<hbm>>) target(%arg9 : memref<80x64xf32, #tpu.memory_space<vmem>>) offsets(%dma_start3A_62 : memref<80xi32, #tpu.memory_space<vmem>>) semaphore(%arg16 : memref<!tpu.dma_semaphore, #tpu.memory_space<semaphore_mem>>)
    %dma_start3A_66 = arith.constant 2 : i32
    %dma_start3A_67 = arith.constant 0 : i32
    %dma_start3A_68 = tpu.memref_slice %arg6[%dma_start3A_66, %dma_start3A_67] : memref<125x80xi32, #tpu.memory_space<vmem>> -> memref<1x80xi32, #tpu.memory_space<vmem>>
    %dma_start3A_69 = tpu.memref_squeeze %dma_start3A_68 : memref<1x80xi32, #tpu.memory_space<vmem>> -> memref<80xi32, #tpu.memory_space<vmem>>
    %dma_start3A_70 = arith.constant 0 : i32
    %dma_start3A_71 = arith.constant 0 : i32
    %dma_start3A_72 = tpu.memref_slice %arg2[%dma_start3A_70, %dma_start3A_71] : memref<10000x64xf32, #tpu.memory_space<hbm>> -> memref<10000x64xf32, #tpu.memory_space<hbm>>
    tpu.enqueue_indirect_dma source(%dma_start3A_72 : memref<10000x64xf32, #tpu.memory_space<hbm>>) target(%arg10 : memref<80x64xf32, #tpu.memory_space<vmem>>) offsets(%dma_start3A_69 : memref<80xi32, #tpu.memory_space<vmem>>) semaphore(%arg17 : memref<!tpu.dma_semaphore, #tpu.memory_space<semaphore_mem>>)
    %dma_start3A_73 = arith.constant 3 : i32
    %dma_start3A_74 = arith.constant 0 : i32
    %dma_start3A_75 = tpu.memref_slice %arg6[%dma_start3A_73, %dma_start3A_74] : memref<125x80xi32, #tpu.memory_space<vmem>> -> memref<1x80xi32, #tpu.memory_space<vmem>>
    %dma_start3A_76 = tpu.memref_squeeze %dma_start3A_75 : memref<1x80xi32, #tpu.memory_space<vmem>> -> memref<80xi32, #tpu.memory_space<vmem>>
    %dma_start3A_77 = arith.constant 0 : i32
    %dma_start3A_78 = arith.constant 0 : i32
    %dma_start3A_79 = tpu.memref_slice %arg2[%dma_start3A_77, %dma_start3A_78] : memref<10000x64xf32, #tpu.memory_space<hbm>> -> memref<10000x64xf32, #tpu.memory_space<hbm>>
    tpu.enqueue_indirect_dma source(%dma_start3A_79 : memref<10000x64xf32, #tpu.memory_space<hbm>>) target(%arg11 : memref<80x64xf32, #tpu.memory_space<vmem>>) offsets(%dma_start3A_76 : memref<80xi32, #tpu.memory_space<vmem>>) semaphore(%arg18 : memref<!tpu.dma_semaphore, #tpu.memory_space<semaphore_mem>>)
    %dma_start3A_80 = arith.constant 4 : i32
    %dma_start3A_81 = arith.constant 0 : i32
    %dma_start3A_82 = tpu.memref_slice %arg6[%dma_start3A_80, %dma_start3A_81] : memref<125x80xi32, #tpu.memory_space<vmem>> -> memref<1x80xi32, #tpu.memory_space<vmem>>
    %dma_start3A_83 = tpu.memref_squeeze %dma_start3A_82 : memref<1x80xi32, #tpu.memory_space<vmem>> -> memref<80xi32, #tpu.memory_space<vmem>>
    %dma_start3A_84 = arith.constant 0 : i32
    %dma_start3A_85 = arith.constant 0 : i32
    %dma_start3A_86 = tpu.memref_slice %arg2[%dma_start3A_84, %dma_start3A_85] : memref<10000x64xf32, #tpu.memory_space<hbm>> -> memref<10000x64xf32, #tpu.memory_space<hbm>>
    tpu.enqueue_indirect_dma source(%dma_start3A_86 : memref<10000x64xf32, #tpu.memory_space<hbm>>) target(%arg12 : memref<80x64xf32, #tpu.memory_space<vmem>>) offsets(%dma_start3A_83 : memref<80xi32, #tpu.memory_space<vmem>>) semaphore(%arg19 : memref<!tpu.dma_semaphore, #tpu.memory_space<semaphore_mem>>)
    %scan3A_87 = arith.constant 0 : i32
    %scan3A_88 = arith.constant 24 : i32
    %scan3A_89 = arith.addi %scan3A_87, %scan3A_88 : i32
    %scan3A_90 = arith.constant 1 : i32
    scf.for %scan3A_138 = %scan3A_87 to %scan3A_89 step %scan3A_90  : i32 {
      %mul3A_139 = arith.constant 5 : i32
      %mul3A_140 = arith.muli %scan3A_138, %mul3A_139 : i32
      %add3A_141 = arith.constant 0 : i32
      %add3A_142 = arith.addi %mul3A_140, %add3A_141 : i32
      %dma_wait3A_143 = arith.constant 0 : i32
      %dma_wait3A_144 = tpu.memref_slice %arg6[%add3A_142, %dma_wait3A_143] : memref<125x80xi32, #tpu.memory_space<vmem>> -> memref<1x80xi32, #tpu.memory_space<vmem>>
      %dma_wait3A_145 = tpu.memref_squeeze %dma_wait3A_144 : memref<1x80xi32, #tpu.memory_space<vmem>> -> memref<80xi32, #tpu.memory_space<vmem>>
      %dma_wait3A_146 = arith.constant 0 : i32
      %dma_wait3A_147 = arith.constant 0 : i32
      %dma_wait3A_148 = tpu.memref_slice %arg2[%dma_wait3A_146, %dma_wait3A_147] : memref<10000x64xf32, #tpu.memory_space<hbm>> -> memref<10000x64xf32, #tpu.memory_space<hbm>>
      tpu.wait_indirect_dma semaphore(%arg15 : memref<!tpu.dma_semaphore, #tpu.memory_space<semaphore_mem>>) src(%dma_wait3A_148 : memref<10000x64xf32, #tpu.memory_space<hbm>>) dst(%arg8 : memref<80x64xf32, #tpu.memory_space<vmem>>)
      "tpu.region"() ({
        %run_scoped3A_229 = tpu.sem_alloc : memref<!tpu.dma_semaphore, #tpu.memory_space<semaphore_mem>>
        %dma_start3A_230 = arith.constant 0 : i32
        %dma_start3A_231 = tpu.memref_slice %arg7[%add3A_142, %dma_start3A_230] : memref<125x80xi32, #tpu.memory_space<vmem>> -> memref<1x80xi32, #tpu.memory_space<vmem>>
        %dma_start3A_232 = tpu.memref_squeeze %dma_start3A_231 : memref<1x80xi32, #tpu.memory_space<vmem>> -> memref<80xi32, #tpu.memory_space<vmem>>
        %dma_start3A_233 = arith.constant 0 : i32
        %dma_start3A_234 = arith.constant 0 : i32
        %dma_start3A_235 = tpu.memref_slice %arg14[%dma_start3A_233, %dma_start3A_234] : memref<10000x64xf32, #tpu.memory_space<vmem_shared>> -> memref<10000x64xf32, #tpu.memory_space<vmem_shared>>
        tpu.enqueue_indirect_dma source(%arg8 : memref<80x64xf32, #tpu.memory_space<vmem>>) target(%dma_start3A_235 : memref<10000x64xf32, #tpu.memory_space<vmem_shared>>) offsets(%dma_start3A_232 : memref<80xi32, #tpu.memory_space<vmem>>) semaphore(%run_scoped3A_229 : memref<!tpu.dma_semaphore, #tpu.memory_space<semaphore_mem>>) {add = true}
        %dma_wait3A_236 = arith.constant 0 : i32
        %dma_wait3A_237 = tpu.memref_slice %arg7[%add3A_142, %dma_wait3A_236] : memref<125x80xi32, #tpu.memory_space<vmem>> -> memref<1x80xi32, #tpu.memory_space<vmem>>
        %dma_wait3A_238 = tpu.memref_squeeze %dma_wait3A_237 : memref<1x80xi32, #tpu.memory_space<vmem>> -> memref<80xi32, #tpu.memory_space<vmem>>
        %dma_wait3A_239 = arith.constant 0 : i32
        %dma_wait3A_240 = arith.constant 0 : i32
        %dma_wait3A_241 = tpu.memref_slice %arg14[%dma_wait3A_239, %dma_wait3A_240] : memref<10000x64xf32, #tpu.memory_space<vmem_shared>> -> memref<10000x64xf32, #tpu.memory_space<vmem_shared>>
        tpu.wait_indirect_dma semaphore(%run_scoped3A_229 : memref<!tpu.dma_semaphore, #tpu.memory_space<semaphore_mem>>) src(%arg8 : memref<80x64xf32, #tpu.memory_space<vmem>>) dst(%dma_wait3A_241 : memref<10000x64xf32, #tpu.memory_space<vmem_shared>>)
        tpu.yield
      }) : () -> ()
      %add3A_149 = arith.constant 5 : i32
      %add3A_150 = arith.addi %add3A_142, %add3A_149 : i32
      %dma_start3A_151 = arith.constant 0 : i32
      %dma_start3A_152 = tpu.memref_slice %arg6[%add3A_150, %dma_start3A_151] : memref<125x80xi32, #tpu.memory_space<vmem>> -> memref<1x80xi32, #tpu.memory_space<vmem>>
      %dma_start3A_153 = tpu.memref_squeeze %dma_start3A_152 : memref<1x80xi32, #tpu.memory_space<vmem>> -> memref<80xi32, #tpu.memory_space<vmem>>
      %dma_start3A_154 = arith.constant 0 : i32
      %dma_start3A_155 = arith.constant 0 : i32
      %dma_start3A_156 = tpu.memref_slice %arg2[%dma_start3A_154, %dma_start3A_155] : memref<10000x64xf32, #tpu.memory_space<hbm>> -> memref<10000x64xf32, #tpu.memory_space<hbm>>
      tpu.enqueue_indirect_dma source(%dma_start3A_156 : memref<10000x64xf32, #tpu.memory_space<hbm>>) target(%arg8 : memref<80x64xf32, #tpu.memory_space<vmem>>) offsets(%dma_start3A_153 : memref<80xi32, #tpu.memory_space<vmem>>) semaphore(%arg15 : memref<!tpu.dma_semaphore, #tpu.memory_space<semaphore_mem>>)
      %mul3A_157 = arith.constant 5 : i32
      %mul3A_158 = arith.muli %scan3A_138, %mul3A_157 : i32
      %add3A_159 = arith.constant 1 : i32
      %add3A_160 = arith.addi %mul3A_158, %add3A_159 : i32
      %dma_wait3A_161 = arith.constant 0 : i32
      %dma_wait3A_162 = tpu.memref_slice %arg6[%add3A_160, %dma_wait3A_161] : memref<125x80xi32, #tpu.memory_space<vmem>> -> memref<1x80xi32, #tpu.memory_space<vmem>>
      %dma_wait3A_163 = tpu.memref_squeeze %dma_wait3A_162 : memref<1x80xi32, #tpu.memory_space<vmem>> -> memref<80xi32, #tpu.memory_space<vmem>>
      %dma_wait3A_164 = arith.constant 0 : i32
      %dma_wait3A_165 = arith.constant 0 : i32
      %dma_wait3A_166 = tpu.memref_slice %arg2[%dma_wait3A_164, %dma_wait3A_165] : memref<10000x64xf32, #tpu.memory_space<hbm>> -> memref<10000x64xf32, #tpu.memory_space<hbm>>
      tpu.wait_indirect_dma semaphore(%arg16 : memref<!tpu.dma_semaphore, #tpu.memory_space<semaphore_mem>>) src(%dma_wait3A_166 : memref<10000x64xf32, #tpu.memory_space<hbm>>) dst(%arg9 : memref<80x64xf32, #tpu.memory_space<vmem>>)
      "tpu.region"() ({
        %run_scoped3A_229 = tpu.sem_alloc : memref<!tpu.dma_semaphore, #tpu.memory_space<semaphore_mem>>
        %dma_start3A_230 = arith.constant 0 : i32
        %dma_start3A_231 = tpu.memref_slice %arg7[%add3A_160, %dma_start3A_230] : memref<125x80xi32, #tpu.memory_space<vmem>> -> memref<1x80xi32, #tpu.memory_space<vmem>>
        %dma_start3A_232 = tpu.memref_squeeze %dma_start3A_231 : memref<1x80xi32, #tpu.memory_space<vmem>> -> memref<80xi32, #tpu.memory_space<vmem>>
        %dma_start3A_233 = arith.constant 0 : i32
        %dma_start3A_234 = arith.constant 0 : i32
        %dma_start3A_235 = tpu.memref_slice %arg14[%dma_start3A_233, %dma_start3A_234] : memref<10000x64xf32, #tpu.memory_space<vmem_shared>> -> memref<10000x64xf32, #tpu.memory_space<vmem_shared>>
        tpu.enqueue_indirect_dma source(%arg9 : memref<80x64xf32, #tpu.memory_space<vmem>>) target(%dma_start3A_235 : memref<10000x64xf32, #tpu.memory_space<vmem_shared>>) offsets(%dma_start3A_232 : memref<80xi32, #tpu.memory_space<vmem>>) semaphore(%run_scoped3A_229 : memref<!tpu.dma_semaphore, #tpu.memory_space<semaphore_mem>>) {add = true}
        %dma_wait3A_236 = arith.constant 0 : i32
        %dma_wait3A_237 = tpu.memref_slice %arg7[%add3A_160, %dma_wait3A_236] : memref<125x80xi32, #tpu.memory_space<vmem>> -> memref<1x80xi32, #tpu.memory_space<vmem>>
        %dma_wait3A_238 = tpu.memref_squeeze %dma_wait3A_237 : memref<1x80xi32, #tpu.memory_space<vmem>> -> memref<80xi32, #tpu.memory_space<vmem>>
        %dma_wait3A_239 = arith.constant 0 : i32
        %dma_wait3A_240 = arith.constant 0 : i32
        %dma_wait3A_241 = tpu.memref_slice %arg14[%dma_wait3A_239, %dma_wait3A_240] : memref<10000x64xf32, #tpu.memory_space<vmem_shared>> -> memref<10000x64xf32, #tpu.memory_space<vmem_shared>>
        tpu.wait_indirect_dma semaphore(%run_scoped3A_229 : memref<!tpu.dma_semaphore, #tpu.memory_space<semaphore_mem>>) src(%arg9 : memref<80x64xf32, #tpu.memory_space<vmem>>) dst(%dma_wait3A_241 : memref<10000x64xf32, #tpu.memory_space<vmem_shared>>)
        tpu.yield
      }) : () -> ()
      %add3A_167 = arith.constant 5 : i32
      %add3A_168 = arith.addi %add3A_160, %add3A_167 : i32
      %dma_start3A_169 = arith.constant 0 : i32
      %dma_start3A_170 = tpu.memref_slice %arg6[%add3A_168, %dma_start3A_169] : memref<125x80xi32, #tpu.memory_space<vmem>> -> memref<1x80xi32, #tpu.memory_space<vmem>>
      %dma_start3A_171 = tpu.memref_squeeze %dma_start3A_170 : memref<1x80xi32, #tpu.memory_space<vmem>> -> memref<80xi32, #tpu.memory_space<vmem>>
      %dma_start3A_172 = arith.constant 0 : i32
      %dma_start3A_173 = arith.constant 0 : i32
      %dma_start3A_174 = tpu.memref_slice %arg2[%dma_start3A_172, %dma_start3A_173] : memref<10000x64xf32, #tpu.memory_space<hbm>> -> memref<10000x64xf32, #tpu.memory_space<hbm>>
      tpu.enqueue_indirect_dma source(%dma_start3A_174 : memref<10000x64xf32, #tpu.memory_space<hbm>>) target(%arg9 : memref<80x64xf32, #tpu.memory_space<vmem>>) offsets(%dma_start3A_171 : memref<80xi32, #tpu.memory_space<vmem>>) semaphore(%arg16 : memref<!tpu.dma_semaphore, #tpu.memory_space<semaphore_mem>>)
      %mul3A_175 = arith.constant 5 : i32
      %mul3A_176 = arith.muli %scan3A_138, %mul3A_175 : i32
      %add3A_177 = arith.constant 2 : i32
      %add3A_178 = arith.addi %mul3A_176, %add3A_177 : i32
      %dma_wait3A_179 = arith.constant 0 : i32
      %dma_wait3A_180 = tpu.memref_slice %arg6[%add3A_178, %dma_wait3A_179] : memref<125x80xi32, #tpu.memory_space<vmem>> -> memref<1x80xi32, #tpu.memory_space<vmem>>
      %dma_wait3A_181 = tpu.memref_squeeze %dma_wait3A_180 : memref<1x80xi32, #tpu.memory_space<vmem>> -> memref<80xi32, #tpu.memory_space<vmem>>
      %dma_wait3A_182 = arith.constant 0 : i32
      %dma_wait3A_183 = arith.constant 0 : i32
      %dma_wait3A_184 = tpu.memref_slice %arg2[%dma_wait3A_182, %dma_wait3A_183] : memref<10000x64xf32, #tpu.memory_space<hbm>> -> memref<10000x64xf32, #tpu.memory_space<hbm>>
      tpu.wait_indirect_dma semaphore(%arg17 : memref<!tpu.dma_semaphore, #tpu.memory_space<semaphore_mem>>) src(%dma_wait3A_184 : memref<10000x64xf32, #tpu.memory_space<hbm>>) dst(%arg10 : memref<80x64xf32, #tpu.memory_space<vmem>>)
      "tpu.region"() ({
        %run_scoped3A_229 = tpu.sem_alloc : memref<!tpu.dma_semaphore, #tpu.memory_space<semaphore_mem>>
        %dma_start3A_230 = arith.constant 0 : i32
        %dma_start3A_231 = tpu.memref_slice %arg7[%add3A_178, %dma_start3A_230] : memref<125x80xi32, #tpu.memory_space<vmem>> -> memref<1x80xi32, #tpu.memory_space<vmem>>
        %dma_start3A_232 = tpu.memref_squeeze %dma_start3A_231 : memref<1x80xi32, #tpu.memory_space<vmem>> -> memref<80xi32, #tpu.memory_space<vmem>>
        %dma_start3A_233 = arith.constant 0 : i32
        %dma_start3A_234 = arith.constant 0 : i32
        %dma_start3A_235 = tpu.memref_slice %arg14[%dma_start3A_233, %dma_start3A_234] : memref<10000x64xf32, #tpu.memory_space<vmem_shared>> -> memref<10000x64xf32, #tpu.memory_space<vmem_shared>>
        tpu.enqueue_indirect_dma source(%arg10 : memref<80x64xf32, #tpu.memory_space<vmem>>) target(%dma_start3A_235 : memref<10000x64xf32, #tpu.memory_space<vmem_shared>>) offsets(%dma_start3A_232 : memref<80xi32, #tpu.memory_space<vmem>>) semaphore(%run_scoped3A_229 : memref<!tpu.dma_semaphore, #tpu.memory_space<semaphore_mem>>) {add = true}
        %dma_wait3A_236 = arith.constant 0 : i32
        %dma_wait3A_237 = tpu.memref_slice %arg7[%add3A_178, %dma_wait3A_236] : memref<125x80xi32, #tpu.memory_space<vmem>> -> memref<1x80xi32, #tpu.memory_space<vmem>>
        %dma_wait3A_238 = tpu.memref_squeeze %dma_wait3A_237 : memref<1x80xi32, #tpu.memory_space<vmem>> -> memref<80xi32, #tpu.memory_space<vmem>>
        %dma_wait3A_239 = arith.constant 0 : i32
        %dma_wait3A_240 = arith.constant 0 : i32
        %dma_wait3A_241 = tpu.memref_slice %arg14[%dma_wait3A_239, %dma_wait3A_240] : memref<10000x64xf32, #tpu.memory_space<vmem_shared>> -> memref<10000x64xf32, #tpu.memory_space<vmem_shared>>
        tpu.wait_indirect_dma semaphore(%run_scoped3A_229 : memref<!tpu.dma_semaphore, #tpu.memory_space<semaphore_mem>>) src(%arg10 : memref<80x64xf32, #tpu.memory_space<vmem>>) dst(%dma_wait3A_241 : memref<10000x64xf32, #tpu.memory_space<vmem_shared>>)
        tpu.yield
      }) : () -> ()
      %add3A_185 = arith.constant 5 : i32
      %add3A_186 = arith.addi %add3A_178, %add3A_185 : i32
      %dma_start3A_187 = arith.constant 0 : i32
      %dma_start3A_188 = tpu.memref_slice %arg6[%add3A_186, %dma_start3A_187] : memref<125x80xi32, #tpu.memory_space<vmem>> -> memref<1x80xi32, #tpu.memory_space<vmem>>
      %dma_start3A_189 = tpu.memref_squeeze %dma_start3A_188 : memref<1x80xi32, #tpu.memory_space<vmem>> -> memref<80xi32, #tpu.memory_space<vmem>>
      %dma_start3A_190 = arith.constant 0 : i32
      %dma_start3A_191 = arith.constant 0 : i32
      %dma_start3A_192 = tpu.memref_slice %arg2[%dma_start3A_190, %dma_start3A_191] : memref<10000x64xf32, #tpu.memory_space<hbm>> -> memref<10000x64xf32, #tpu.memory_space<hbm>>
      tpu.enqueue_indirect_dma source(%dma_start3A_192 : memref<10000x64xf32, #tpu.memory_space<hbm>>) target(%arg10 : memref<80x64xf32, #tpu.memory_space<vmem>>) offsets(%dma_start3A_189 : memref<80xi32, #tpu.memory_space<vmem>>) semaphore(%arg17 : memref<!tpu.dma_semaphore, #tpu.memory_space<semaphore_mem>>)
      %mul3A_193 = arith.constant 5 : i32
      %mul3A_194 = arith.muli %scan3A_138, %mul3A_193 : i32
      %add3A_195 = arith.constant 3 : i32
      %add3A_196 = arith.addi %mul3A_194, %add3A_195 : i32
      %dma_wait3A_197 = arith.constant 0 : i32
      %dma_wait3A_198 = tpu.memref_slice %arg6[%add3A_196, %dma_wait3A_197] : memref<125x80xi32, #tpu.memory_space<vmem>> -> memref<1x80xi32, #tpu.memory_space<vmem>>
      %dma_wait3A_199 = tpu.memref_squeeze %dma_wait3A_198 : memref<1x80xi32, #tpu.memory_space<vmem>> -> memref<80xi32, #tpu.memory_space<vmem>>
      %dma_wait3A_200 = arith.constant 0 : i32
      %dma_wait3A_201 = arith.constant 0 : i32
      %dma_wait3A_202 = tpu.memref_slice %arg2[%dma_wait3A_200, %dma_wait3A_201] : memref<10000x64xf32, #tpu.memory_space<hbm>> -> memref<10000x64xf32, #tpu.memory_space<hbm>>
      tpu.wait_indirect_dma semaphore(%arg18 : memref<!tpu.dma_semaphore, #tpu.memory_space<semaphore_mem>>) src(%dma_wait3A_202 : memref<10000x64xf32, #tpu.memory_space<hbm>>) dst(%arg11 : memref<80x64xf32, #tpu.memory_space<vmem>>)
      "tpu.region"() ({
        %run_scoped3A_229 = tpu.sem_alloc : memref<!tpu.dma_semaphore, #tpu.memory_space<semaphore_mem>>
        %dma_start3A_230 = arith.constant 0 : i32
        %dma_start3A_231 = tpu.memref_slice %arg7[%add3A_196, %dma_start3A_230] : memref<125x80xi32, #tpu.memory_space<vmem>> -> memref<1x80xi32, #tpu.memory_space<vmem>>
        %dma_start3A_232 = tpu.memref_squeeze %dma_start3A_231 : memref<1x80xi32, #tpu.memory_space<vmem>> -> memref<80xi32, #tpu.memory_space<vmem>>
        %dma_start3A_233 = arith.constant 0 : i32
        %dma_start3A_234 = arith.constant 0 : i32
        %dma_start3A_235 = tpu.memref_slice %arg14[%dma_start3A_233, %dma_start3A_234] : memref<10000x64xf32, #tpu.memory_space<vmem_shared>> -> memref<10000x64xf32, #tpu.memory_space<vmem_shared>>
        tpu.enqueue_indirect_dma source(%arg11 : memref<80x64xf32, #tpu.memory_space<vmem>>) target(%dma_start3A_235 : memref<10000x64xf32, #tpu.memory_space<vmem_shared>>) offsets(%dma_start3A_232 : memref<80xi32, #tpu.memory_space<vmem>>) semaphore(%run_scoped3A_229 : memref<!tpu.dma_semaphore, #tpu.memory_space<semaphore_mem>>) {add = true}
        %dma_wait3A_236 = arith.constant 0 : i32
        %dma_wait3A_237 = tpu.memref_slice %arg7[%add3A_196, %dma_wait3A_236] : memref<125x80xi32, #tpu.memory_space<vmem>> -> memref<1x80xi32, #tpu.memory_space<vmem>>
        %dma_wait3A_238 = tpu.memref_squeeze %dma_wait3A_237 : memref<1x80xi32, #tpu.memory_space<vmem>> -> memref<80xi32, #tpu.memory_space<vmem>>
        %dma_wait3A_239 = arith.constant 0 : i32
        %dma_wait3A_240 = arith.constant 0 : i32
        %dma_wait3A_241 = tpu.memref_slice %arg14[%dma_wait3A_239, %dma_wait3A_240] : memref<10000x64xf32, #tpu.memory_space<vmem_shared>> -> memref<10000x64xf32, #tpu.memory_space<vmem_shared>>
        tpu.wait_indirect_dma semaphore(%run_scoped3A_229 : memref<!tpu.dma_semaphore, #tpu.memory_space<semaphore_mem>>) src(%arg11 : memref<80x64xf32, #tpu.memory_space<vmem>>) dst(%dma_wait3A_241 : memref<10000x64xf32, #tpu.memory_space<vmem_shared>>)
        tpu.yield
      }) : () -> ()
      %add3A_203 = arith.constant 5 : i32
      %add3A_204 = arith.addi %add3A_196, %add3A_203 : i32
      %dma_start3A_205 = arith.constant 0 : i32
      %dma_start3A_206 = tpu.memref_slice %arg6[%add3A_204, %dma_start3A_205] : memref<125x80xi32, #tpu.memory_space<vmem>> -> memref<1x80xi32, #tpu.memory_space<vmem>>
      %dma_start3A_207 = tpu.memref_squeeze %dma_start3A_206 : memref<1x80xi32, #tpu.memory_space<vmem>> -> memref<80xi32, #tpu.memory_space<vmem>>
      %dma_start3A_208 = arith.constant 0 : i32
      %dma_start3A_209 = arith.constant 0 : i32
      %dma_start3A_210 = tpu.memref_slice %arg2[%dma_start3A_208, %dma_start3A_209] : memref<10000x64xf32, #tpu.memory_space<hbm>> -> memref<10000x64xf32, #tpu.memory_space<hbm>>
      tpu.enqueue_indirect_dma source(%dma_start3A_210 : memref<10000x64xf32, #tpu.memory_space<hbm>>) target(%arg11 : memref<80x64xf32, #tpu.memory_space<vmem>>) offsets(%dma_start3A_207 : memref<80xi32, #tpu.memory_space<vmem>>) semaphore(%arg18 : memref<!tpu.dma_semaphore, #tpu.memory_space<semaphore_mem>>)
      %mul3A_211 = arith.constant 5 : i32
      %mul3A_212 = arith.muli %scan3A_138, %mul3A_211 : i32
      %add3A_213 = arith.constant 4 : i32
      %add3A_214 = arith.addi %mul3A_212, %add3A_213 : i32
      %dma_wait3A_215 = arith.constant 0 : i32
      %dma_wait3A_216 = tpu.memref_slice %arg6[%add3A_214, %dma_wait3A_215] : memref<125x80xi32, #tpu.memory_space<vmem>> -> memref<1x80xi32, #tpu.memory_space<vmem>>
      %dma_wait3A_217 = tpu.memref_squeeze %dma_wait3A_216 : memref<1x80xi32, #tpu.memory_space<vmem>> -> memref<80xi32, #tpu.memory_space<vmem>>
      %dma_wait3A_218 = arith.constant 0 : i32
      %dma_wait3A_219 = arith.constant 0 : i32
      %dma_wait3A_220 = tpu.memref_slice %arg2[%dma_wait3A_218, %dma_wait3A_219] : memref<10000x64xf32, #tpu.memory_space<hbm>> -> memref<10000x64xf32, #tpu.memory_space<hbm>>
      tpu.wait_indirect_dma semaphore(%arg19 : memref<!tpu.dma_semaphore, #tpu.memory_space<semaphore_mem>>) src(%dma_wait3A_220 : memref<10000x64xf32, #tpu.memory_space<hbm>>) dst(%arg12 : memref<80x64xf32, #tpu.memory_space<vmem>>)
      "tpu.region"() ({
        %run_scoped3A_229 = tpu.sem_alloc : memref<!tpu.dma_semaphore, #tpu.memory_space<semaphore_mem>>
        %dma_start3A_230 = arith.constant 0 : i32
        %dma_start3A_231 = tpu.memref_slice %arg7[%add3A_214, %dma_start3A_230] : memref<125x80xi32, #tpu.memory_space<vmem>> -> memref<1x80xi32, #tpu.memory_space<vmem>>
        %dma_start3A_232 = tpu.memref_squeeze %dma_start3A_231 : memref<1x80xi32, #tpu.memory_space<vmem>> -> memref<80xi32, #tpu.memory_space<vmem>>
        %dma_start3A_233 = arith.constant 0 : i32
        %dma_start3A_234 = arith.constant 0 : i32
        %dma_start3A_235 = tpu.memref_slice %arg14[%dma_start3A_233, %dma_start3A_234] : memref<10000x64xf32, #tpu.memory_space<vmem_shared>> -> memref<10000x64xf32, #tpu.memory_space<vmem_shared>>
        tpu.enqueue_indirect_dma source(%arg12 : memref<80x64xf32, #tpu.memory_space<vmem>>) target(%dma_start3A_235 : memref<10000x64xf32, #tpu.memory_space<vmem_shared>>) offsets(%dma_start3A_232 : memref<80xi32, #tpu.memory_space<vmem>>) semaphore(%run_scoped3A_229 : memref<!tpu.dma_semaphore, #tpu.memory_space<semaphore_mem>>) {add = true}
        %dma_wait3A_236 = arith.constant 0 : i32
        %dma_wait3A_237 = tpu.memref_slice %arg7[%add3A_214, %dma_wait3A_236] : memref<125x80xi32, #tpu.memory_space<vmem>> -> memref<1x80xi32, #tpu.memory_space<vmem>>
        %dma_wait3A_238 = tpu.memref_squeeze %dma_wait3A_237 : memref<1x80xi32, #tpu.memory_space<vmem>> -> memref<80xi32, #tpu.memory_space<vmem>>
        %dma_wait3A_239 = arith.constant 0 : i32
        %dma_wait3A_240 = arith.constant 0 : i32
        %dma_wait3A_241 = tpu.memref_slice %arg14[%dma_wait3A_239, %dma_wait3A_240] : memref<10000x64xf32, #tpu.memory_space<vmem_shared>> -> memref<10000x64xf32, #tpu.memory_space<vmem_shared>>
        tpu.wait_indirect_dma semaphore(%run_scoped3A_229 : memref<!tpu.dma_semaphore, #tpu.memory_space<semaphore_mem>>) src(%arg12 : memref<80x64xf32, #tpu.memory_space<vmem>>) dst(%dma_wait3A_241 : memref<10000x64xf32, #tpu.memory_space<vmem_shared>>)
        tpu.yield
      }) : () -> ()
      %add3A_221 = arith.constant 5 : i32
      %add3A_222 = arith.addi %add3A_214, %add3A_221 : i32
      %dma_start3A_223 = arith.constant 0 : i32
      %dma_start3A_224 = tpu.memref_slice %arg6[%add3A_222, %dma_start3A_223] : memref<125x80xi32, #tpu.memory_space<vmem>> -> memref<1x80xi32, #tpu.memory_space<vmem>>
      %dma_start3A_225 = tpu.memref_squeeze %dma_start3A_224 : memref<1x80xi32, #tpu.memory_space<vmem>> -> memref<80xi32, #tpu.memory_space<vmem>>
      %dma_start3A_226 = arith.constant 0 : i32
      %dma_start3A_227 = arith.constant 0 : i32
      %dma_start3A_228 = tpu.memref_slice %arg2[%dma_start3A_226, %dma_start3A_227] : memref<10000x64xf32, #tpu.memory_space<hbm>> -> memref<10000x64xf32, #tpu.memory_space<hbm>>
      tpu.enqueue_indirect_dma source(%dma_start3A_228 : memref<10000x64xf32, #tpu.memory_space<hbm>>) target(%arg12 : memref<80x64xf32, #tpu.memory_space<vmem>>) offsets(%dma_start3A_225 : memref<80xi32, #tpu.memory_space<vmem>>) semaphore(%arg19 : memref<!tpu.dma_semaphore, #tpu.memory_space<semaphore_mem>>)
    }
    %scan3A_91 = arith.constant 24 : i32
    %dma_wait3A_92 = arith.constant 120 : i32
    %dma_wait3A_93 = arith.constant 0 : i32
    %dma_wait3A_94 = tpu.memref_slice %arg6[%dma_wait3A_92, %dma_wait3A_93] : memref<125x80xi32, #tpu.memory_space<vmem>> -> memref<1x80xi32, #tpu.memory_space<vmem>>
    %dma_wait3A_95 = tpu.memref_squeeze %dma_wait3A_94 : memref<1x80xi32, #tpu.memory_space<vmem>> -> memref<80xi32, #tpu.memory_space<vmem>>
    %dma_wait3A_96 = arith.constant 0 : i32
    %dma_wait3A_97 = arith.constant 0 : i32
    %dma_wait3A_98 = tpu.memref_slice %arg2[%dma_wait3A_96, %dma_wait3A_97] : memref<10000x64xf32, #tpu.memory_space<hbm>> -> memref<10000x64xf32, #tpu.memory_space<hbm>>
    tpu.wait_indirect_dma semaphore(%arg15 : memref<!tpu.dma_semaphore, #tpu.memory_space<semaphore_mem>>) src(%dma_wait3A_98 : memref<10000x64xf32, #tpu.memory_space<hbm>>) dst(%arg8 : memref<80x64xf32, #tpu.memory_space<vmem>>)
    %run_scoped3A = arith.constant 120 : i32
    "tpu.region"() ({
      %run_scoped3A_138 = tpu.sem_alloc : memref<!tpu.dma_semaphore, #tpu.memory_space<semaphore_mem>>
      %dma_start3A_139 = arith.constant 0 : i32
      %dma_start3A_140 = tpu.memref_slice %arg7[%run_scoped3A, %dma_start3A_139] : memref<125x80xi32, #tpu.memory_space<vmem>> -> memref<1x80xi32, #tpu.memory_space<vmem>>
      %dma_start3A_141 = tpu.memref_squeeze %dma_start3A_140 : memref<1x80xi32, #tpu.memory_space<vmem>> -> memref<80xi32, #tpu.memory_space<vmem>>
      %dma_start3A_142 = arith.constant 0 : i32
      %dma_start3A_143 = arith.constant 0 : i32
      %dma_start3A_144 = tpu.memref_slice %arg14[%dma_start3A_142, %dma_start3A_143] : memref<10000x64xf32, #tpu.memory_space<vmem_shared>> -> memref<10000x64xf32, #tpu.memory_space<vmem_shared>>
      tpu.enqueue_indirect_dma source(%arg8 : memref<80x64xf32, #tpu.memory_space<vmem>>) target(%dma_start3A_144 : memref<10000x64xf32, #tpu.memory_space<vmem_shared>>) offsets(%dma_start3A_141 : memref<80xi32, #tpu.memory_space<vmem>>) semaphore(%run_scoped3A_138 : memref<!tpu.dma_semaphore, #tpu.memory_space<semaphore_mem>>) {add = true}
      %dma_wait3A_145 = arith.constant 0 : i32
      %dma_wait3A_146 = tpu.memref_slice %arg7[%run_scoped3A, %dma_wait3A_145] : memref<125x80xi32, #tpu.memory_space<vmem>> -> memref<1x80xi32, #tpu.memory_space<vmem>>
      %dma_wait3A_147 = tpu.memref_squeeze %dma_wait3A_146 : memref<1x80xi32, #tpu.memory_space<vmem>> -> memref<80xi32, #tpu.memory_space<vmem>>
      %dma_wait3A_148 = arith.constant 0 : i32
      %dma_wait3A_149 = arith.constant 0 : i32
      %dma_wait3A_150 = tpu.memref_slice %arg14[%dma_wait3A_148, %dma_wait3A_149] : memref<10000x64xf32, #tpu.memory_space<vmem_shared>> -> memref<10000x64xf32, #tpu.memory_space<vmem_shared>>
      tpu.wait_indirect_dma semaphore(%run_scoped3A_138 : memref<!tpu.dma_semaphore, #tpu.memory_space<semaphore_mem>>) src(%arg8 : memref<80x64xf32, #tpu.memory_space<vmem>>) dst(%dma_wait3A_150 : memref<10000x64xf32, #tpu.memory_space<vmem_shared>>)
      tpu.yield
    }) : () -> ()
    %dma_wait3A_99 = arith.constant 121 : i32
    %dma_wait3A_100 = arith.constant 0 : i32
    %dma_wait3A_101 = tpu.memref_slice %arg6[%dma_wait3A_99, %dma_wait3A_100] : memref<125x80xi32, #tpu.memory_space<vmem>> -> memref<1x80xi32, #tpu.memory_space<vmem>>
    %dma_wait3A_102 = tpu.memref_squeeze %dma_wait3A_101 : memref<1x80xi32, #tpu.memory_space<vmem>> -> memref<80xi32, #tpu.memory_space<vmem>>
    %dma_wait3A_103 = arith.constant 0 : i32
    %dma_wait3A_104 = arith.constant 0 : i32
    %dma_wait3A_105 = tpu.memref_slice %arg2[%dma_wait3A_103, %dma_wait3A_104] : memref<10000x64xf32, #tpu.memory_space<hbm>> -> memref<10000x64xf32, #tpu.memory_space<hbm>>
    tpu.wait_indirect_dma semaphore(%arg16 : memref<!tpu.dma_semaphore, #tpu.memory_space<semaphore_mem>>) src(%dma_wait3A_105 : memref<10000x64xf32, #tpu.memory_space<hbm>>) dst(%arg9 : memref<80x64xf32, #tpu.memory_space<vmem>>)
    %run_scoped3A_106 = arith.constant 121 : i32
    "tpu.region"() ({
      %run_scoped3A_138 = tpu.sem_alloc : memref<!tpu.dma_semaphore, #tpu.memory_space<semaphore_mem>>
      %dma_start3A_139 = arith.constant 0 : i32
      %dma_start3A_140 = tpu.memref_slice %arg7[%run_scoped3A_106, %dma_start3A_139] : memref<125x80xi32, #tpu.memory_space<vmem>> -> memref<1x80xi32, #tpu.memory_space<vmem>>
      %dma_start3A_141 = tpu.memref_squeeze %dma_start3A_140 : memref<1x80xi32, #tpu.memory_space<vmem>> -> memref<80xi32, #tpu.memory_space<vmem>>
      %dma_start3A_142 = arith.constant 0 : i32
      %dma_start3A_143 = arith.constant 0 : i32
      %dma_start3A_144 = tpu.memref_slice %arg14[%dma_start3A_142, %dma_start3A_143] : memref<10000x64xf32, #tpu.memory_space<vmem_shared>> -> memref<10000x64xf32, #tpu.memory_space<vmem_shared>>
      tpu.enqueue_indirect_dma source(%arg9 : memref<80x64xf32, #tpu.memory_space<vmem>>) target(%dma_start3A_144 : memref<10000x64xf32, #tpu.memory_space<vmem_shared>>) offsets(%dma_start3A_141 : memref<80xi32, #tpu.memory_space<vmem>>) semaphore(%run_scoped3A_138 : memref<!tpu.dma_semaphore, #tpu.memory_space<semaphore_mem>>) {add = true}
      %dma_wait3A_145 = arith.constant 0 : i32
      %dma_wait3A_146 = tpu.memref_slice %arg7[%run_scoped3A_106, %dma_wait3A_145] : memref<125x80xi32, #tpu.memory_space<vmem>> -> memref<1x80xi32, #tpu.memory_space<vmem>>
      %dma_wait3A_147 = tpu.memref_squeeze %dma_wait3A_146 : memref<1x80xi32, #tpu.memory_space<vmem>> -> memref<80xi32, #tpu.memory_space<vmem>>
      %dma_wait3A_148 = arith.constant 0 : i32
      %dma_wait3A_149 = arith.constant 0 : i32
      %dma_wait3A_150 = tpu.memref_slice %arg14[%dma_wait3A_148, %dma_wait3A_149] : memref<10000x64xf32, #tpu.memory_space<vmem_shared>> -> memref<10000x64xf32, #tpu.memory_space<vmem_shared>>
      tpu.wait_indirect_dma semaphore(%run_scoped3A_138 : memref<!tpu.dma_semaphore, #tpu.memory_space<semaphore_mem>>) src(%arg9 : memref<80x64xf32, #tpu.memory_space<vmem>>) dst(%dma_wait3A_150 : memref<10000x64xf32, #tpu.memory_space<vmem_shared>>)
      tpu.yield
    }) : () -> ()
    %dma_wait3A_107 = arith.constant 122 : i32
    %dma_wait3A_108 = arith.constant 0 : i32
    %dma_wait3A_109 = tpu.memref_slice %arg6[%dma_wait3A_107, %dma_wait3A_108] : memref<125x80xi32, #tpu.memory_space<vmem>> -> memref<1x80xi32, #tpu.memory_space<vmem>>
    %dma_wait3A_110 = tpu.memref_squeeze %dma_wait3A_109 : memref<1x80xi32, #tpu.memory_space<vmem>> -> memref<80xi32, #tpu.memory_space<vmem>>
    %dma_wait3A_111 = arith.constant 0 : i32
    %dma_wait3A_112 = arith.constant 0 : i32
    %dma_wait3A_113 = tpu.memref_slice %arg2[%dma_wait3A_111, %dma_wait3A_112] : memref<10000x64xf32, #tpu.memory_space<hbm>> -> memref<10000x64xf32, #tpu.memory_space<hbm>>
    tpu.wait_indirect_dma semaphore(%arg17 : memref<!tpu.dma_semaphore, #tpu.memory_space<semaphore_mem>>) src(%dma_wait3A_113 : memref<10000x64xf32, #tpu.memory_space<hbm>>) dst(%arg10 : memref<80x64xf32, #tpu.memory_space<vmem>>)
    %run_scoped3A_114 = arith.constant 122 : i32
    "tpu.region"() ({
      %run_scoped3A_138 = tpu.sem_alloc : memref<!tpu.dma_semaphore, #tpu.memory_space<semaphore_mem>>
      %dma_start3A_139 = arith.constant 0 : i32
      %dma_start3A_140 = tpu.memref_slice %arg7[%run_scoped3A_114, %dma_start3A_139] : memref<125x80xi32, #tpu.memory_space<vmem>> -> memref<1x80xi32, #tpu.memory_space<vmem>>
      %dma_start3A_141 = tpu.memref_squeeze %dma_start3A_140 : memref<1x80xi32, #tpu.memory_space<vmem>> -> memref<80xi32, #tpu.memory_space<vmem>>
      %dma_start3A_142 = arith.constant 0 : i32
      %dma_start3A_143 = arith.constant 0 : i32
      %dma_start3A_144 = tpu.memref_slice %arg14[%dma_start3A_142, %dma_start3A_143] : memref<10000x64xf32, #tpu.memory_space<vmem_shared>> -> memref<10000x64xf32, #tpu.memory_space<vmem_shared>>
      tpu.enqueue_indirect_dma source(%arg10 : memref<80x64xf32, #tpu.memory_space<vmem>>) target(%dma_start3A_144 : memref<10000x64xf32, #tpu.memory_space<vmem_shared>>) offsets(%dma_start3A_141 : memref<80xi32, #tpu.memory_space<vmem>>) semaphore(%run_scoped3A_138 : memref<!tpu.dma_semaphore, #tpu.memory_space<semaphore_mem>>) {add = true}
      %dma_wait3A_145 = arith.constant 0 : i32
      %dma_wait3A_146 = tpu.memref_slice %arg7[%run_scoped3A_114, %dma_wait3A_145] : memref<125x80xi32, #tpu.memory_space<vmem>> -> memref<1x80xi32, #tpu.memory_space<vmem>>
      %dma_wait3A_147 = tpu.memref_squeeze %dma_wait3A_146 : memref<1x80xi32, #tpu.memory_space<vmem>> -> memref<80xi32, #tpu.memory_space<vmem>>
      %dma_wait3A_148 = arith.constant 0 : i32
      %dma_wait3A_149 = arith.constant 0 : i32
      %dma_wait3A_150 = tpu.memref_slice %arg14[%dma_wait3A_148, %dma_wait3A_149] : memref<10000x64xf32, #tpu.memory_space<vmem_shared>> -> memref<10000x64xf32, #tpu.memory_space<vmem_shared>>
      tpu.wait_indirect_dma semaphore(%run_scoped3A_138 : memref<!tpu.dma_semaphore, #tpu.memory_space<semaphore_mem>>) src(%arg10 : memref<80x64xf32, #tpu.memory_space<vmem>>) dst(%dma_wait3A_150 : memref<10000x64xf32, #tpu.memory_space<vmem_shared>>)
      tpu.yield
    }) : () -> ()
    %dma_wait3A_115 = arith.constant 123 : i32
    %dma_wait3A_116 = arith.constant 0 : i32
    %dma_wait3A_117 = tpu.memref_slice %arg6[%dma_wait3A_115, %dma_wait3A_116] : memref<125x80xi32, #tpu.memory_space<vmem>> -> memref<1x80xi32, #tpu.memory_space<vmem>>
    %dma_wait3A_118 = tpu.memref_squeeze %dma_wait3A_117 : memref<1x80xi32, #tpu.memory_space<vmem>> -> memref<80xi32, #tpu.memory_space<vmem>>
    %dma_wait3A_119 = arith.constant 0 : i32
    %dma_wait3A_120 = arith.constant 0 : i32
    %dma_wait3A_121 = tpu.memref_slice %arg2[%dma_wait3A_119, %dma_wait3A_120] : memref<10000x64xf32, #tpu.memory_space<hbm>> -> memref<10000x64xf32, #tpu.memory_space<hbm>>
    tpu.wait_indirect_dma semaphore(%arg18 : memref<!tpu.dma_semaphore, #tpu.memory_space<semaphore_mem>>) src(%dma_wait3A_121 : memref<10000x64xf32, #tpu.memory_space<hbm>>) dst(%arg11 : memref<80x64xf32, #tpu.memory_space<vmem>>)
    %run_scoped3A_122 = arith.constant 123 : i32
    "tpu.region"() ({
      %run_scoped3A_138 = tpu.sem_alloc : memref<!tpu.dma_semaphore, #tpu.memory_space<semaphore_mem>>
      %dma_start3A_139 = arith.constant 0 : i32
      %dma_start3A_140 = tpu.memref_slice %arg7[%run_scoped3A_122, %dma_start3A_139] : memref<125x80xi32, #tpu.memory_space<vmem>> -> memref<1x80xi32, #tpu.memory_space<vmem>>
      %dma_start3A_141 = tpu.memref_squeeze %dma_start3A_140 : memref<1x80xi32, #tpu.memory_space<vmem>> -> memref<80xi32, #tpu.memory_space<vmem>>
      %dma_start3A_142 = arith.constant 0 : i32
      %dma_start3A_143 = arith.constant 0 : i32
      %dma_start3A_144 = tpu.memref_slice %arg14[%dma_start3A_142, %dma_start3A_143] : memref<10000x64xf32, #tpu.memory_space<vmem_shared>> -> memref<10000x64xf32, #tpu.memory_space<vmem_shared>>
      tpu.enqueue_indirect_dma source(%arg11 : memref<80x64xf32, #tpu.memory_space<vmem>>) target(%dma_start3A_144 : memref<10000x64xf32, #tpu.memory_space<vmem_shared>>) offsets(%dma_start3A_141 : memref<80xi32, #tpu.memory_space<vmem>>) semaphore(%run_scoped3A_138 : memref<!tpu.dma_semaphore, #tpu.memory_space<semaphore_mem>>) {add = true}
      %dma_wait3A_145 = arith.constant 0 : i32
      %dma_wait3A_146 = tpu.memref_slice %arg7[%run_scoped3A_122, %dma_wait3A_145] : memref<125x80xi32, #tpu.memory_space<vmem>> -> memref<1x80xi32, #tpu.memory_space<vmem>>
      %dma_wait3A_147 = tpu.memref_squeeze %dma_wait3A_146 : memref<1x80xi32, #tpu.memory_space<vmem>> -> memref<80xi32, #tpu.memory_space<vmem>>
      %dma_wait3A_148 = arith.constant 0 : i32
      %dma_wait3A_149 = arith.constant 0 : i32
      %dma_wait3A_150 = tpu.memref_slice %arg14[%dma_wait3A_148, %dma_wait3A_149] : memref<10000x64xf32, #tpu.memory_space<vmem_shared>> -> memref<10000x64xf32, #tpu.memory_space<vmem_shared>>
      tpu.wait_indirect_dma semaphore(%run_scoped3A_138 : memref<!tpu.dma_semaphore, #tpu.memory_space<semaphore_mem>>) src(%arg11 : memref<80x64xf32, #tpu.memory_space<vmem>>) dst(%dma_wait3A_150 : memref<10000x64xf32, #tpu.memory_space<vmem_shared>>)
      tpu.yield
    }) : () -> ()
    %dma_wait3A_123 = arith.constant 124 : i32
    %dma_wait3A_124 = arith.constant 0 : i32
    %dma_wait3A_125 = tpu.memref_slice %arg6[%dma_wait3A_123, %dma_wait3A_124] : memref<125x80xi32, #tpu.memory_space<vmem>> -> memref<1x80xi32, #tpu.memory_space<vmem>>
    %dma_wait3A_126 = tpu.memref_squeeze %dma_wait3A_125 : memref<1x80xi32, #tpu.memory_space<vmem>> -> memref<80xi32, #tpu.memory_space<vmem>>
    %dma_wait3A_127 = arith.constant 0 : i32
    %dma_wait3A_128 = arith.constant 0 : i32
    %dma_wait3A_129 = tpu.memref_slice %arg2[%dma_wait3A_127, %dma_wait3A_128] : memref<10000x64xf32, #tpu.memory_space<hbm>> -> memref<10000x64xf32, #tpu.memory_space<hbm>>
    tpu.wait_indirect_dma semaphore(%arg19 : memref<!tpu.dma_semaphore, #tpu.memory_space<semaphore_mem>>) src(%dma_wait3A_129 : memref<10000x64xf32, #tpu.memory_space<hbm>>) dst(%arg12 : memref<80x64xf32, #tpu.memory_space<vmem>>)
    %run_scoped3A_130 = arith.constant 124 : i32
    "tpu.region"() ({
      %run_scoped3A_138 = tpu.sem_alloc : memref<!tpu.dma_semaphore, #tpu.memory_space<semaphore_mem>>
      %dma_start3A_139 = arith.constant 0 : i32
      %dma_start3A_140 = tpu.memref_slice %arg7[%run_scoped3A_130, %dma_start3A_139] : memref<125x80xi32, #tpu.memory_space<vmem>> -> memref<1x80xi32, #tpu.memory_space<vmem>>
      %dma_start3A_141 = tpu.memref_squeeze %dma_start3A_140 : memref<1x80xi32, #tpu.memory_space<vmem>> -> memref<80xi32, #tpu.memory_space<vmem>>
      %dma_start3A_142 = arith.constant 0 : i32
      %dma_start3A_143 = arith.constant 0 : i32
      %dma_start3A_144 = tpu.memref_slice %arg14[%dma_start3A_142, %dma_start3A_143] : memref<10000x64xf32, #tpu.memory_space<vmem_shared>> -> memref<10000x64xf32, #tpu.memory_space<vmem_shared>>
      tpu.enqueue_indirect_dma source(%arg12 : memref<80x64xf32, #tpu.memory_space<vmem>>) target(%dma_start3A_144 : memref<10000x64xf32, #tpu.memory_space<vmem_shared>>) offsets(%dma_start3A_141 : memref<80xi32, #tpu.memory_space<vmem>>) semaphore(%run_scoped3A_138 : memref<!tpu.dma_semaphore, #tpu.memory_space<semaphore_mem>>) {add = true}
      %dma_wait3A_145 = arith.constant 0 : i32
      %dma_wait3A_146 = tpu.memref_slice %arg7[%run_scoped3A_130, %dma_wait3A_145] : memref<125x80xi32, #tpu.memory_space<vmem>> -> memref<1x80xi32, #tpu.memory_space<vmem>>
      %dma_wait3A_147 = tpu.memref_squeeze %dma_wait3A_146 : memref<1x80xi32, #tpu.memory_space<vmem>> -> memref<80xi32, #tpu.memory_space<vmem>>
      %dma_wait3A_148 = arith.constant 0 : i32
      %dma_wait3A_149 = arith.constant 0 : i32
      %dma_wait3A_150 = tpu.memref_slice %arg14[%dma_wait3A_148, %dma_wait3A_149] : memref<10000x64xf32, #tpu.memory_space<vmem_shared>> -> memref<10000x64xf32, #tpu.memory_space<vmem_shared>>
      tpu.wait_indirect_dma semaphore(%run_scoped3A_138 : memref<!tpu.dma_semaphore, #tpu.memory_space<semaphore_mem>>) src(%arg12 : memref<80x64xf32, #tpu.memory_space<vmem>>) dst(%dma_wait3A_150 : memref<10000x64xf32, #tpu.memory_space<vmem_shared>>)
      tpu.yield
    }) : () -> ()
    %barrier3A_131 = arith.constant 0 : index
    tpu.barrier barrier_id(%barrier3A_131)
    %mul3A_132 = arith.constant 624 : i32
    %mul3A_133 = arith.muli %arg1, %mul3A_132 : i32
    %mul3A_134 = arith.constant 624 : i32
    %mul3A_135 = arith.muli %arg1, %mul3A_134 : i32
    "tpu.region"() ({
      %run_scoped3A_138 = tpu.sem_alloc : memref<!tpu.dma_semaphore, #tpu.memory_space<semaphore_mem>>
      %dma_start3A_139 = arith.constant 0 : i32
      %dma_start3A_140 = tpu.memref_slice %arg5[%arg0, %mul3A_135, %dma_start3A_139] : memref<2x10000x64xf32, #tpu.memory_space<hbm>> -> memref<1x624x64xf32, #tpu.memory_space<hbm>>
      %dma_start3A_141 = tpu.memref_squeeze %dma_start3A_140 : memref<1x624x64xf32, #tpu.memory_space<hbm>> -> memref<624x64xf32, #tpu.memory_space<hbm>>
      %dma_start3A_142 = arith.constant 0 : i32
      %dma_start3A_143 = tpu.memref_slice %arg14[%mul3A_133, %dma_start3A_142] : memref<10000x64xf32, #tpu.memory_space<vmem_shared>> -> memref<624x64xf32, #tpu.memory_space<vmem_shared>>
      tpu.enqueue_dma source(%dma_start3A_143 : memref<624x64xf32, #tpu.memory_space<vmem_shared>>) target(%dma_start3A_141 : memref<624x64xf32, #tpu.memory_space<hbm>>) target_semaphore(%run_scoped3A_138 : memref<!tpu.dma_semaphore, #tpu.memory_space<semaphore_mem>>)
      %dma_wait3A_144 = arith.constant 0 : i32
      %dma_wait3A_145 = tpu.memref_slice %arg5[%arg0, %mul3A_135, %dma_wait3A_144] : memref<2x10000x64xf32, #tpu.memory_space<hbm>> -> memref<1x624x64xf32, #tpu.memory_space<hbm>>
      %dma_wait3A_146 = tpu.memref_squeeze %dma_wait3A_145 : memref<1x624x64xf32, #tpu.memory_space<hbm>> -> memref<624x64xf32, #tpu.memory_space<hbm>>
      %dma_wait3A_147 = arith.constant 0 : i32
      %dma_wait3A_148 = tpu.memref_slice %arg14[%mul3A_133, %dma_wait3A_147] : memref<10000x64xf32, #tpu.memory_space<vmem_shared>> -> memref<624x64xf32, #tpu.memory_space<vmem_shared>>
      tpu.wait_dma2 semaphore(%run_scoped3A_138 : memref<!tpu.dma_semaphore, #tpu.memory_space<semaphore_mem>>) src(%dma_wait3A_148 : memref<624x64xf32, #tpu.memory_space<vmem_shared>>) dst(%dma_wait3A_146 : memref<624x64xf32, #tpu.memory_space<hbm>>)
      tpu.yield
    }) : () -> ()
    %eq3A = arith.constant 15 : i32
    %eq3A_136 = arith.cmpi eq, %arg1, %eq3A : i32
    %convert_element_type3A = arith.extui %eq3A_136 : i1 to i32
    %cond3A = arith.constant 0 : i32
    %cond3A_137 = arith.cmpi ne, %convert_element_type3A, %cond3A : i32
    scf.if %cond3A_137 {
      "tpu.region"() ({
        %run_scoped3A_138 = tpu.sem_alloc : memref<!tpu.dma_semaphore, #tpu.memory_space<semaphore_mem>>
        %dma_start3A_139 = arith.constant 9984 : i32
        %dma_start3A_140 = arith.constant 0 : i32
        %dma_start3A_141 = tpu.memref_slice %arg5[%arg0, %dma_start3A_139, %dma_start3A_140] : memref<2x10000x64xf32, #tpu.memory_space<hbm>> -> memref<1x16x64xf32, #tpu.memory_space<hbm>>
        %dma_start3A_142 = tpu.memref_squeeze %dma_start3A_141 : memref<1x16x64xf32, #tpu.memory_space<hbm>> -> memref<16x64xf32, #tpu.memory_space<hbm>>
        %dma_start3A_143 = arith.constant 9984 : i32
        %dma_start3A_144 = arith.constant 0 : i32
        %dma_start3A_145 = tpu.memref_slice %arg14[%dma_start3A_143, %dma_start3A_144] : memref<10000x64xf32, #tpu.memory_space<vmem_shared>> -> memref<16x64xf32, #tpu.memory_space<vmem_shared>>
        tpu.enqueue_dma source(%dma_start3A_145 : memref<16x64xf32, #tpu.memory_space<vmem_shared>>) target(%dma_start3A_142 : memref<16x64xf32, #tpu.memory_space<hbm>>) target_semaphore(%run_scoped3A_138 : memref<!tpu.dma_semaphore, #tpu.memory_space<semaphore_mem>>)
        %dma_wait3A_146 = arith.constant 9984 : i32
        %dma_wait3A_147 = arith.constant 0 : i32
        %dma_wait3A_148 = tpu.memref_slice %arg5[%arg0, %dma_wait3A_146, %dma_wait3A_147] : memref<2x10000x64xf32, #tpu.memory_space<hbm>> -> memref<1x16x64xf32, #tpu.memory_space<hbm>>
        %dma_wait3A_149 = tpu.memref_squeeze %dma_wait3A_148 : memref<1x16x64xf32, #tpu.memory_space<hbm>> -> memref<16x64xf32, #tpu.memory_space<hbm>>
        %dma_wait3A_150 = arith.constant 9984 : i32
        %dma_wait3A_151 = arith.constant 0 : i32
        %dma_wait3A_152 = tpu.memref_slice %arg14[%dma_wait3A_150, %dma_wait3A_151] : memref<10000x64xf32, #tpu.memory_space<vmem_shared>> -> memref<16x64xf32, #tpu.memory_space<vmem_shared>>
        tpu.wait_dma2 semaphore(%run_scoped3A_138 : memref<!tpu.dma_semaphore, #tpu.memory_space<semaphore_mem>>) src(%dma_wait3A_152 : memref<16x64xf32, #tpu.memory_space<vmem_shared>>) dst(%dma_wait3A_149 : memref<16x64xf32, #tpu.memory_space<hbm>>)
        tpu.yield
      }) : () -> ()
    } else {
    }
    return
  }
}

module attributes {stable_mosaic.version = 14 : i64} {
  func.func @_mm1_body(%arg0: i32, %arg1: memref<2x1000x32xf32, #tpu.memory_space<vmem>>, %arg2: memref<1000x256xf32, #tpu.memory_space<vmem>>, %arg3: memref<256x128xf32, #tpu.memory_space<vmem>>, %arg4: memref<1000x128xf32, #tpu.memory_space<vmem>>, %arg5: memref<1000x128xf32, #tpu.memory_space<vmem>>) attributes {dimension_semantics = [#tpu.dimension_semantics<arbitrary>], iteration_bounds = array<i64: 5>, scalar_prefetch = 0 : i64, scratch_operands = 0 : i64, tpu.core_type = #tpu.core_type<tc>, window_params = [{transform_indices = @transform_0, window_bounds = array<i64: 2, 1000, 32>}, {transform_indices = @transform_1, window_bounds = array<i64: 1000, 256>}, {pipeline_mode = #tpu.pipeline_mode<synchronous>, transform_indices = @transform_2, window_bounds = array<i64: 256, 128>}, {transform_indices = @transform_3, window_bounds = array<i64: 1000, 128>}, {transform_indices = @transform_4, window_bounds = array<i64: 1000, 128>}]} {
    %get3A = arith.constant 0 : index
    %get3A_0 = arith.constant 0 : index
    %get3A_1 = arith.constant 0 : index
    %get3A_2 = vector.load %arg1[%get3A, %get3A_0, %get3A_1] : memref<2x1000x32xf32, #tpu.memory_space<vmem>>, vector<1x1000x32xf32>
    %get3A_3 = vector.shape_cast %get3A_2 : vector<1x1000x32xf32> to vector<1000x32xf32>
    %get3A_4 = arith.constant 1 : index
    %get3A_5 = arith.constant 0 : index
    %get3A_6 = arith.constant 0 : index
    %get3A_7 = vector.load %arg1[%get3A_4, %get3A_5, %get3A_6] : memref<2x1000x32xf32, #tpu.memory_space<vmem>>, vector<1x1000x32xf32>
    %get3A_8 = vector.shape_cast %get3A_7 : vector<1x1000x32xf32> to vector<1000x32xf32>
    %add3A = arith.addf %get3A_3, %get3A_8 : vector<1000x32xf32>
    %slice3A = vector.extract_strided_slice %add3A {offsets = [0, 0], sizes = [1000, 16], strides = [1, 1]} : vector<1000x32xf32> to vector<1000x16xf32>
    %reduce_sum3A = arith.constant dense<0.000000e+00> : vector<1000xf32>
    %reduce_sum3A_9 = vector.multi_reduction <add>, %slice3A, %reduce_sum3A [1] : vector<1000x16xf32> to vector<1000xf32>
    %broadcast_in_dim3A = vector.shape_cast %reduce_sum3A_9 : vector<1000xf32> to vector<1000x1xf32>
    %add3A_10 = arith.constant 1.000000e+00 : f32
    %add3A_11 = vector.broadcast %add3A_10 : f32 to vector<1000x1xf32>
    %add3A_12 = arith.addf %add3A_11, %broadcast_in_dim3A : vector<1000x1xf32>
    %rsqrt3A = math.rsqrt %add3A_12 : vector<1000x1xf32>
    %slice3A_13 = vector.extract_strided_slice %add3A {offsets = [0, 16], sizes = [1000, 16], strides = [1, 1]} : vector<1000x32xf32> to vector<1000x16xf32>
    %reduce_sum3A_14 = arith.constant dense<0.000000e+00> : vector<1000xf32>
    %reduce_sum3A_15 = vector.multi_reduction <add>, %slice3A_13, %reduce_sum3A_14 [1] : vector<1000x16xf32> to vector<1000xf32>
    %broadcast_in_dim3A_16 = vector.shape_cast %reduce_sum3A_15 : vector<1000xf32> to vector<1000x1xf32>
    %add3A_17 = arith.constant 1.000000e+00 : f32
    %add3A_18 = vector.broadcast %add3A_17 : f32 to vector<1000x1xf32>
    %add3A_19 = arith.addf %add3A_18, %broadcast_in_dim3A_16 : vector<1000x1xf32>
    %rsqrt3A_20 = math.rsqrt %add3A_19 : vector<1000x1xf32>
    %broadcast_in_dim3A_21 = vector.shape_cast %rsqrt3A : vector<1000x1xf32> to vector<1000x1xf32>
    %broadcast_in_dim3A_22 = vector.broadcast %broadcast_in_dim3A_21 : vector<1000x1xf32> to vector<1000x64xf32>
    %broadcast_in_dim3A_23 = vector.shape_cast %rsqrt3A_20 : vector<1000x1xf32> to vector<1000x1xf32>
    %broadcast_in_dim3A_24 = vector.broadcast %broadcast_in_dim3A_23 : vector<1000x1xf32> to vector<1000x64xf32>
    %concatenate3A = tpu.concatenate %broadcast_in_dim3A_22, %broadcast_in_dim3A_24 in 1 : vector<1000x64xf32>, vector<1000x64xf32> -> vector<1000x128xf32>
    %swap3A = arith.constant 0 : index
    %swap3A_25 = arith.constant 0 : index
    %swap3A_26 = vector.load %arg5[%swap3A, %swap3A_25] : memref<1000x128xf32, #tpu.memory_space<vmem>>, vector<1000x128xf32>
    tpu.vector_store %arg5[%swap3A, %swap3A_25], %concatenate3A {strides = array<i32>} : memref<1000x128xf32, #tpu.memory_space<vmem>>, vector<1000x128xf32>,
    %get3A_27 = arith.constant 0 : index
    %get3A_28 = arith.constant 0 : index
    %get3A_29 = vector.load %arg2[%get3A_27, %get3A_28] : memref<1000x256xf32, #tpu.memory_space<vmem>>, vector<1000x256xf32>
    %get3A_30 = arith.constant 0 : index
    %get3A_31 = arith.constant 0 : index
    %get3A_32 = vector.load %arg3[%get3A_30, %get3A_31] : memref<256x128xf32, #tpu.memory_space<vmem>>, vector<256x128xf32>
    %dot_general3A = arith.constant dense<0.000000e+00> : vector<1000x128xf32>
    %dot_general3A_33 = tpu.matmul %get3A_29, %get3A_32, %dot_general3A {dimension_numbers = #tpu.dot_dimension_numbers<[1], [0], [0], [1], [0, 0, 1, 1], [], []>, transpose_lhs_hint = false} : vector<1000x256xf32>, vector<256x128xf32>, vector<1000x128xf32> -> vector<1000x128xf32>
    %mul3A = arith.mulf %dot_general3A_33, %concatenate3A : vector<1000x128xf32>
    %swap3A_34 = arith.constant 0 : index
    %swap3A_35 = arith.constant 0 : index
    %swap3A_36 = vector.load %arg4[%swap3A_34, %swap3A_35] : memref<1000x128xf32, #tpu.memory_space<vmem>>, vector<1000x128xf32>
    tpu.vector_store %arg4[%swap3A_34, %swap3A_35], %mul3A {strides = array<i32>} : memref<1000x128xf32, #tpu.memory_space<vmem>>, vector<1000x128xf32>,
    return
  }
  func.func @transform_0(%arg0: i32) -> (i32, i32, i32) {
    %c0_i32 = arith.constant 0 : i32
    %c0_i32_0 = arith.constant 0 : i32
    %c0_i32_1 = arith.constant 0 : i32
    return %c0_i32, %arg0, %c0_i32_0 : i32, i32, i32
  }
  func.func @transform_1(%arg0: i32) -> (i32, i32) {
    %c0_i32 = arith.constant 0 : i32
    %c0_i32_0 = arith.constant 0 : i32
    return %arg0, %c0_i32 : i32, i32
  }
  func.func @transform_2(%arg0: i32) -> (i32, i32) {
    %c0_i32 = arith.constant 0 : i32
    %c0_i32_0 = arith.constant 0 : i32
    %c0_i32_1 = arith.constant 0 : i32
    return %c0_i32, %c0_i32_0 : i32, i32
  }
  func.func @transform_3(%arg0: i32) -> (i32, i32) {
    %c0_i32 = arith.constant 0 : i32
    %c0_i32_0 = arith.constant 0 : i32
    return %arg0, %c0_i32 : i32, i32
  }
  func.func @transform_4(%arg0: i32) -> (i32, i32) {
    %c0_i32 = arith.constant 0 : i32
    %c0_i32_0 = arith.constant 0 : i32
    return %arg0, %c0_i32 : i32, i32
  }
}

module attributes {stable_mosaic.version = 14 : i64} {
  func.func @_mm2_body(%arg0: i32, %arg1: memref<1000x128xf32, #tpu.memory_space<vmem>>, %arg2: memref<2x1000x128xf32, #tpu.memory_space<vmem>>, %arg3: memref<1000x128xf32, #tpu.memory_space<vmem>>, %arg4: memref<1x128xf32, #tpu.memory_space<vmem>>, %arg5: memref<128x128xf32, #tpu.memory_space<vmem>>, %arg6: memref<1000x128xf32, #tpu.memory_space<vmem>>) attributes {dimension_semantics = [#tpu.dimension_semantics<arbitrary>], iteration_bounds = array<i64: 5>, scalar_prefetch = 0 : i64, scratch_operands = 0 : i64, tpu.core_type = #tpu.core_type<tc>, window_params = [{transform_indices = @transform_0, window_bounds = array<i64: 1000, 128>}, {transform_indices = @transform_1, window_bounds = array<i64: 2, 1000, 128>}, {transform_indices = @transform_2, window_bounds = array<i64: 1000, 128>}, {pipeline_mode = #tpu.pipeline_mode<synchronous>, transform_indices = @transform_3, window_bounds = array<i64: 1, 128>}, {pipeline_mode = #tpu.pipeline_mode<synchronous>, transform_indices = @transform_4, window_bounds = array<i64: 128, 128>}, {transform_indices = @transform_5, window_bounds = array<i64: 1000, 128>}]} {
    %get3A = arith.constant 0 : index
    %get3A_0 = arith.constant 0 : index
    %get3A_1 = vector.load %arg1[%get3A, %get3A_0] : memref<1000x128xf32, #tpu.memory_space<vmem>>, vector<1000x128xf32>
    %get3A_2 = arith.constant 0 : index
    %get3A_3 = arith.constant 0 : index
    %get3A_4 = arith.constant 0 : index
    %get3A_5 = vector.load %arg2[%get3A_2, %get3A_3, %get3A_4] : memref<2x1000x128xf32, #tpu.memory_space<vmem>>, vector<1x1000x128xf32>
    %get3A_6 = vector.shape_cast %get3A_5 : vector<1x1000x128xf32> to vector<1000x128xf32>
    %get3A_7 = arith.constant 1 : index
    %get3A_8 = arith.constant 0 : index
    %get3A_9 = arith.constant 0 : index
    %get3A_10 = vector.load %arg2[%get3A_7, %get3A_8, %get3A_9] : memref<2x1000x128xf32, #tpu.memory_space<vmem>>, vector<1x1000x128xf32>
    %get3A_11 = vector.shape_cast %get3A_10 : vector<1x1000x128xf32> to vector<1000x128xf32>
    %add3A = arith.addf %get3A_6, %get3A_11 : vector<1000x128xf32>
    %get3A_12 = arith.constant 0 : index
    %get3A_13 = arith.constant 0 : index
    %get3A_14 = vector.load %arg3[%get3A_12, %get3A_13] : memref<1000x128xf32, #tpu.memory_space<vmem>>, vector<1000x128xf32>
    %add3A_15 = arith.addf %add3A, %get3A_14 : vector<1000x128xf32>
    %mul3A = arith.mulf %add3A_15, %get3A_1 : vector<1000x128xf32>
    %get3A_16 = arith.constant 0 : index
    %get3A_17 = arith.constant 0 : index
    %get3A_18 = vector.load %arg4[%get3A_16, %get3A_17] : memref<1x128xf32, #tpu.memory_space<vmem>>, vector<1x128xf32>
    %add3A_19 = vector.broadcast %get3A_18 : vector<1x128xf32> to vector<1000x128xf32>
    %add3A_20 = arith.addf %mul3A, %add3A_19 : vector<1000x128xf32>
    %max3A = arith.constant 0.000000e+00 : f32
    %max3A_21 = vector.broadcast %max3A : f32 to vector<1000x128xf32>
    %max3A_22 = arith.maximumf %add3A_20, %max3A_21 : vector<1000x128xf32>
    %get3A_23 = arith.constant 0 : index
    %get3A_24 = arith.constant 0 : index
    %get3A_25 = vector.load %arg5[%get3A_23, %get3A_24] : memref<128x128xf32, #tpu.memory_space<vmem>>, vector<128x128xf32>
    %dot_general3A = arith.constant dense<0.000000e+00> : vector<1000x128xf32>
    %dot_general3A_26 = tpu.matmul %max3A_22, %get3A_25, %dot_general3A {dimension_numbers = #tpu.dot_dimension_numbers<[1], [0], [0], [1], [0, 0, 1, 1], [], []>, transpose_lhs_hint = false} : vector<1000x128xf32>, vector<128x128xf32>, vector<1000x128xf32> -> vector<1000x128xf32>
    %mul3A_27 = arith.mulf %dot_general3A_26, %get3A_1 : vector<1000x128xf32>
    %swap3A = arith.constant 0 : index
    %swap3A_28 = arith.constant 0 : index
    %swap3A_29 = vector.load %arg6[%swap3A, %swap3A_28] : memref<1000x128xf32, #tpu.memory_space<vmem>>, vector<1000x128xf32>
    tpu.vector_store %arg6[%swap3A, %swap3A_28], %mul3A_27 {strides = array<i32>} : memref<1000x128xf32, #tpu.memory_space<vmem>>, vector<1000x128xf32>,
    return
  }
  func.func @transform_0(%arg0: i32) -> (i32, i32) {
    %c0_i32 = arith.constant 0 : i32
    %c0_i32_0 = arith.constant 0 : i32
    return %arg0, %c0_i32 : i32, i32
  }
  func.func @transform_1(%arg0: i32) -> (i32, i32, i32) {
    %c0_i32 = arith.constant 0 : i32
    %c0_i32_0 = arith.constant 0 : i32
    %c0_i32_1 = arith.constant 0 : i32
    return %c0_i32, %arg0, %c0_i32_0 : i32, i32, i32
  }
  func.func @transform_2(%arg0: i32) -> (i32, i32) {
    %c0_i32 = arith.constant 0 : i32
    %c0_i32_0 = arith.constant 0 : i32
    return %arg0, %c0_i32 : i32, i32
  }
  func.func @transform_3(%arg0: i32) -> (i32, i32) {
    %c0_i32 = arith.constant 0 : i32
    %c0_i32_0 = arith.constant 0 : i32
    %c0_i32_1 = arith.constant 0 : i32
    return %c0_i32, %c0_i32_0 : i32, i32
  }
  func.func @transform_4(%arg0: i32) -> (i32, i32) {
    %c0_i32 = arith.constant 0 : i32
    %c0_i32_0 = arith.constant 0 : i32
    %c0_i32_1 = arith.constant 0 : i32
    return %c0_i32, %c0_i32_0 : i32, i32
  }
  func.func @transform_5(%arg0: i32) -> (i32, i32) {
    %c0_i32 = arith.constant 0 : i32
    %c0_i32_0 = arith.constant 0 : i32
    return %arg0, %c0_i32 : i32, i32
  }
}

module attributes {stable_mosaic.version = 14 : i64} {
  func.func @_mm3_body(%arg0: i32, %arg1: memref<1000x128xf32, #tpu.memory_space<vmem>>, %arg2: memref<2x1000x128xf32, #tpu.memory_space<vmem>>, %arg3: memref<1000x128xf32, #tpu.memory_space<vmem>>, %arg4: memref<1x128xf32, #tpu.memory_space<vmem>>, %arg5: memref<1000x128xf32, #tpu.memory_space<vmem>>) attributes {dimension_semantics = [#tpu.dimension_semantics<arbitrary>], iteration_bounds = array<i64: 5>, scalar_prefetch = 0 : i64, scratch_operands = 0 : i64, tpu.core_type = #tpu.core_type<tc>, window_params = [{transform_indices = @transform_0, window_bounds = array<i64: 1000, 128>}, {transform_indices = @transform_1, window_bounds = array<i64: 2, 1000, 128>}, {transform_indices = @transform_2, window_bounds = array<i64: 1000, 128>}, {pipeline_mode = #tpu.pipeline_mode<synchronous>, transform_indices = @transform_3, window_bounds = array<i64: 1, 128>}, {transform_indices = @transform_4, window_bounds = array<i64: 1000, 128>}]} {
    %get3A = arith.constant 0 : index
    %get3A_0 = arith.constant 0 : index
    %get3A_1 = arith.constant 0 : index
    %get3A_2 = vector.load %arg2[%get3A, %get3A_0, %get3A_1] : memref<2x1000x128xf32, #tpu.memory_space<vmem>>, vector<1x1000x128xf32>
    %get3A_3 = vector.shape_cast %get3A_2 : vector<1x1000x128xf32> to vector<1000x128xf32>
    %get3A_4 = arith.constant 1 : index
    %get3A_5 = arith.constant 0 : index
    %get3A_6 = arith.constant 0 : index
    %get3A_7 = vector.load %arg2[%get3A_4, %get3A_5, %get3A_6] : memref<2x1000x128xf32, #tpu.memory_space<vmem>>, vector<1x1000x128xf32>
    %get3A_8 = vector.shape_cast %get3A_7 : vector<1x1000x128xf32> to vector<1000x128xf32>
    %add3A = arith.addf %get3A_3, %get3A_8 : vector<1000x128xf32>
    %get3A_9 = arith.constant 0 : index
    %get3A_10 = arith.constant 0 : index
    %get3A_11 = vector.load %arg3[%get3A_9, %get3A_10] : memref<1000x128xf32, #tpu.memory_space<vmem>>, vector<1000x128xf32>
    %add3A_12 = arith.addf %add3A, %get3A_11 : vector<1000x128xf32>
    %get3A_13 = arith.constant 0 : index
    %get3A_14 = arith.constant 0 : index
    %get3A_15 = vector.load %arg1[%get3A_13, %get3A_14] : memref<1000x128xf32, #tpu.memory_space<vmem>>, vector<1000x128xf32>
    %mul3A = arith.mulf %add3A_12, %get3A_15 : vector<1000x128xf32>
    %get3A_16 = arith.constant 0 : index
    %get3A_17 = arith.constant 0 : index
    %get3A_18 = vector.load %arg4[%get3A_16, %get3A_17] : memref<1x128xf32, #tpu.memory_space<vmem>>, vector<1x128xf32>
    %add3A_19 = vector.broadcast %get3A_18 : vector<1x128xf32> to vector<1000x128xf32>
    %add3A_20 = arith.addf %mul3A, %add3A_19 : vector<1000x128xf32>
    %swap3A = arith.constant 0 : index
    %swap3A_21 = arith.constant 0 : index
    %swap3A_22 = vector.load %arg5[%swap3A, %swap3A_21] : memref<1000x128xf32, #tpu.memory_space<vmem>>, vector<1000x128xf32>
    tpu.vector_store %arg5[%swap3A, %swap3A_21], %add3A_20 {strides = array<i32>} : memref<1000x128xf32, #tpu.memory_space<vmem>>, vector<1000x128xf32>,
    return
  }
  func.func @transform_0(%arg0: i32) -> (i32, i32) {
    %c0_i32 = arith.constant 0 : i32
    %c0_i32_0 = arith.constant 0 : i32
    return %arg0, %c0_i32 : i32, i32
  }
  func.func @transform_1(%arg0: i32) -> (i32, i32, i32) {
    %c0_i32 = arith.constant 0 : i32
    %c0_i32_0 = arith.constant 0 : i32
    %c0_i32_1 = arith.constant 0 : i32
    return %c0_i32, %arg0, %c0_i32_0 : i32, i32, i32
  }
  func.func @transform_2(%arg0: i32) -> (i32, i32) {
    %c0_i32 = arith.constant 0 : i32
    %c0_i32_0 = arith.constant 0 : i32
    return %arg0, %c0_i32 : i32, i32
  }
  func.func @transform_3(%arg0: i32) -> (i32, i32) {
    %c0_i32 = arith.constant 0 : i32
    %c0_i32_0 = arith.constant 0 : i32
    %c0_i32_1 = arith.constant 0 : i32
    return %c0_i32, %c0_i32_0 : i32, i32
  }
  func.func @transform_4(%arg0: i32) -> (i32, i32) {
    %c0_i32 = arith.constant 0 : i32
    %c0_i32_0 = arith.constant 0 : i32
    return %arg0, %c0_i32 : i32, i32
  }
}

</mosaic_0001>

<sc_bundles>
// kernel: kernel.11.cloned.1.call-start
scs
__scs_entry_jumppad:
0x0: {  	(pc) =	sbr.rel $0x88, $3  }
0x1: {  	(tag) =	ssettag $0x0;
	lr =	simm.s32 $0x1  }
0x2: {  	[smem:$0x3F9B] =	sst lr;
	_ =	strace $0xD0000000  }
0x3: {  	_ = 	snop  }
0x4: {  	_ = 	snop  }
0x5: {  	_ = 	snop  }
0x6: {  	_ = 	snop  }
0x7: {  	_ = 	snop  }
__scs_overlays_trampoline_lowered:
0x8: {  	[smem:$0x3FAA] =	sst s0  }
0x9: {  	[smem:$0x3FAB] =	sst s1  }
0xa: {  	[smem:$0x3FAC] =	sst s2  }
0xb: {  	[smem:$0x3FAD] =	sst s3  }
0xc: {  	[smem:$0x3FAE] =	sst s4  }
0xd: {  	[smem:$0x3FAF] =	sst s5  }
0xe: {  	[smem:$0x3FB0] =	sst s6  }
0xf: {  	[smem:$0x3FB1] =	sst s7  }
0x10: {  	[smem:$0x3FB2] =	sst s8  }
0x11: {  	[smem:$0x3FB3] =	sst s9;
	s0 =	simm.s32 @!p0 $0x0  }
0x12: {  	s1 =	sld [smem:$0x3F99];
	s0 =	simm.s32 @p0 $0x1  }
0x13: {  	[smem:$0x3FB4] =	sst s0;
	s0 =	simm.s32 @!p1 $0x0  }
0x14: {  	s2 =	sld [smem:$0x3F98];
	s0 =	simm.s32 @p1 $0x1  }
0x15: {  	[smem:$0x3FB5] =	sst s0;
	s0 =	simm.s32 @!p2 $0x0  }
0x16: {  	s3 =	sld [smem:$0x3FDB];
	s0 =	simm.s32 @p2 $0x1  }
0x17: {  	s4 =	simm.s32 $0x1BF5;
	[smem:$0x3FB7] =	sst s0  }
0x18: {  	s0 =	sld [smem:$0x3F9A];
	_ =	swait.ge [sflag:s4], $0x0  }
0x19: {  	s7 =	sld [smem:$0x3F9B]  }
0x1a: {  	s8 =	sadd.s32 $0xFFFFE003, lr  }
0x1b: {  	s9 =	sadd.s32 $0xFFFFFEF7, lr;
	s5 =	simm.s32 $0xFFFFFFFF;
	p2 =	slt.u32 s8, $0xFFFFF086  }
0x1c: {  	p1 =	slt.u32 s9, $0xF7A;
	s5 =	simm.s32 @!p2 $0x0  }
0x1d: {  	s5 =	simm.s32 @p1 $0x1;
	p0 =	seq.s32 s7, s2  }
0x1e: {  	s7 =	smul.u32 @!p0 $0xF7A, s2;
	p2 =	seq.s32 @!p0 s5, $0x0  }
0x1f: {  	s9 =	smul.u32 $0xF7A, s1;
	s8 =	simm.s32 @!p0 $0x1BF5;
	p2 =	por !p2, p0  }
0x20: {  	[sflag:s8] =	ssyncset.s32 @!p0 $0xFFFFF086;
	s6 =	sadd.s32 @!p0 s3, s7;
	s7 =	simm.s32 @!p0 $0x108  }
0x21: {  	s3 =	sadd.s32 s3, s9;
	s6 =	sadd.s32 @!p0 $0x88, s6;
	s7 =	simm.s32 @p2 $0x1082  }
0x22: {  	[simem:s7], [sflag:s8] =	dma.local @!p0 [hbm:s6], $0xF7A  }
0x23: {  	s9 =	sor.u32 $0xD0000000, s2;
	s6 =	simm.s32 $0x108;
	_ =	swait.ge @!p0 [sflag:s8], $0x0  }
0x24: {  	s3 =	sadd.s32 $0x88, s3;
	s6 =	simm.s32 @!p1 $0x1082;
	[sflag:s4] =	ssyncset.s32 $0xFFFFF086  }
0x25: {  	[simem:s6], [sflag:s4] =	dma.local [hbm:s3], $0xF7A  }
0x26: {  	[smem:$0x3F9B] =	sst s1;
	(tag) =	ssettag s2;
	_ =	strace s9  }
0x27: {  	s1 =	sld [smem:$0x3FAB]  }
0x28: {  	s2 =	sld [smem:$0x3FAC]  }
0x29: {  	s4 =	sld [smem:$0x3FAE]  }
0x2a: {  	p0 =	seq.s32 s5, $0x0;
	s5 =	sld [smem:$0x3FAF]  }
0x2b: {  	s6 =	sld [smem:$0x3FB0]  }
0x2c: {  	s7 =	sld [smem:$0x3FB1]  }
0x2d: {  	s3 =	simm.s32 $0x108;
	s8 =	sld [smem:$0x3FB2]  }
0x2e: {  	s3 =	simm.s32 @!p0 $0x1082;
	s9 =	sld [smem:$0x3FB3]  }
0x2f: {  	lr =	sadd.s32 s0, s3;
	s0 =	sld [smem:$0x3FAA]  }
0x30: {  	s3 =	sld [smem:$0x3FAD]  }
0x31: {  	[smem:$0x3FB6] =	sst s10  }
0x32: {  	s10 =	sld [smem:$0x3FB4];
	_ =	sdelay $0x3  }
0x33: {  	p0 =	seq.s32 s10, $0x1;
	s10 =	sld [smem:$0x3FB6];
	_ =	sdelay $0x3  }
0x34: {  	[smem:$0x3FB6] =	sst s10  }
0x35: {  	s10 =	sld [smem:$0x3FB5];
	_ =	sdelay $0x3  }
0x36: {  	p1 =	seq.s32 s10, $0x1;
	s10 =	sld [smem:$0x3FB6];
	_ =	sdelay $0x3  }
0x37: {  	[smem:$0x3FB6] =	sst s10  }
0x38: {  	s10 =	sld [smem:$0x3FB7]  }
0x39: {  	_ = 	snop;
	(pc) =	sbr.ind lr, $3  }
0x3a: {  	_ = 	snop  }
0x3b: {  	_ = 	snop  }
0x3c: {  	p2 =	seq.s32 s10, $0x1;
	s10 =	sld [smem:$0x3FB6]  }
0x3d: {  	_ =	shalt  }
0x3e: {  	_ =	shalt  }
0x3f: {  	_ =	shalt  }
0x40: {  	_ =	shalt  }
0x41: {  	_ =	shalt  }
0x42: {  	_ =	shalt  }
0x43: {  	_ =	shalt  }
0x44: {  	_ =	shalt  }
0x45: {  	_ =	shalt  }
0x46: {  	_ =	shalt  }
0x47: {  	_ =	shalt  }
0x48: {  	_ =	shalt  }
0x49: {  	_ =	shalt  }
0x4a: {  	_ =	shalt  }
0x4b: {  	_ =	shalt  }
0x4c: {  	_ =	shalt  }
0x4d: {  	_ =	shalt  }
0x4e: {  	_ =	shalt  }
0x4f: {  	_ =	shalt  }
0x50: {  	_ =	shalt  }
0x51: {  	_ =	shalt  }
0x52: {  	_ =	shalt  }
0x53: {  	_ =	shalt  }
0x54: {  	_ =	shalt  }
0x55: {  	_ =	shalt  }
0x56: {  	_ =	shalt  }
0x57: {  	_ =	shalt  }
0x58: {  	_ =	shalt  }
0x59: {  	_ =	shalt  }
0x5a: {  	_ =	shalt  }
0x5b: {  	_ =	shalt  }
0x5c: {  	_ =	shalt  }
0x5d: {  	_ =	shalt  }
0x5e: {  	_ =	shalt  }
0x5f: {  	_ =	shalt  }
0x60: {  	_ =	shalt  }
0x61: {  	_ =	shalt  }
0x62: {  	_ =	shalt  }
0x63: {  	_ =	shalt  }
0x64: {  	_ =	shalt  }
0x65: {  	_ =	shalt  }
0x66: {  	_ =	shalt  }
0x67: {  	_ =	shalt  }
0x68: {  	_ =	shalt  }
0x69: {  	_ =	shalt  }
0x6a: {  	_ =	shalt  }
0x6b: {  	_ =	shalt  }
0x6c: {  	_ =	shalt  }
0x6d: {  	_ =	shalt  }
0x6e: {  	_ =	shalt  }
0x6f: {  	_ =	shalt  }
0x70: {  	_ =	shalt  }
0x71: {  	_ =	shalt  }
0x72: {  	_ =	shalt  }
0x73: {  	_ =	shalt  }
0x74: {  	_ =	shalt  }
0x75: {  	_ =	shalt  }
0x76: {  	_ =	shalt  }
0x77: {  	_ =	shalt  }
0x78: {  	_ =	shalt  }
0x79: {  	_ =	shalt  }
0x7a: {  	_ =	shalt  }
0x7b: {  	_ =	shalt  }
0x7c: {  	_ =	shalt  }
0x7d: {  	_ =	shalt  }
0x7e: {  	_ =	shalt  }
0x7f: {  	_ =	shalt  }
0x80: {  	_ =	shalt  }
0x81: {  	_ =	shalt  }
0x82: {  	_ =	shalt  }
0x83: {  	_ =	shalt  }
0x84: {  	_ =	shalt  }
0x85: {  	_ =	shalt  }
0x86: {  	_ =	shalt  }
0x87: {  	_ =	shalt  }
.Lfunc_end0:
.L_simem_size_0:
called_computation.1_lowered:
.L_overlay_start_0:
0x88: {  	s2 =	sld [smem:$0x3FD9]  }
0x89: {  	s3 =	sld [smem:$0x3FFE];
	_ =	sdelay $0x1  }
0x8a: {  	s1 =	srdreg.scid  }
0x8b: {  	s0 =	sand.u32 $0x1, s1  }
0x8c: {  	s17 =	sshll.u32 s0, $0xA;
	s2 =	sadd.s32 s3, s2  }
0x8d: {  	s2 =	sadd.s32 s2, s17  }
0x8e: {  	[smem:$0x3FC2] =	sst s2  }
0x8f: {  	_ = 	snop  }
0x90: {  	s2 =	sld [smem:$0x3FD0];
	(tm) =	ssettm $0x1  }
0x91: {  	s18 =	sld [smem:$0x3FFB];
	_ =	sdelay $0x3  }
0x92: {  	_ =	strace s18  }
0x93: {  	s3 =	sld [smem:$0x3FFC];
	_ =	sdelay $0x3  }
0x94: {  	_ =	strace s3  }
0x95: {  	s3 =	sld [smem:$0x3FFD];
	_ =	sdelay $0x3  }
0x96: {  	_ =	strace s3  }
0x97: {  	_ =	strace $0x8FFFFFFF  }
0x98: {  	s19 =	sld [smem:$0x3FDB];
	_ =	sdelay $0x1  }
0x99: {  	s4 =	simm.s32 $_scs_section_size  }
0x9a: {  	s5 =	simm.s32 $_size__tile_overlayer_lowered;
	s6 =	simm.s32 $_tile_overlayer_lowered  }
0x9b: {  	s22 =	simm.s32 $0x1BFF;
	s21 =	sshll.u32 s6, $0x1;
	s3 =	sadd.s32 s4, s19  }
0x9c: {  	s7 =	simm.s32 $0x0;
	s20 =	sshll.u32 s5, $0x1;
	s5 =	sadd.s32 s21, s3  }
0x9d: {  	[timem:s7], [sflag:s22] =	dma.local [hbm:s5], s20  }
0x9e: {  	_ =	swait.ge [sflag:s22], s20  }
0x9f: {  	s4 =	ssub.s32 $0x0, s20;
	[sflag:s22] =	ssyncset.done $0x0  }
0xa0: {  	[sflag:s22] =	ssyncadd.s32 s4;
	_ =	sdelay $0x1  }
0xa1: {  	s23 =	simm.s32 $0x1B8B  }
0xa2: {  	_ =	swait.ge [sflag:s23], $0x1  }
0xa3: {  	[sflag:s23] =	ssyncset.done $0x0  }
0xa4: {  	s25 =	simm.s32 $0x1B8E;
	s24 =	sld [smem:$0x3FFE];
	[sflag:s23] =	ssyncadd.s32 $0xFFFFFFFF  }
0xa5: {  	s26 =	simm.s32 $execute0_lowered;
	[smem:$0x3FD2] =	sst s25  }
0xa6: {  	s5 =	sshll.u32 s26, $0x1;
	_ =	strace $0x80000049;
	[dreg:$0x1] =	wrdreg $0xFFFFFFFF  }
0xa7: {  	s28 =	simm.s32 $_size_execute0_lowered;
	s3 =	sadd.s32 s3, s5;
	[dreg:$0x0] =	wrdreg $0x0  }
0xa8: {  	s5 =	sshll.u32 s28, $0x1;
	[dreg:$0x2] =	wrdreg s3  }
0xa9: {  	[dreg:$0x3] =	wrdreg s5  }
0xaa: {  	[dreg:$0x4] =	wrdreg $0xC0  }
0xab: {  	_ =	task [dreg:s7], $0x5FFFF  }
0xac: {  	[dreg:$0x1] =	wrdreg $0xFFFFFFFF  }
0xad: {  	[dreg:$0x0] =	wrdreg $0x60  }
0xae: {  	[dreg:$0x2] =	wrdreg s2  }
0xaf: {  	[dreg:$0x3] =	wrdreg s24  }
0xb0: {  	[dreg:$0x4] =	wrdreg $0xD1600  }
0xb1: {  	[dreg:$0x5] =	wrdreg $0x9  }
0xb2: {  	_ =	task.clear_ibuf [dreg:s7], $0x6FFFF;
	_ =	strace $0x90000049  }
0xb3: {  	s29 =	simm.s32 $0x9;
	_ =	strace $0x8000004B  }
0xb4: {  	_ =	swait.ge [sflag:s29], $0x1  }
0xb5: {  	[sflag:s29] =	ssyncadd.s32 $0xFFFFFFFF  }
0xb6: {  	_ =	strace $0x9000004B  }
0xb7: {  	_ =	sfence  }
0xb8: {  	s30 =	sld [smem:$0x0];
	_ =	sdelay $0x2  }
0xb9: {  	s31 =	sshll.u32 s1, $0xD;
	s1 =	sshrl.u32 s1, $0x2  }
0xba: {  	s3 =	sand.u32 $0x4000, s31;
	s1 =	sadd.s32 s1, s30  }
0xbb: {  	s0 =	sor.u32 s3, s0;
	s1 =	sshll.u32 s1, $0x11  }
0xbc: {  	s0 =	sor.u32 s1, s0  }
0xbd: {  	s0 =	sadd.s32 $0x8F2B, s0  }
0xbe: {  	[sflag:s0] =	ssyncadd.remote.s32 $0x1  }
0xbf: {  	_ =	sfence.sel $0xFFFF  }
0xc0: {  	[dreg:$0x0] =	wrdreg $0xFFFFFFFF;
	(pc) =	sbr.abs _section_cstart, $3  }
0xc1: {  	[dreg:$0x1] =	wrdreg $0xFFFFFFFF  }
0xc2: {  	_ =	task.clear_ibuf [dreg:s7], $0x2FFFF;
	_ =	strace $0x9FFFFFFF  }
0xc3: {  	(tm) =	ssettm $0x7FFFFFFF  }
tec
execute0_lowered:
.L_overlay_start_1:
0x0: {  	(tag) =	ssettag $0x1  }
0x1: {  	s0 =	rddreg [dreg:$0x0]  }
0x2: {  	s1 =	rddreg [dreg:$0x1];
	s2 =	srdreg.scid  }
0x3: {  	s3 =	rddreg [dreg:$0x2];
	s15 =	stileid.u32  }
0x4: {  	s6 =	simm.s32 $0x0;
	s16 =	simm.s32 $0xB220;
	s17 =	simm.s32 $0x8  }
0x5: {  	s18 =	simm.s32 $0x6;
	s19 =	simm.s32 $0x7;
	s20 =	simm.s32 $0x50  }
0x6: {  	s21 =	simm.s32 $0x4E20;
	s29 =	simm.s32 $0x8A20;
	s31 =	simm.s32 $0x9E20  }
0x7: {  	s28 =	simm.s32 $0x5;
	s30 =	simm.s32 $0x0;
	s5 =	smul.u32 $0x2710, s15  }
0x8: {  	s2 =	sand.u32 $0x1, s2;
	[smem:$0x7FF] =	sst s6;
	s23 =	smul.u32 $0x27100, s15  }
0x9: {  	s13 =	smul.u32 $0x9C00, s15;
	p0 =	sne.s32 s15, $0xF;
	s15 =	simm.s32 $0x2  }
0xa: {  	s4 =	smul.u32 $0x27100, s2;
	_ =	strace $0x8000004A;
	s22 =	ssub.s32 $0x2, s2  }
0xb: {  	s2 =	smul.u32 $0x9C400, s2;
	s7 =	sshrl.u32 s22, $0x1;
	s6 =	sshrl.u32 s23, $0x2  }
0xc: {  	s26 =	sadd.s32 s13, s3;
	s23 =	simm.s32 $0x3;
	s4 =	sadd.s32 s5, s4  }
0xd: {  	s5 =	ssub.s32 s22, s7;
	s6 =	sadd.s32 s6, s3;
	s25 =	sadd.s32 s13, s2  }
0xe: {  	s2 =	sshrl.u32 s2, $0x3;
	s22 =	simm.s32 $0x6220;
	s4 =	sshrl.u32 s4, $0x3  }
0xf: {  	s8 =	sadd.s32 $0x1F40, s6;
	s9 =	sadd.s32 $0x3E80, s6;
	s4 =	sadd.s32 s4, s1  }
0x10: {  	s10 =	sadd.s32 $0x5DC0, s6;
	s11 =	sadd.s32 $0x7D00, s6;
	s24 =	sadd.s32 $0x2400, s4  }
0x11: {  	s1 =	sadd.s32 $0x16000, s1;
	s4 =	sadd.s32 $0xC200, s4;
	[dreg:$0x4] =	wrdreg s24  }
0x12: {  	s14 =	smax.u32 s5, $0x1;
	s2 =	sadd.s32 s1, s2;
	[dreg:$0x5] =	wrdreg s4  }
0x13: {  	s4 =	sshrl.u32 s25, $0x3;
	s13 =	sadd.s32 $0x13800, s2;
	s2 =	sadd.s32 $0x9C000, s3  }
0x14: {  	s24 =	sshrl.u32 s26, $0x3;
	s26 =	simm.s32 $0x7620;
	s12 =	sadd.s32 s1, s4  }
0x15: {  	v0 =	vimm.f32 $0.0e+00;
	s25 =	sshrl.u32 @!p0 s2, $0x3;
	s1 =	simm.s32 $0x1;
	s2 =	simm.s32 $0x4  }
.LBB2_1:
0x16: {  	s4 =	simm.s32 $0x0;
	s5 =	rddreg [dreg:$0x4]  }
0x17: {  	[tilespmem:s4], [sflag:$0x6] =	stream.linear.gather [hbm4b:s5+s4], $0x2710, $0x38;
	[tilespmem:$0x16DA0] =	vst v63  }
0x18: {  	s7 =	simm.s32 $0x2710;
	s5 =	rddreg [dreg:$0x5]  }
0x19: {  	[tilespmem:s7], [sflag:$0x7] =	stream.linear.gather [hbm4b:s5+s4], $0x2710, $0x38;
	[tilespmem:$0x16DA0] =	vst v63  }
0x1a: {  	s5 =	simm.s32 $0x100;
	s4 =	simm.s32 $0x0  }
.LBB2_2:
0x1b: {  	p1 =	sne.s32 s5, $0x7C00;
	[tilespmem:s4+$0xB250] =	vst v0;
	s7 =	smov.u32 s5;
	s5 =	sadd.s32 $0x100, s5  }
.Ltmp0:
0x1c: {  	[tilespmem:s4+$0xB240] =	vst v0;
	(pc) =	sbr.rel @p1 .LBB2_2-.Ltmp0, $3  }
0x1d: {  	[tilespmem:s4+$0xB220] =	vst v0  }
0x1e: {  	[tilespmem:s4+$0xB230] =	vst v0;
	_ =	sdelay $0x1  }
0x1f: {  	s4 =	sshra.s32 s7, $0x2  }
0x20: {  	[tilespmem:s4+$0xB250] =	vst v0  }
0x21: {  	[tilespmem:s4+$0xB240] =	vst v0  }
0x22: {  	[tilespmem:s4+$0xB220] =	vst v0  }
0x23: {  	[tilespmem:s4+$0xB230] =	vst v0  }
0x24: {  	[spmem:s6] =	stream.linear.scatter [tilespmem:s16], [sflag:$0x8], $0x1F40, $0x38;
	[tilespmem:$0x16DA0] =	vst v63  }
0x25: {  	_ =	swait.ge [sflag:s17], $0x1F40  }
0x26: {  	[sflag:s17] =	ssyncset.done $0x0  }
0x27: {  	[sflag:s17] =	ssyncadd.s32 $0xFFFFE0C0  }
0x28: {  	[spmem:s8] =	stream.linear.scatter [tilespmem:s16], [sflag:$0x8], $0x1F40, $0x38;
	[tilespmem:$0x16DA0] =	vst v63  }
0x29: {  	_ =	swait.ge [sflag:s17], $0x1F40  }
0x2a: {  	[sflag:s17] =	ssyncset.done $0x0  }
0x2b: {  	[sflag:s17] =	ssyncadd.s32 $0xFFFFE0C0  }
0x2c: {  	[spmem:s9] =	stream.linear.scatter [tilespmem:s16], [sflag:$0x8], $0x1F40, $0x38;
	[tilespmem:$0x16DA0] =	vst v63  }
0x2d: {  	_ =	swait.ge [sflag:s17], $0x1F40  }
0x2e: {  	[sflag:s17] =	ssyncset.done $0x0  }
0x2f: {  	[sflag:s17] =	ssyncadd.s32 $0xFFFFE0C0  }
0x30: {  	[spmem:s10] =	stream.linear.scatter [tilespmem:s16], [sflag:$0x8], $0x1F40, $0x38;
	[tilespmem:$0x16DA0] =	vst v63  }
0x31: {  	_ =	swait.ge [sflag:s17], $0x1F40  }
0x32: {  	[sflag:s17] =	ssyncset.done $0x0  }
0x33: {  	[sflag:s17] =	ssyncadd.s32 $0xFFFFE0C0  }
0x34: {  	[spmem:s11] =	stream.linear.scatter [tilespmem:s16], [sflag:$0x8], $0x1F40, $0x38;
	[tilespmem:$0x16DA0] =	vst v63  }
0x35: {  	_ =	swait.ge [sflag:s17], $0x1F40  }
0x36: {  	[sflag:s17] =	ssyncset.done $0x0  }
0x37: {  	[sflag:s17] =	ssyncadd.s32 $0xFFFFE0C0  }
0x38: {  	_ =	swait.ge [sflag:s18], $0x2710  }
0x39: {  	[sflag:s18] =	ssyncset.done $0x0  }
0x3a: {  	[sflag:s18] =	ssyncadd.s32 $0xFFFFD8F0  }
0x3b: {  	_ =	swait.ge [sflag:s19], $0x2710  }
0x3c: {  	[sflag:s19] =	ssyncset.done $0x0  }
0x3d: {  	[sflag:s19] =	ssyncadd.s32 $0xFFFFD8F0  }
0x3e: {  	s7 =	simm.s32 $0x0;
	[bflag:$0x0] =	sbarrier.arrive $0xFFFF  }
0x3f: {  	[tilespmem:s21], [sflag:$0x1] =	stream.indirect.gather [hbm4b:s0+s20], $0x40, s7, s20, $0xb8;
	[tilespmem:$0x16DA0] =	vst v63  }
0x40: {  	_ = 	snop  }
0x41: {  	[tilespmem:s22], [sflag:$0x2] =	stream.indirect.gather [hbm4b:s0+s20], $0x40, s20, s20, $0xb8;
	[tilespmem:$0x16DA0] =	vst v63  }
0x42: {  	s5 =	simm.s32 $0xA0  }
0x43: {  	[tilespmem:s26], [sflag:$0x3] =	stream.indirect.gather [hbm4b:s0+s20], $0x40, s5, s20, $0xb8;
	[tilespmem:$0x16DA0] =	vst v63  }
0x44: {  	s7 =	simm.s32 $0xF0  }
0x45: {  	[tilespmem:s29], [sflag:$0x4] =	stream.indirect.gather [hbm4b:s0+s20], $0x40, s7, s20, $0xb8;
	[tilespmem:$0x16DA0] =	vst v63  }
0x46: {  	s5 =	simm.s32 $0x140  }
0x47: {  	[tilespmem:s31], [sflag:$0x5] =	stream.indirect.gather [hbm4b:s0+s20], $0x40, s5, s20, $0xb8;
	[tilespmem:$0x16DA0] =	vst v63  }
0x48: {  	_ =	swait.ge [sflag:s1], $0x1400  }
0x49: {  	[sflag:s1] =	ssyncset.done $0x0  }
0x4a: {  	s7 =	simm.s32 $0x2710;
	[sflag:s1] =	ssyncadd.s32 $0xFFFFEC00  }
0x4b: {  	[spmem:s3] =	stream.indirect.scatter.add.f32 [tilespmem:s21], [sflag:$0x8], $0x40, s7, s20, $0xb8;
	[tilespmem:$0x16DA0] =	vst v63  }
0x4c: {  	_ =	swait.ge [sflag:s17], $0x1400  }
0x4d: {  	[sflag:s17] =	ssyncset.done $0x0  }
0x4e: {  	s5 =	simm.s32 $0x190;
	[sflag:s17] =	ssyncadd.s32 $0xFFFFEC00  }
0x4f: {  	[tilespmem:s21], [sflag:$0x1] =	stream.indirect.gather [hbm4b:s0+s20], $0x40, s5, s20, $0xb8;
	[tilespmem:$0x16DA0] =	vst v63  }
0x50: {  	_ =	swait.ge [sflag:s15], $0x1400  }
0x51: {  	[sflag:s15] =	ssyncset.done $0x0  }
0x52: {  	s7 =	simm.s32 $0x2760;
	[sflag:s15] =	ssyncadd.s32 $0xFFFFEC00  }
0x53: {  	[spmem:s3] =	stream.indirect.scatter.add.f32 [tilespmem:s22], [sflag:$0x8], $0x40, s7, s20, $0xb8;
	[tilespmem:$0x16DA0] =	vst v63  }
0x54: {  	_ =	swait.ge [sflag:s17], $0x1400  }
0x55: {  	[sflag:s17] =	ssyncset.done $0x0  }
0x56: {  	s5 =	simm.s32 $0x1E0;
	[sflag:s17] =	ssyncadd.s32 $0xFFFFEC00  }
0x57: {  	[tilespmem:s22], [sflag:$0x2] =	stream.indirect.gather [hbm4b:s0+s20], $0x40, s5, s20, $0xb8;
	[tilespmem:$0x16DA0] =	vst v63  }
0x58: {  	_ =	swait.ge [sflag:s23], $0x1400  }
0x59: {  	[sflag:s23] =	ssyncset.done $0x0  }
0x5a: {  	s7 =	simm.s32 $0x27B0;
	[sflag:s23] =	ssyncadd.s32 $0xFFFFEC00  }
0x5b: {  	[spmem:s3] =	stream.indirect.scatter.add.f32 [tilespmem:s26], [sflag:$0x8], $0x40, s7, s20, $0xb8;
	[tilespmem:$0x16DA0] =	vst v63  }
0x5c: {  	_ =	swait.ge [sflag:s17], $0x1400  }
0x5d: {  	[sflag:s17] =	ssyncset.done $0x0  }
0x5e: {  	s5 =	simm.s32 $0x230;
	[sflag:s17] =	ssyncadd.s32 $0xFFFFEC00  }
0x5f: {  	[tilespmem:s26], [sflag:$0x3] =	stream.indirect.gather [hbm4b:s0+s20], $0x40, s5, s20, $0xb8;
	[tilespmem:$0x16DA0] =	vst v63  }
0x60: {  	_ =	swait.ge [sflag:s2], $0x1400  }
0x61: {  	[sflag:s2] =	ssyncset.done $0x0  }
0x62: {  	s7 =	simm.s32 $0x2800;
	[sflag:s2] =	ssyncadd.s32 $0xFFFFEC00  }
0x63: {  	[spmem:s3] =	stream.indirect.scatter.add.f32 [tilespmem:s29], [sflag:$0x8], $0x40, s7, s20, $0xb8;
	[tilespmem:$0x16DA0] =	vst v63  }
0x64: {  	_ =	swait.ge [sflag:s17], $0x1400  }
0x65: {  	[sflag:s17] =	ssyncset.done $0x0  }
0x66: {  	s5 =	simm.s32 $0x280;
	[sflag:s17] =	ssyncadd.s32 $0xFFFFEC00  }
0x67: {  	[tilespmem:s29], [sflag:$0x4] =	stream.indirect.gather [hbm4b:s0+s20], $0x40, s5, s20, $0xb8;
	[tilespmem:$0x16DA0] =	vst v63  }
0x68: {  	_ =	swait.ge [sflag:s28], $0x1400  }
0x69: {  	[sflag:s28] =	ssyncset.done $0x0  }
0x6a: {  	s7 =	simm.s32 $0x2850;
	[sflag:s28] =	ssyncadd.s32 $0xFFFFEC00  }
0x6b: {  	[spmem:s3] =	stream.indirect.scatter.add.f32 [tilespmem:s31], [sflag:$0x8], $0x40, s7, s20, $0xb8;
	[tilespmem:$0x16DA0] =	vst v63  }
0x6c: {  	_ =	swait.ge [sflag:s17], $0x1400  }
0x6d: {  	[sflag:s17] =	ssyncset.done $0x0  }
0x6e: {  	s4 =	simm.s32 $0x640;
	s5 =	simm.s32 $0x2D0;
	[sflag:s17] =	ssyncadd.s32 $0xFFFFEC00  }
.LBB2_4:
0x6f: {  	[tilespmem:s31], [sflag:$0x5] =	stream.indirect.gather [hbm4b:s0+s20], $0x40, s5, s20, $0xb8;
	[tilespmem:$0x16DA0] =	vst v63  }
0x70: {  	s5 =	smov.u32 s4  }
0x71: {  	p1 =	sne.s32 s4, $0x8FC0;
	s4 =	sadd.s32 $0x640, s4;
	_ =	swait.ge [sflag:s1], $0x1400  }
0x72: {  	s5 =	sshra.s32 s5, $0x2;
	[sflag:s1] =	ssyncset.done $0x0  }
0x73: {  	s7 =	sadd.s32 $0x2710, s5;
	[sflag:s1] =	ssyncadd.s32 $0xFFFFEC00  }
0x74: {  	[spmem:s3] =	stream.indirect.scatter.add.f32 [tilespmem:s21], [sflag:$0x8], $0x40, s7, s20, $0xb8;
	[tilespmem:$0x16DA0] =	vst v63  }
0x75: {  	_ =	swait.ge [sflag:s17], $0x1400  }
0x76: {  	[sflag:s17] =	ssyncset.done $0x0  }
0x77: {  	s7 =	sadd.s32 $0x190, s5;
	[sflag:s17] =	ssyncadd.s32 $0xFFFFEC00  }
0x78: {  	[tilespmem:s21], [sflag:$0x1] =	stream.indirect.gather [hbm4b:s0+s20], $0x40, s7, s20, $0xb8;
	[tilespmem:$0x16DA0] =	vst v63  }
0x79: {  	_ =	swait.ge [sflag:s15], $0x1400  }
0x7a: {  	[sflag:s15] =	ssyncset.done $0x0  }
0x7b: {  	s7 =	sadd.s32 $0x2760, s5;
	[sflag:s15] =	ssyncadd.s32 $0xFFFFEC00  }
0x7c: {  	[spmem:s3] =	stream.indirect.scatter.add.f32 [tilespmem:s22], [sflag:$0x8], $0x40, s7, s20, $0xb8;
	[tilespmem:$0x16DA0] =	vst v63  }
0x7d: {  	_ =	swait.ge [sflag:s17], $0x1400  }
0x7e: {  	[sflag:s17] =	ssyncset.done $0x0  }
0x7f: {  	s7 =	sadd.s32 $0x1E0, s5;
	[sflag:s17] =	ssyncadd.s32 $0xFFFFEC00  }
0x80: {  	[tilespmem:s22], [sflag:$0x2] =	stream.indirect.gather [hbm4b:s0+s20], $0x40, s7, s20, $0xb8;
	[tilespmem:$0x16DA0] =	vst v63  }
0x81: {  	_ =	swait.ge [sflag:s23], $0x1400  }
0x82: {  	[sflag:s23] =	ssyncset.done $0x0  }
0x83: {  	s7 =	sadd.s32 $0x27B0, s5;
	[sflag:s23] =	ssyncadd.s32 $0xFFFFEC00  }
0x84: {  	[spmem:s3] =	stream.indirect.scatter.add.f32 [tilespmem:s26], [sflag:$0x8], $0x40, s7, s20, $0xb8;
	[tilespmem:$0x16DA0] =	vst v63  }
0x85: {  	_ =	swait.ge [sflag:s17], $0x1400  }
0x86: {  	[sflag:s17] =	ssyncset.done $0x0  }
0x87: {  	s7 =	sadd.s32 $0x230, s5;
	[sflag:s17] =	ssyncadd.s32 $0xFFFFEC00  }
0x88: {  	[tilespmem:s26], [sflag:$0x3] =	stream.indirect.gather [hbm4b:s0+s20], $0x40, s7, s20, $0xb8;
	[tilespmem:$0x16DA0] =	vst v63  }
0x89: {  	_ =	swait.ge [sflag:s2], $0x1400  }
0x8a: {  	[sflag:s2] =	ssyncset.done $0x0  }
0x8b: {  	s7 =	sadd.s32 $0x2800, s5;
	[sflag:s2] =	ssyncadd.s32 $0xFFFFEC00  }
0x8c: {  	[spmem:s3] =	stream.indirect.scatter.add.f32 [tilespmem:s29], [sflag:$0x8], $0x40, s7, s20, $0xb8;
	[tilespmem:$0x16DA0] =	vst v63  }
0x8d: {  	_ =	swait.ge [sflag:s17], $0x1400  }
0x8e: {  	[sflag:s17] =	ssyncset.done $0x0  }
0x8f: {  	s7 =	sadd.s32 $0x280, s5;
	[sflag:s17] =	ssyncadd.s32 $0xFFFFEC00  }
0x90: {  	[tilespmem:s29], [sflag:$0x4] =	stream.indirect.gather [hbm4b:s0+s20], $0x40, s7, s20, $0xb8;
	[tilespmem:$0x16DA0] =	vst v63  }
0x91: {  	_ =	swait.ge [sflag:s28], $0x1400  }
0x92: {  	[sflag:s28] =	ssyncset.done $0x0  }
.Ltmp1:
0x93: {  	s7 =	sadd.s32 $0x2850, s5;
	[sflag:s28] =	ssyncadd.s32 $0xFFFFEC00;
	(pc) =	sbr.rel @p1 .LBB2_4-.Ltmp1, $4  }
0x94: {  	[spmem:s3] =	stream.indirect.scatter.add.f32 [tilespmem:s31], [sflag:$0x8], $0x40, s7, s20, $0xb8;
	[tilespmem:$0x16DA0] =	vst v63  }
0x95: {  	_ =	swait.ge [sflag:s17], $0x1400  }
0x96: {  	[sflag:s17] =	ssyncset.done $0x0  }
0x97: {  	s5 =	sadd.s32 $0x2D0, s5;
	[sflag:s17] =	ssyncadd.s32 $0xFFFFEC00  }
0x98: {  	[tilespmem:s31], [sflag:$0x5] =	stream.indirect.gather [hbm4b:s0+s20], $0x40, s5, s20, $0xb8;
	[tilespmem:$0x16DA0] =	vst v63  }
0x99: {  	_ =	swait.ge [sflag:s1], $0x1400  }
0x9a: {  	[sflag:s1] =	ssyncset.done $0x0  }
0x9b: {  	s4 =	simm.s32 $0x4C90;
	[sflag:s1] =	ssyncadd.s32 $0xFFFFEC00  }
0x9c: {  	[spmem:s3] =	stream.indirect.scatter.add.f32 [tilespmem:s21], [sflag:$0x8], $0x40, s4, s20, $0xb8;
	[tilespmem:$0x16DA0] =	vst v63  }
0x9d: {  	_ =	swait.ge [sflag:s17], $0x1400  }
0x9e: {  	[sflag:s17] =	ssyncset.done $0x0  }
0x9f: {  	[sflag:s17] =	ssyncadd.s32 $0xFFFFEC00  }
0xa0: {  	_ =	swait.ge [sflag:s15], $0x1400  }
0xa1: {  	[sflag:s15] =	ssyncset.done $0x0  }
0xa2: {  	s7 =	simm.s32 $0x4CE0;
	[sflag:s15] =	ssyncadd.s32 $0xFFFFEC00  }
0xa3: {  	[spmem:s3] =	stream.indirect.scatter.add.f32 [tilespmem:s22], [sflag:$0x8], $0x40, s7, s20, $0xb8;
	[tilespmem:$0x16DA0] =	vst v63  }
0xa4: {  	_ =	swait.ge [sflag:s17], $0x1400  }
0xa5: {  	[sflag:s17] =	ssyncset.done $0x0  }
0xa6: {  	[sflag:s17] =	ssyncadd.s32 $0xFFFFEC00  }
0xa7: {  	_ =	swait.ge [sflag:s23], $0x1400  }
0xa8: {  	[sflag:s23] =	ssyncset.done $0x0  }
0xa9: {  	s5 =	simm.s32 $0x4D30;
	[sflag:s23] =	ssyncadd.s32 $0xFFFFEC00  }
0xaa: {  	[spmem:s3] =	stream.indirect.scatter.add.f32 [tilespmem:s26], [sflag:$0x8], $0x40, s5, s20, $0xb8;
	[tilespmem:$0x16DA0] =	vst v63  }
0xab: {  	_ =	swait.ge [sflag:s17], $0x1400  }
0xac: {  	[sflag:s17] =	ssyncset.done $0x0  }
0xad: {  	[sflag:s17] =	ssyncadd.s32 $0xFFFFEC00  }
0xae: {  	_ =	swait.ge [sflag:s2], $0x1400  }
0xaf: {  	[sflag:s2] =	ssyncset.done $0x0  }
0xb0: {  	s7 =	simm.s32 $0x4D80;
	[sflag:s2] =	ssyncadd.s32 $0xFFFFEC00  }
0xb1: {  	[spmem:s3] =	stream.indirect.scatter.add.f32 [tilespmem:s29], [sflag:$0x8], $0x40, s7, s20, $0xb8;
	[tilespmem:$0x16DA0] =	vst v63  }
0xb2: {  	_ =	swait.ge [sflag:s17], $0x1400  }
0xb3: {  	[sflag:s17] =	ssyncset.done $0x0  }
0xb4: {  	[sflag:s17] =	ssyncadd.s32 $0xFFFFEC00  }
0xb5: {  	_ =	swait.ge [sflag:s28], $0x1400  }
0xb6: {  	[sflag:s28] =	ssyncset.done $0x0  }
0xb7: {  	s5 =	simm.s32 $0x4DD0;
	[sflag:s28] =	ssyncadd.s32 $0xFFFFEC00  }
0xb8: {  	[spmem:s3] =	stream.indirect.scatter.add.f32 [tilespmem:s31], [sflag:$0x8], $0x40, s5, s20, $0xb8;
	[tilespmem:$0x16DA0] =	vst v63  }
0xb9: {  	_ =	swait.ge [sflag:s17], $0x1400  }
0xba: {  	s7 =	stileid.u32;
	[sflag:s17] =	ssyncset.done $0x0  }
0xbb: {  	s4 =	sshll.u32 s7, $0x6;
	[sflag:s17] =	ssyncadd.s32 $0xFFFFEC00  }
0xbc: {  	s4 =	sor.u32 $0x1C08, s4;
	[bflag:$0x0] =	sbarrier.arrive $0xFFFF  }
0xbd: {  	[hbm:s12], [sflag:s4] =	dma.local [spmem:s24], $0x1380  }
0xbe: {  	_ =	swait.ge [sflag:s17], $0x1380  }
0xbf: {  	s30 =	sadd.s32 $0x1, s30;
	[sflag:s17] =	ssyncset.done $0x0  }
0xc0: {  	p1 =	sne.s32 s30, s14;
	[sflag:s17] =	ssyncadd.s32 $0xFFFFEC80  }
0xc1: {  	[hbm:s13], [sflag:s4] =	dma.local @!p0 [spmem:s25], $0x80  }
.Ltmp2:
0xc2: {  	_ = 	snop;
	(pc) =	sbr.rel @p1 .LBB2_1-.Ltmp2, $4  }
0xc3: {  	s4 =	simm.s32 @!p0 $0x8  }
0xc4: {  	_ =	swait.ge @!p0 [sflag:s4], $0x80  }
0xc5: {  	[sflag:s4] =	ssyncset.done @!p0 $0x0  }
0xc6: {  	[sflag:s4] =	ssyncadd.s32 @!p0 $0xFFFFFF80  }
0xc7: {  	_ =	sfence.sel $0x180000  }
0xc8: {  	[bflag:$0x0] =	sbarrier.arrive $0xFFFF  }
0xc9: {  	_ =	strace $0x9000004A  }
0xca: {  	s0 =	stileid.u32;
	[bflag:$0x2] =	sbarrier.arrive $0xFFFF  }
0xcb: {  	p0 =	sne.s32 s0, $0x0;
	s0 =	rddreg [dreg:$0x3]  }
0xcc: {  	s0 =	sadd.s32 @!p0 $0x100000, s0  }
0xcd: {  	[sflag:s0] =	ssyncadd.tile.s32 @!p0 $0x1;
	_ =	shalt  }
.Lfunc_end2:
_tile_overlayer_lowered:
.L_overlay_start_2:
0xce: {  	(tag) =	ssettag $0x2  }
0xcf: {  	s0 =	rddreg [dreg:$0x0];
	s2 =	stileid.u32  }
0xd0: {  	s1 =	rddreg [dreg:$0x1];
	p0 =	sne.s32 s2, $0x0  }
0xd1: {  	s3 =	rddreg [dreg:$0x2];
	[bflag:$0x3] =	sbarrier.arrive $0xFFFF;
	s2 =	simm.s32 @!p0 $0x1C08  }
0xd2: {  	[timem:s3], [sflag:s2] =	dma.local @!p0 [hbm:s0], s1  }
0xd3: {  	s0 =	simm.s32 @!p0 $0x8  }
0xd4: {  	_ =	swait.ge @!p0 [sflag:s0], s1  }
0xd5: {  	s1 =	ssub.s32 @!p0 $0x0, s1;
	[sflag:s0] =	ssyncset.done @!p0 $0x0  }
0xd6: {  	[sflag:s0] =	ssyncadd.s32 @!p0 s1  }
0xd7: {  	[bflag:$0x3] =	sbarrier.arrive $0xFFFF  }
0xd8: {  	_ =	shalt  }

// kernel: kernel.14.cloned.1.call-start
scs
__scs_entry_jumppad:
0x0: {  	(pc) =	sbr.rel $0x88, $3  }
0x1: {  	(tag) =	ssettag $0x0;
	lr =	simm.s32 $0x1  }
0x2: {  	[smem:$0x3F9B] =	sst lr;
	_ =	strace $0xD0000000  }
0x3: {  	_ = 	snop  }
0x4: {  	_ = 	snop  }
0x5: {  	_ = 	snop  }
0x6: {  	_ = 	snop  }
0x7: {  	_ = 	snop  }
__scs_overlays_trampoline_lowered:
0x8: {  	[smem:$0x3FAA] =	sst s0  }
0x9: {  	[smem:$0x3FAB] =	sst s1  }
0xa: {  	[smem:$0x3FAC] =	sst s2  }
0xb: {  	[smem:$0x3FAD] =	sst s3  }
0xc: {  	[smem:$0x3FAE] =	sst s4  }
0xd: {  	[smem:$0x3FAF] =	sst s5  }
0xe: {  	[smem:$0x3FB0] =	sst s6  }
0xf: {  	[smem:$0x3FB1] =	sst s7  }
0x10: {  	[smem:$0x3FB2] =	sst s8  }
0x11: {  	[smem:$0x3FB3] =	sst s9;
	s0 =	simm.s32 @!p0 $0x0  }
0x12: {  	s1 =	sld [smem:$0x3F99];
	s0 =	simm.s32 @p0 $0x1  }
0x13: {  	[smem:$0x3FB4] =	sst s0;
	s0 =	simm.s32 @!p1 $0x0  }
0x14: {  	s2 =	sld [smem:$0x3F98];
	s0 =	simm.s32 @p1 $0x1  }
0x15: {  	[smem:$0x3FB5] =	sst s0;
	s0 =	simm.s32 @!p2 $0x0  }
0x16: {  	s3 =	sld [smem:$0x3FDB];
	s0 =	simm.s32 @p2 $0x1  }
0x17: {  	s4 =	simm.s32 $0x1BF5;
	[smem:$0x3FB7] =	sst s0  }
0x18: {  	s0 =	sld [smem:$0x3F9A];
	_ =	swait.ge [sflag:s4], $0x0  }
0x19: {  	s7 =	sld [smem:$0x3F9B]  }
0x1a: {  	s8 =	sadd.s32 $0xFFFFE003, lr  }
0x1b: {  	s9 =	sadd.s32 $0xFFFFFEF7, lr;
	s5 =	simm.s32 $0xFFFFFFFF;
	p2 =	slt.u32 s8, $0xFFFFF086  }
0x1c: {  	p1 =	slt.u32 s9, $0xF7A;
	s5 =	simm.s32 @!p2 $0x0  }
0x1d: {  	s5 =	simm.s32 @p1 $0x1;
	p0 =	seq.s32 s7, s2  }
0x1e: {  	s7 =	smul.u32 @!p0 $0xF7A, s2;
	p2 =	seq.s32 @!p0 s5, $0x0  }
0x1f: {  	s9 =	smul.u32 $0xF7A, s1;
	s8 =	simm.s32 @!p0 $0x1BF5;
	p2 =	por !p2, p0  }
0x20: {  	[sflag:s8] =	ssyncset.s32 @!p0 $0xFFFFF086;
	s6 =	sadd.s32 @!p0 s3, s7;
	s7 =	simm.s32 @!p0 $0x108  }
0x21: {  	s3 =	sadd.s32 s3, s9;
	s6 =	sadd.s32 @!p0 $0x88, s6;
	s7 =	simm.s32 @p2 $0x1082  }
0x22: {  	[simem:s7], [sflag:s8] =	dma.local @!p0 [hbm:s6], $0xF7A  }
0x23: {  	s9 =	sor.u32 $0xD0000000, s2;
	s6 =	simm.s32 $0x108;
	_ =	swait.ge @!p0 [sflag:s8], $0x0  }
0x24: {  	s3 =	sadd.s32 $0x88, s3;
	s6 =	simm.s32 @!p1 $0x1082;
	[sflag:s4] =	ssyncset.s32 $0xFFFFF086  }
0x25: {  	[simem:s6], [sflag:s4] =	dma.local [hbm:s3], $0xF7A  }
0x26: {  	[smem:$0x3F9B] =	sst s1;
	(tag) =	ssettag s2;
	_ =	strace s9  }
0x27: {  	s1 =	sld [smem:$0x3FAB]  }
0x28: {  	s2 =	sld [smem:$0x3FAC]  }
0x29: {  	s4 =	sld [smem:$0x3FAE]  }
0x2a: {  	p0 =	seq.s32 s5, $0x0;
	s5 =	sld [smem:$0x3FAF]  }
0x2b: {  	s6 =	sld [smem:$0x3FB0]  }
0x2c: {  	s7 =	sld [smem:$0x3FB1]  }
0x2d: {  	s3 =	simm.s32 $0x108;
	s8 =	sld [smem:$0x3FB2]  }
0x2e: {  	s3 =	simm.s32 @!p0 $0x1082;
	s9 =	sld [smem:$0x3FB3]  }
0x2f: {  	lr =	sadd.s32 s0, s3;
	s0 =	sld [smem:$0x3FAA]  }
0x30: {  	s3 =	sld [smem:$0x3FAD]  }
0x31: {  	[smem:$0x3FB6] =	sst s10  }
0x32: {  	s10 =	sld [smem:$0x3FB4];
	_ =	sdelay $0x3  }
0x33: {  	p0 =	seq.s32 s10, $0x1;
	s10 =	sld [smem:$0x3FB6];
	_ =	sdelay $0x3  }
0x34: {  	[smem:$0x3FB6] =	sst s10  }
0x35: {  	s10 =	sld [smem:$0x3FB5];
	_ =	sdelay $0x3  }
0x36: {  	p1 =	seq.s32 s10, $0x1;
	s10 =	sld [smem:$0x3FB6];
	_ =	sdelay $0x3  }
0x37: {  	[smem:$0x3FB6] =	sst s10  }
0x38: {  	s10 =	sld [smem:$0x3FB7]  }
0x39: {  	_ = 	snop;
	(pc) =	sbr.ind lr, $3  }
0x3a: {  	_ = 	snop  }
0x3b: {  	_ = 	snop  }
0x3c: {  	p2 =	seq.s32 s10, $0x1;
	s10 =	sld [smem:$0x3FB6]  }
0x3d: {  	_ =	shalt  }
0x3e: {  	_ =	shalt  }
0x3f: {  	_ =	shalt  }
0x40: {  	_ =	shalt  }
0x41: {  	_ =	shalt  }
0x42: {  	_ =	shalt  }
0x43: {  	_ =	shalt  }
0x44: {  	_ =	shalt  }
0x45: {  	_ =	shalt  }
0x46: {  	_ =	shalt  }
0x47: {  	_ =	shalt  }
0x48: {  	_ =	shalt  }
0x49: {  	_ =	shalt  }
0x4a: {  	_ =	shalt  }
0x4b: {  	_ =	shalt  }
0x4c: {  	_ =	shalt  }
0x4d: {  	_ =	shalt  }
0x4e: {  	_ =	shalt  }
0x4f: {  	_ =	shalt  }
0x50: {  	_ =	shalt  }
0x51: {  	_ =	shalt  }
0x52: {  	_ =	shalt  }
0x53: {  	_ =	shalt  }
0x54: {  	_ =	shalt  }
0x55: {  	_ =	shalt  }
0x56: {  	_ =	shalt  }
0x57: {  	_ =	shalt  }
0x58: {  	_ =	shalt  }
0x59: {  	_ =	shalt  }
0x5a: {  	_ =	shalt  }
0x5b: {  	_ =	shalt  }
0x5c: {  	_ =	shalt  }
0x5d: {  	_ =	shalt  }
0x5e: {  	_ =	shalt  }
0x5f: {  	_ =	shalt  }
0x60: {  	_ =	shalt  }
0x61: {  	_ =	shalt  }
0x62: {  	_ =	shalt  }
0x63: {  	_ =	shalt  }
0x64: {  	_ =	shalt  }
0x65: {  	_ =	shalt  }
0x66: {  	_ =	shalt  }
0x67: {  	_ =	shalt  }
0x68: {  	_ =	shalt  }
0x69: {  	_ =	shalt  }
0x6a: {  	_ =	shalt  }
0x6b: {  	_ =	shalt  }
0x6c: {  	_ =	shalt  }
0x6d: {  	_ =	shalt  }
0x6e: {  	_ =	shalt  }
0x6f: {  	_ =	shalt  }
0x70: {  	_ =	shalt  }
0x71: {  	_ =	shalt  }
0x72: {  	_ =	shalt  }
0x73: {  	_ =	shalt  }
0x74: {  	_ =	shalt  }
0x75: {  	_ =	shalt  }
0x76: {  	_ =	shalt  }
0x77: {  	_ =	shalt  }
0x78: {  	_ =	shalt  }
0x79: {  	_ =	shalt  }
0x7a: {  	_ =	shalt  }
0x7b: {  	_ =	shalt  }
0x7c: {  	_ =	shalt  }
0x7d: {  	_ =	shalt  }
0x7e: {  	_ =	shalt  }
0x7f: {  	_ =	shalt  }
0x80: {  	_ =	shalt  }
0x81: {  	_ =	shalt  }
0x82: {  	_ =	shalt  }
0x83: {  	_ =	shalt  }
0x84: {  	_ =	shalt  }
0x85: {  	_ =	shalt  }
0x86: {  	_ =	shalt  }
0x87: {  	_ =	shalt  }
.Lfunc_end0:
.L_simem_size_0:
called_computation.2_lowered:
.L_overlay_start_0:
0x88: {  	s2 =	sld [smem:$0x3FD9]  }
0x89: {  	s3 =	sld [smem:$0x3FFE];
	_ =	sdelay $0x1  }
0x8a: {  	s1 =	srdreg.scid  }
0x8b: {  	s0 =	sand.u32 $0x1, s1  }
0x8c: {  	s17 =	sshll.u32 s0, $0xA;
	s2 =	sadd.s32 s3, s2  }
0x8d: {  	s2 =	sadd.s32 s2, s17  }
0x8e: {  	[smem:$0x3FC2] =	sst s2  }
0x8f: {  	_ = 	snop  }
0x90: {  	s2 =	sld [smem:$0x3FD0];
	(tm) =	ssettm $0x1  }
0x91: {  	s18 =	sld [smem:$0x3FFB];
	_ =	sdelay $0x3  }
0x92: {  	_ =	strace s18  }
0x93: {  	s3 =	sld [smem:$0x3FFC];
	_ =	sdelay $0x3  }
0x94: {  	_ =	strace s3  }
0x95: {  	s3 =	sld [smem:$0x3FFD];
	_ =	sdelay $0x3  }
0x96: {  	_ =	strace s3  }
0x97: {  	_ =	strace $0x8FFFFFFF  }
0x98: {  	s19 =	sld [smem:$0x3FDB];
	_ =	sdelay $0x1  }
0x99: {  	s4 =	simm.s32 $_scs_section_size  }
0x9a: {  	s5 =	simm.s32 $_size__tile_overlayer_lowered;
	s6 =	simm.s32 $_tile_overlayer_lowered  }
0x9b: {  	s22 =	simm.s32 $0x1BFF;
	s21 =	sshll.u32 s6, $0x1;
	s3 =	sadd.s32 s4, s19  }
0x9c: {  	s7 =	simm.s32 $0x0;
	s20 =	sshll.u32 s5, $0x1;
	s5 =	sadd.s32 s21, s3  }
0x9d: {  	[timem:s7], [sflag:s22] =	dma.local [hbm:s5], s20  }
0x9e: {  	_ =	swait.ge [sflag:s22], s20  }
0x9f: {  	s4 =	ssub.s32 $0x0, s20;
	[sflag:s22] =	ssyncset.done $0x0  }
0xa0: {  	[sflag:s22] =	ssyncadd.s32 s4;
	_ =	sdelay $0x1  }
0xa1: {  	s23 =	simm.s32 $0x1B8B  }
0xa2: {  	_ =	swait.ge [sflag:s23], $0x1  }
0xa3: {  	[sflag:s23] =	ssyncset.done $0x0  }
0xa4: {  	s25 =	simm.s32 $0x1B8E;
	s24 =	sld [smem:$0x3FFE];
	[sflag:s23] =	ssyncadd.s32 $0xFFFFFFFF  }
0xa5: {  	s26 =	simm.s32 $execute0_lowered;
	[smem:$0x3FD2] =	sst s25  }
0xa6: {  	s5 =	sshll.u32 s26, $0x1;
	_ =	strace $0x8000004C;
	[dreg:$0x1] =	wrdreg $0xFFFFFFFF  }
0xa7: {  	s28 =	simm.s32 $_size_execute0_lowered;
	s3 =	sadd.s32 s3, s5;
	[dreg:$0x0] =	wrdreg $0x0  }
0xa8: {  	s5 =	sshll.u32 s28, $0x1;
	[dreg:$0x2] =	wrdreg s3  }
0xa9: {  	[dreg:$0x3] =	wrdreg s5  }
0xaa: {  	[dreg:$0x4] =	wrdreg $0xC0  }
0xab: {  	_ =	task [dreg:s7], $0x5FFFF  }
0xac: {  	[dreg:$0x1] =	wrdreg $0xFFFFFFFF  }
0xad: {  	[dreg:$0x0] =	wrdreg $0x60  }
0xae: {  	[dreg:$0x2] =	wrdreg s2  }
0xaf: {  	[dreg:$0x3] =	wrdreg s24  }
0xb0: {  	[dreg:$0x4] =	wrdreg $0xD1600  }
0xb1: {  	[dreg:$0x5] =	wrdreg $0x9  }
0xb2: {  	_ =	task.clear_ibuf [dreg:s7], $0x6FFFF;
	_ =	strace $0x9000004C  }
0xb3: {  	s29 =	simm.s32 $0x9;
	_ =	strace $0x8000004E  }
0xb4: {  	_ =	swait.ge [sflag:s29], $0x1  }
0xb5: {  	[sflag:s29] =	ssyncadd.s32 $0xFFFFFFFF  }
0xb6: {  	_ =	strace $0x9000004E  }
0xb7: {  	_ =	sfence  }
0xb8: {  	s30 =	sld [smem:$0x0];
	_ =	sdelay $0x2  }
0xb9: {  	s31 =	sshll.u32 s1, $0xD;
	s1 =	sshrl.u32 s1, $0x2  }
0xba: {  	s3 =	sand.u32 $0x4000, s31;
	s1 =	sadd.s32 s1, s30  }
0xbb: {  	s0 =	sor.u32 s3, s0;
	s1 =	sshll.u32 s1, $0x11  }
0xbc: {  	s0 =	sor.u32 s1, s0  }
0xbd: {  	s0 =	sadd.s32 $0x8F2B, s0  }
0xbe: {  	[sflag:s0] =	ssyncadd.remote.s32 $0x1  }
0xbf: {  	_ =	sfence.sel $0xFFFF  }
0xc0: {  	[dreg:$0x0] =	wrdreg $0xFFFFFFFF;
	(pc) =	sbr.abs _section_cstart, $3  }
0xc1: {  	[dreg:$0x1] =	wrdreg $0xFFFFFFFF  }
0xc2: {  	_ =	task.clear_ibuf [dreg:s7], $0x2FFFF;
	_ =	strace $0x9FFFFFFF  }
0xc3: {  	(tm) =	ssettm $0x7FFFFFFF  }
tec
execute0_lowered:
.L_overlay_start_1:
0x0: {  	(tag) =	ssettag $0x1  }
0x1: {  	s0 =	rddreg [dreg:$0x0]  }
0x2: {  	s1 =	rddreg [dreg:$0x1];
	s2 =	srdreg.scid  }
0x3: {  	s3 =	rddreg [dreg:$0x2];
	s15 =	stileid.u32  }
0x4: {  	s6 =	simm.s32 $0x0;
	s16 =	simm.s32 $0xB220;
	s17 =	simm.s32 $0x8  }
0x5: {  	s18 =	simm.s32 $0x6;
	s19 =	simm.s32 $0x7;
	s20 =	simm.s32 $0x50  }
0x6: {  	s21 =	simm.s32 $0x4E20;
	s29 =	simm.s32 $0x8A20;
	s31 =	simm.s32 $0x9E20  }
0x7: {  	s28 =	simm.s32 $0x5;
	s30 =	simm.s32 $0x0;
	s5 =	smul.u32 $0x2710, s15  }
0x8: {  	s2 =	sand.u32 $0x1, s2;
	[smem:$0x7FF] =	sst s6;
	s23 =	smul.u32 $0x27100, s15  }
0x9: {  	s13 =	smul.u32 $0x9C00, s15;
	p0 =	sne.s32 s15, $0xF;
	s15 =	simm.s32 $0x2  }
0xa: {  	s4 =	smul.u32 $0x27100, s2;
	_ =	strace $0x8000004D;
	s22 =	ssub.s32 $0x2, s2  }
0xb: {  	s2 =	smul.u32 $0x9C400, s2;
	s7 =	sshrl.u32 s22, $0x1;
	s6 =	sshrl.u32 s23, $0x2  }
0xc: {  	s26 =	sadd.s32 s13, s3;
	s23 =	simm.s32 $0x3;
	s4 =	sadd.s32 s5, s4  }
0xd: {  	s5 =	ssub.s32 s22, s7;
	s6 =	sadd.s32 s6, s3;
	s25 =	sadd.s32 s13, s2  }
0xe: {  	s2 =	sshrl.u32 s2, $0x3;
	s22 =	simm.s32 $0x6220;
	s4 =	sshrl.u32 s4, $0x3  }
0xf: {  	s8 =	sadd.s32 $0x1F40, s6;
	s9 =	sadd.s32 $0x3E80, s6;
	s4 =	sadd.s32 s4, s1  }
0x10: {  	s10 =	sadd.s32 $0x5DC0, s6;
	s11 =	sadd.s32 $0x7D00, s6;
	s24 =	sadd.s32 $0x2400, s4  }
0x11: {  	s1 =	sadd.s32 $0x16000, s1;
	s4 =	sadd.s32 $0xC200, s4;
	[dreg:$0x4] =	wrdreg s24  }
0x12: {  	s14 =	smax.u32 s5, $0x1;
	s2 =	sadd.s32 s1, s2;
	[dreg:$0x5] =	wrdreg s4  }
0x13: {  	s4 =	sshrl.u32 s25, $0x3;
	s13 =	sadd.s32 $0x13800, s2;
	s2 =	sadd.s32 $0x9C000, s3  }
0x14: {  	s24 =	sshrl.u32 s26, $0x3;
	s26 =	simm.s32 $0x7620;
	s12 =	sadd.s32 s1, s4  }
0x15: {  	v0 =	vimm.f32 $0.0e+00;
	s25 =	sshrl.u32 @!p0 s2, $0x3;
	s1 =	simm.s32 $0x1;
	s2 =	simm.s32 $0x4  }
.LBB2_1:
0x16: {  	s4 =	simm.s32 $0x0;
	s5 =	rddreg [dreg:$0x4]  }
0x17: {  	[tilespmem:s4], [sflag:$0x6] =	stream.linear.gather [hbm4b:s5+s4], $0x2710, $0x38;
	[tilespmem:$0x16DA0] =	vst v63  }
0x18: {  	s7 =	simm.s32 $0x2710;
	s5 =	rddreg [dreg:$0x5]  }
0x19: {  	[tilespmem:s7], [sflag:$0x7] =	stream.linear.gather [hbm4b:s5+s4], $0x2710, $0x38;
	[tilespmem:$0x16DA0] =	vst v63  }
0x1a: {  	s5 =	simm.s32 $0x100;
	s4 =	simm.s32 $0x0  }
.LBB2_2:
0x1b: {  	p1 =	sne.s32 s5, $0x7C00;
	[tilespmem:s4+$0xB250] =	vst v0;
	s7 =	smov.u32 s5;
	s5 =	sadd.s32 $0x100, s5  }
.Ltmp0:
0x1c: {  	[tilespmem:s4+$0xB240] =	vst v0;
	(pc) =	sbr.rel @p1 .LBB2_2-.Ltmp0, $3  }
0x1d: {  	[tilespmem:s4+$0xB220] =	vst v0  }
0x1e: {  	[tilespmem:s4+$0xB230] =	vst v0;
	_ =	sdelay $0x1  }
0x1f: {  	s4 =	sshra.s32 s7, $0x2  }
0x20: {  	[tilespmem:s4+$0xB250] =	vst v0  }
0x21: {  	[tilespmem:s4+$0xB240] =	vst v0  }
0x22: {  	[tilespmem:s4+$0xB220] =	vst v0  }
0x23: {  	[tilespmem:s4+$0xB230] =	vst v0  }
0x24: {  	[spmem:s6] =	stream.linear.scatter [tilespmem:s16], [sflag:$0x8], $0x1F40, $0x38;
	[tilespmem:$0x16DA0] =	vst v63  }
0x25: {  	_ =	swait.ge [sflag:s17], $0x1F40  }
0x26: {  	[sflag:s17] =	ssyncset.done $0x0  }
0x27: {  	[sflag:s17] =	ssyncadd.s32 $0xFFFFE0C0  }
0x28: {  	[spmem:s8] =	stream.linear.scatter [tilespmem:s16], [sflag:$0x8], $0x1F40, $0x38;
	[tilespmem:$0x16DA0] =	vst v63  }
0x29: {  	_ =	swait.ge [sflag:s17], $0x1F40  }
0x2a: {  	[sflag:s17] =	ssyncset.done $0x0  }
0x2b: {  	[sflag:s17] =	ssyncadd.s32 $0xFFFFE0C0  }
0x2c: {  	[spmem:s9] =	stream.linear.scatter [tilespmem:s16], [sflag:$0x8], $0x1F40, $0x38;
	[tilespmem:$0x16DA0] =	vst v63  }
0x2d: {  	_ =	swait.ge [sflag:s17], $0x1F40  }
0x2e: {  	[sflag:s17] =	ssyncset.done $0x0  }
0x2f: {  	[sflag:s17] =	ssyncadd.s32 $0xFFFFE0C0  }
0x30: {  	[spmem:s10] =	stream.linear.scatter [tilespmem:s16], [sflag:$0x8], $0x1F40, $0x38;
	[tilespmem:$0x16DA0] =	vst v63  }
0x31: {  	_ =	swait.ge [sflag:s17], $0x1F40  }
0x32: {  	[sflag:s17] =	ssyncset.done $0x0  }
0x33: {  	[sflag:s17] =	ssyncadd.s32 $0xFFFFE0C0  }
0x34: {  	[spmem:s11] =	stream.linear.scatter [tilespmem:s16], [sflag:$0x8], $0x1F40, $0x38;
	[tilespmem:$0x16DA0] =	vst v63  }
0x35: {  	_ =	swait.ge [sflag:s17], $0x1F40  }
0x36: {  	[sflag:s17] =	ssyncset.done $0x0  }
0x37: {  	[sflag:s17] =	ssyncadd.s32 $0xFFFFE0C0  }
0x38: {  	_ =	swait.ge [sflag:s18], $0x2710  }
0x39: {  	[sflag:s18] =	ssyncset.done $0x0  }
0x3a: {  	[sflag:s18] =	ssyncadd.s32 $0xFFFFD8F0  }
0x3b: {  	_ =	swait.ge [sflag:s19], $0x2710  }
0x3c: {  	[sflag:s19] =	ssyncset.done $0x0  }
0x3d: {  	[sflag:s19] =	ssyncadd.s32 $0xFFFFD8F0  }
0x3e: {  	s7 =	simm.s32 $0x0;
	[bflag:$0x0] =	sbarrier.arrive $0xFFFF  }
0x3f: {  	[tilespmem:s21], [sflag:$0x1] =	stream.indirect.gather [hbm4b:s0+s20], $0x40, s7, s20, $0xb8;
	[tilespmem:$0x16DA0] =	vst v63  }
0x40: {  	_ = 	snop  }
0x41: {  	[tilespmem:s22], [sflag:$0x2] =	stream.indirect.gather [hbm4b:s0+s20], $0x40, s20, s20, $0xb8;
	[tilespmem:$0x16DA0] =	vst v63  }
0x42: {  	s5 =	simm.s32 $0xA0  }
0x43: {  	[tilespmem:s26], [sflag:$0x3] =	stream.indirect.gather [hbm4b:s0+s20], $0x40, s5, s20, $0xb8;
	[tilespmem:$0x16DA0] =	vst v63  }
0x44: {  	s7 =	simm.s32 $0xF0  }
0x45: {  	[tilespmem:s29], [sflag:$0x4] =	stream.indirect.gather [hbm4b:s0+s20], $0x40, s7, s20, $0xb8;
	[tilespmem:$0x16DA0] =	vst v63  }
0x46: {  	s5 =	simm.s32 $0x140  }
0x47: {  	[tilespmem:s31], [sflag:$0x5] =	stream.indirect.gather [hbm4b:s0+s20], $0x40, s5, s20, $0xb8;
	[tilespmem:$0x16DA0] =	vst v63  }
0x48: {  	_ =	swait.ge [sflag:s1], $0x1400  }
0x49: {  	[sflag:s1] =	ssyncset.done $0x0  }
0x4a: {  	s7 =	simm.s32 $0x2710;
	[sflag:s1] =	ssyncadd.s32 $0xFFFFEC00  }
0x4b: {  	[spmem:s3] =	stream.indirect.scatter.add.f32 [tilespmem:s21], [sflag:$0x8], $0x40, s7, s20, $0xb8;
	[tilespmem:$0x16DA0] =	vst v63  }
0x4c: {  	_ =	swait.ge [sflag:s17], $0x1400  }
0x4d: {  	[sflag:s17] =	ssyncset.done $0x0  }
0x4e: {  	s5 =	simm.s32 $0x190;
	[sflag:s17] =	ssyncadd.s32 $0xFFFFEC00  }
0x4f: {  	[tilespmem:s21], [sflag:$0x1] =	stream.indirect.gather [hbm4b:s0+s20], $0x40, s5, s20, $0xb8;
	[tilespmem:$0x16DA0] =	vst v63  }
0x50: {  	_ =	swait.ge [sflag:s15], $0x1400  }
0x51: {  	[sflag:s15] =	ssyncset.done $0x0  }
0x52: {  	s7 =	simm.s32 $0x2760;
	[sflag:s15] =	ssyncadd.s32 $0xFFFFEC00  }
0x53: {  	[spmem:s3] =	stream.indirect.scatter.add.f32 [tilespmem:s22], [sflag:$0x8], $0x40, s7, s20, $0xb8;
	[tilespmem:$0x16DA0] =	vst v63  }
0x54: {  	_ =	swait.ge [sflag:s17], $0x1400  }
0x55: {  	[sflag:s17] =	ssyncset.done $0x0  }
0x56: {  	s5 =	simm.s32 $0x1E0;
	[sflag:s17] =	ssyncadd.s32 $0xFFFFEC00  }
0x57: {  	[tilespmem:s22], [sflag:$0x2] =	stream.indirect.gather [hbm4b:s0+s20], $0x40, s5, s20, $0xb8;
	[tilespmem:$0x16DA0] =	vst v63  }
0x58: {  	_ =	swait.ge [sflag:s23], $0x1400  }
0x59: {  	[sflag:s23] =	ssyncset.done $0x0  }
0x5a: {  	s7 =	simm.s32 $0x27B0;
	[sflag:s23] =	ssyncadd.s32 $0xFFFFEC00  }
0x5b: {  	[spmem:s3] =	stream.indirect.scatter.add.f32 [tilespmem:s26], [sflag:$0x8], $0x40, s7, s20, $0xb8;
	[tilespmem:$0x16DA0] =	vst v63  }
0x5c: {  	_ =	swait.ge [sflag:s17], $0x1400  }
0x5d: {  	[sflag:s17] =	ssyncset.done $0x0  }
0x5e: {  	s5 =	simm.s32 $0x230;
	[sflag:s17] =	ssyncadd.s32 $0xFFFFEC00  }
0x5f: {  	[tilespmem:s26], [sflag:$0x3] =	stream.indirect.gather [hbm4b:s0+s20], $0x40, s5, s20, $0xb8;
	[tilespmem:$0x16DA0] =	vst v63  }
0x60: {  	_ =	swait.ge [sflag:s2], $0x1400  }
0x61: {  	[sflag:s2] =	ssyncset.done $0x0  }
0x62: {  	s7 =	simm.s32 $0x2800;
	[sflag:s2] =	ssyncadd.s32 $0xFFFFEC00  }
0x63: {  	[spmem:s3] =	stream.indirect.scatter.add.f32 [tilespmem:s29], [sflag:$0x8], $0x40, s7, s20, $0xb8;
	[tilespmem:$0x16DA0] =	vst v63  }
0x64: {  	_ =	swait.ge [sflag:s17], $0x1400  }
0x65: {  	[sflag:s17] =	ssyncset.done $0x0  }
0x66: {  	s5 =	simm.s32 $0x280;
	[sflag:s17] =	ssyncadd.s32 $0xFFFFEC00  }
0x67: {  	[tilespmem:s29], [sflag:$0x4] =	stream.indirect.gather [hbm4b:s0+s20], $0x40, s5, s20, $0xb8;
	[tilespmem:$0x16DA0] =	vst v63  }
0x68: {  	_ =	swait.ge [sflag:s28], $0x1400  }
0x69: {  	[sflag:s28] =	ssyncset.done $0x0  }
0x6a: {  	s7 =	simm.s32 $0x2850;
	[sflag:s28] =	ssyncadd.s32 $0xFFFFEC00  }
0x6b: {  	[spmem:s3] =	stream.indirect.scatter.add.f32 [tilespmem:s31], [sflag:$0x8], $0x40, s7, s20, $0xb8;
	[tilespmem:$0x16DA0] =	vst v63  }
0x6c: {  	_ =	swait.ge [sflag:s17], $0x1400  }
0x6d: {  	[sflag:s17] =	ssyncset.done $0x0  }
0x6e: {  	s4 =	simm.s32 $0x640;
	s5 =	simm.s32 $0x2D0;
	[sflag:s17] =	ssyncadd.s32 $0xFFFFEC00  }
.LBB2_4:
0x6f: {  	[tilespmem:s31], [sflag:$0x5] =	stream.indirect.gather [hbm4b:s0+s20], $0x40, s5, s20, $0xb8;
	[tilespmem:$0x16DA0] =	vst v63  }
0x70: {  	s5 =	smov.u32 s4  }
0x71: {  	p1 =	sne.s32 s4, $0x8FC0;
	s4 =	sadd.s32 $0x640, s4;
	_ =	swait.ge [sflag:s1], $0x1400  }
0x72: {  	s5 =	sshra.s32 s5, $0x2;
	[sflag:s1] =	ssyncset.done $0x0  }
0x73: {  	s7 =	sadd.s32 $0x2710, s5;
	[sflag:s1] =	ssyncadd.s32 $0xFFFFEC00  }
0x74: {  	[spmem:s3] =	stream.indirect.scatter.add.f32 [tilespmem:s21], [sflag:$0x8], $0x40, s7, s20, $0xb8;
	[tilespmem:$0x16DA0] =	vst v63  }
0x75: {  	_ =	swait.ge [sflag:s17], $0x1400  }
0x76: {  	[sflag:s17] =	ssyncset.done $0x0  }
0x77: {  	s7 =	sadd.s32 $0x190, s5;
	[sflag:s17] =	ssyncadd.s32 $0xFFFFEC00  }
0x78: {  	[tilespmem:s21], [sflag:$0x1] =	stream.indirect.gather [hbm4b:s0+s20], $0x40, s7, s20, $0xb8;
	[tilespmem:$0x16DA0] =	vst v63  }
0x79: {  	_ =	swait.ge [sflag:s15], $0x1400  }
0x7a: {  	[sflag:s15] =	ssyncset.done $0x0  }
0x7b: {  	s7 =	sadd.s32 $0x2760, s5;
	[sflag:s15] =	ssyncadd.s32 $0xFFFFEC00  }
0x7c: {  	[spmem:s3] =	stream.indirect.scatter.add.f32 [tilespmem:s22], [sflag:$0x8], $0x40, s7, s20, $0xb8;
	[tilespmem:$0x16DA0] =	vst v63  }
0x7d: {  	_ =	swait.ge [sflag:s17], $0x1400  }
0x7e: {  	[sflag:s17] =	ssyncset.done $0x0  }
0x7f: {  	s7 =	sadd.s32 $0x1E0, s5;
	[sflag:s17] =	ssyncadd.s32 $0xFFFFEC00  }
0x80: {  	[tilespmem:s22], [sflag:$0x2] =	stream.indirect.gather [hbm4b:s0+s20], $0x40, s7, s20, $0xb8;
	[tilespmem:$0x16DA0] =	vst v63  }
0x81: {  	_ =	swait.ge [sflag:s23], $0x1400  }
0x82: {  	[sflag:s23] =	ssyncset.done $0x0  }
0x83: {  	s7 =	sadd.s32 $0x27B0, s5;
	[sflag:s23] =	ssyncadd.s32 $0xFFFFEC00  }
0x84: {  	[spmem:s3] =	stream.indirect.scatter.add.f32 [tilespmem:s26], [sflag:$0x8], $0x40, s7, s20, $0xb8;
	[tilespmem:$0x16DA0] =	vst v63  }
0x85: {  	_ =	swait.ge [sflag:s17], $0x1400  }
0x86: {  	[sflag:s17] =	ssyncset.done $0x0  }
0x87: {  	s7 =	sadd.s32 $0x230, s5;
	[sflag:s17] =	ssyncadd.s32 $0xFFFFEC00  }
0x88: {  	[tilespmem:s26], [sflag:$0x3] =	stream.indirect.gather [hbm4b:s0+s20], $0x40, s7, s20, $0xb8;
	[tilespmem:$0x16DA0] =	vst v63  }
0x89: {  	_ =	swait.ge [sflag:s2], $0x1400  }
0x8a: {  	[sflag:s2] =	ssyncset.done $0x0  }
0x8b: {  	s7 =	sadd.s32 $0x2800, s5;
	[sflag:s2] =	ssyncadd.s32 $0xFFFFEC00  }
0x8c: {  	[spmem:s3] =	stream.indirect.scatter.add.f32 [tilespmem:s29], [sflag:$0x8], $0x40, s7, s20, $0xb8;
	[tilespmem:$0x16DA0] =	vst v63  }
0x8d: {  	_ =	swait.ge [sflag:s17], $0x1400  }
0x8e: {  	[sflag:s17] =	ssyncset.done $0x0  }
0x8f: {  	s7 =	sadd.s32 $0x280, s5;
	[sflag:s17] =	ssyncadd.s32 $0xFFFFEC00  }
0x90: {  	[tilespmem:s29], [sflag:$0x4] =	stream.indirect.gather [hbm4b:s0+s20], $0x40, s7, s20, $0xb8;
	[tilespmem:$0x16DA0] =	vst v63  }
0x91: {  	_ =	swait.ge [sflag:s28], $0x1400  }
0x92: {  	[sflag:s28] =	ssyncset.done $0x0  }
.Ltmp1:
0x93: {  	s7 =	sadd.s32 $0x2850, s5;
	[sflag:s28] =	ssyncadd.s32 $0xFFFFEC00;
	(pc) =	sbr.rel @p1 .LBB2_4-.Ltmp1, $4  }
0x94: {  	[spmem:s3] =	stream.indirect.scatter.add.f32 [tilespmem:s31], [sflag:$0x8], $0x40, s7, s20, $0xb8;
	[tilespmem:$0x16DA0] =	vst v63  }
0x95: {  	_ =	swait.ge [sflag:s17], $0x1400  }
0x96: {  	[sflag:s17] =	ssyncset.done $0x0  }
0x97: {  	s5 =	sadd.s32 $0x2D0, s5;
	[sflag:s17] =	ssyncadd.s32 $0xFFFFEC00  }
0x98: {  	[tilespmem:s31], [sflag:$0x5] =	stream.indirect.gather [hbm4b:s0+s20], $0x40, s5, s20, $0xb8;
	[tilespmem:$0x16DA0] =	vst v63  }
0x99: {  	_ =	swait.ge [sflag:s1], $0x1400  }
0x9a: {  	[sflag:s1] =	ssyncset.done $0x0  }
0x9b: {  	s4 =	simm.s32 $0x4C90;
	[sflag:s1] =	ssyncadd.s32 $0xFFFFEC00  }
0x9c: {  	[spmem:s3] =	stream.indirect.scatter.add.f32 [tilespmem:s21], [sflag:$0x8], $0x40, s4, s20, $0xb8;
	[tilespmem:$0x16DA0] =	vst v63  }
0x9d: {  	_ =	swait.ge [sflag:s17], $0x1400  }
0x9e: {  	[sflag:s17] =	ssyncset.done $0x0  }
0x9f: {  	[sflag:s17] =	ssyncadd.s32 $0xFFFFEC00  }
0xa0: {  	_ =	swait.ge [sflag:s15], $0x1400  }
0xa1: {  	[sflag:s15] =	ssyncset.done $0x0  }
0xa2: {  	s7 =	simm.s32 $0x4CE0;
	[sflag:s15] =	ssyncadd.s32 $0xFFFFEC00  }
0xa3: {  	[spmem:s3] =	stream.indirect.scatter.add.f32 [tilespmem:s22], [sflag:$0x8], $0x40, s7, s20, $0xb8;
	[tilespmem:$0x16DA0] =	vst v63  }
0xa4: {  	_ =	swait.ge [sflag:s17], $0x1400  }
0xa5: {  	[sflag:s17] =	ssyncset.done $0x0  }
0xa6: {  	[sflag:s17] =	ssyncadd.s32 $0xFFFFEC00  }
0xa7: {  	_ =	swait.ge [sflag:s23], $0x1400  }
0xa8: {  	[sflag:s23] =	ssyncset.done $0x0  }
0xa9: {  	s5 =	simm.s32 $0x4D30;
	[sflag:s23] =	ssyncadd.s32 $0xFFFFEC00  }
0xaa: {  	[spmem:s3] =	stream.indirect.scatter.add.f32 [tilespmem:s26], [sflag:$0x8], $0x40, s5, s20, $0xb8;
	[tilespmem:$0x16DA0] =	vst v63  }
0xab: {  	_ =	swait.ge [sflag:s17], $0x1400  }
0xac: {  	[sflag:s17] =	ssyncset.done $0x0  }
0xad: {  	[sflag:s17] =	ssyncadd.s32 $0xFFFFEC00  }
0xae: {  	_ =	swait.ge [sflag:s2], $0x1400  }
0xaf: {  	[sflag:s2] =	ssyncset.done $0x0  }
0xb0: {  	s7 =	simm.s32 $0x4D80;
	[sflag:s2] =	ssyncadd.s32 $0xFFFFEC00  }
0xb1: {  	[spmem:s3] =	stream.indirect.scatter.add.f32 [tilespmem:s29], [sflag:$0x8], $0x40, s7, s20, $0xb8;
	[tilespmem:$0x16DA0] =	vst v63  }
0xb2: {  	_ =	swait.ge [sflag:s17], $0x1400  }
0xb3: {  	[sflag:s17] =	ssyncset.done $0x0  }
0xb4: {  	[sflag:s17] =	ssyncadd.s32 $0xFFFFEC00  }
0xb5: {  	_ =	swait.ge [sflag:s28], $0x1400  }
0xb6: {  	[sflag:s28] =	ssyncset.done $0x0  }
0xb7: {  	s5 =	simm.s32 $0x4DD0;
	[sflag:s28] =	ssyncadd.s32 $0xFFFFEC00  }
0xb8: {  	[spmem:s3] =	stream.indirect.scatter.add.f32 [tilespmem:s31], [sflag:$0x8], $0x40, s5, s20, $0xb8;
	[tilespmem:$0x16DA0] =	vst v63  }
0xb9: {  	_ =	swait.ge [sflag:s17], $0x1400  }
0xba: {  	s7 =	stileid.u32;
	[sflag:s17] =	ssyncset.done $0x0  }
0xbb: {  	s4 =	sshll.u32 s7, $0x6;
	[sflag:s17] =	ssyncadd.s32 $0xFFFFEC00  }
0xbc: {  	s4 =	sor.u32 $0x1C08, s4;
	[bflag:$0x0] =	sbarrier.arrive $0xFFFF  }
0xbd: {  	[hbm:s12], [sflag:s4] =	dma.local [spmem:s24], $0x1380  }
0xbe: {  	_ =	swait.ge [sflag:s17], $0x1380  }
0xbf: {  	s30 =	sadd.s32 $0x1, s30;
	[sflag:s17] =	ssyncset.done $0x0  }
0xc0: {  	p1 =	sne.s32 s30, s14;
	[sflag:s17] =	ssyncadd.s32 $0xFFFFEC80  }
0xc1: {  	[hbm:s13], [sflag:s4] =	dma.local @!p0 [spmem:s25], $0x80  }
.Ltmp2:
0xc2: {  	_ = 	snop;
	(pc) =	sbr.rel @p1 .LBB2_1-.Ltmp2, $4  }
0xc3: {  	s4 =	simm.s32 @!p0 $0x8  }
0xc4: {  	_ =	swait.ge @!p0 [sflag:s4], $0x80  }
0xc5: {  	[sflag:s4] =	ssyncset.done @!p0 $0x0  }
0xc6: {  	[sflag:s4] =	ssyncadd.s32 @!p0 $0xFFFFFF80  }
0xc7: {  	_ =	sfence.sel $0x180000  }
0xc8: {  	[bflag:$0x0] =	sbarrier.arrive $0xFFFF  }
0xc9: {  	_ =	strace $0x9000004D  }
0xca: {  	s0 =	stileid.u32;
	[bflag:$0x2] =	sbarrier.arrive $0xFFFF  }
0xcb: {  	p0 =	sne.s32 s0, $0x0;
	s0 =	rddreg [dreg:$0x3]  }
0xcc: {  	s0 =	sadd.s32 @!p0 $0x100000, s0  }
0xcd: {  	[sflag:s0] =	ssyncadd.tile.s32 @!p0 $0x1;
	_ =	shalt  }
.Lfunc_end2:
_tile_overlayer_lowered:
.L_overlay_start_2:
0xce: {  	(tag) =	ssettag $0x2  }
0xcf: {  	s0 =	rddreg [dreg:$0x0];
	s2 =	stileid.u32  }
0xd0: {  	s1 =	rddreg [dreg:$0x1];
	p0 =	sne.s32 s2, $0x0  }
0xd1: {  	s3 =	rddreg [dreg:$0x2];
	[bflag:$0x3] =	sbarrier.arrive $0xFFFF;
	s2 =	simm.s32 @!p0 $0x1C08  }
0xd2: {  	[timem:s3], [sflag:s2] =	dma.local @!p0 [hbm:s0], s1  }
0xd3: {  	s0 =	simm.s32 @!p0 $0x8  }
0xd4: {  	_ =	swait.ge @!p0 [sflag:s0], s1  }
0xd5: {  	s1 =	ssub.s32 @!p0 $0x0, s1;
	[sflag:s0] =	ssyncset.done @!p0 $0x0  }
0xd6: {  	[sflag:s0] =	ssyncadd.s32 @!p0 s1  }
0xd7: {  	[bflag:$0x3] =	sbarrier.arrive $0xFFFF  }
0xd8: {  	_ =	shalt  }

// kernel: kernel.8.cloned.1.call-start
scs
__scs_entry_jumppad:
0x0: {  	(pc) =	sbr.rel $0x88, $3  }
0x1: {  	(tag) =	ssettag $0x0;
	lr =	simm.s32 $0x1  }
0x2: {  	[smem:$0x3F9B] =	sst lr;
	_ =	strace $0xD0000000  }
0x3: {  	_ = 	snop  }
0x4: {  	_ = 	snop  }
0x5: {  	_ = 	snop  }
0x6: {  	_ = 	snop  }
0x7: {  	_ = 	snop  }
__scs_overlays_trampoline_lowered:
0x8: {  	[smem:$0x3FAA] =	sst s0  }
0x9: {  	[smem:$0x3FAB] =	sst s1  }
0xa: {  	[smem:$0x3FAC] =	sst s2  }
0xb: {  	[smem:$0x3FAD] =	sst s3  }
0xc: {  	[smem:$0x3FAE] =	sst s4  }
0xd: {  	[smem:$0x3FAF] =	sst s5  }
0xe: {  	[smem:$0x3FB0] =	sst s6  }
0xf: {  	[smem:$0x3FB1] =	sst s7  }
0x10: {  	[smem:$0x3FB2] =	sst s8  }
0x11: {  	[smem:$0x3FB3] =	sst s9;
	s0 =	simm.s32 @!p0 $0x0  }
0x12: {  	s1 =	sld [smem:$0x3F99];
	s0 =	simm.s32 @p0 $0x1  }
0x13: {  	[smem:$0x3FB4] =	sst s0;
	s0 =	simm.s32 @!p1 $0x0  }
0x14: {  	s2 =	sld [smem:$0x3F98];
	s0 =	simm.s32 @p1 $0x1  }
0x15: {  	[smem:$0x3FB5] =	sst s0;
	s0 =	simm.s32 @!p2 $0x0  }
0x16: {  	s3 =	sld [smem:$0x3FDB];
	s0 =	simm.s32 @p2 $0x1  }
0x17: {  	s4 =	simm.s32 $0x1BF5;
	[smem:$0x3FB7] =	sst s0  }
0x18: {  	s0 =	sld [smem:$0x3F9A];
	_ =	swait.ge [sflag:s4], $0x0  }
0x19: {  	s7 =	sld [smem:$0x3F9B]  }
0x1a: {  	s8 =	sadd.s32 $0xFFFFE003, lr  }
0x1b: {  	s9 =	sadd.s32 $0xFFFFFEF7, lr;
	s5 =	simm.s32 $0xFFFFFFFF;
	p2 =	slt.u32 s8, $0xFFFFF086  }
0x1c: {  	p1 =	slt.u32 s9, $0xF7A;
	s5 =	simm.s32 @!p2 $0x0  }
0x1d: {  	s5 =	simm.s32 @p1 $0x1;
	p0 =	seq.s32 s7, s2  }
0x1e: {  	s7 =	smul.u32 @!p0 $0xF7A, s2;
	p2 =	seq.s32 @!p0 s5, $0x0  }
0x1f: {  	s9 =	smul.u32 $0xF7A, s1;
	s8 =	simm.s32 @!p0 $0x1BF5;
	p2 =	por !p2, p0  }
0x20: {  	[sflag:s8] =	ssyncset.s32 @!p0 $0xFFFFF086;
	s6 =	sadd.s32 @!p0 s3, s7;
	s7 =	simm.s32 @!p0 $0x108  }
0x21: {  	s3 =	sadd.s32 s3, s9;
	s6 =	sadd.s32 @!p0 $0x88, s6;
	s7 =	simm.s32 @p2 $0x1082  }
0x22: {  	[simem:s7], [sflag:s8] =	dma.local @!p0 [hbm:s6], $0xF7A  }
0x23: {  	s9 =	sor.u32 $0xD0000000, s2;
	s6 =	simm.s32 $0x108;
	_ =	swait.ge @!p0 [sflag:s8], $0x0  }
0x24: {  	s3 =	sadd.s32 $0x88, s3;
	s6 =	simm.s32 @!p1 $0x1082;
	[sflag:s4] =	ssyncset.s32 $0xFFFFF086  }
0x25: {  	[simem:s6], [sflag:s4] =	dma.local [hbm:s3], $0xF7A  }
0x26: {  	[smem:$0x3F9B] =	sst s1;
	(tag) =	ssettag s2;
	_ =	strace s9  }
0x27: {  	s1 =	sld [smem:$0x3FAB]  }
0x28: {  	s2 =	sld [smem:$0x3FAC]  }
0x29: {  	s4 =	sld [smem:$0x3FAE]  }
0x2a: {  	p0 =	seq.s32 s5, $0x0;
	s5 =	sld [smem:$0x3FAF]  }
0x2b: {  	s6 =	sld [smem:$0x3FB0]  }
0x2c: {  	s7 =	sld [smem:$0x3FB1]  }
0x2d: {  	s3 =	simm.s32 $0x108;
	s8 =	sld [smem:$0x3FB2]  }
0x2e: {  	s3 =	simm.s32 @!p0 $0x1082;
	s9 =	sld [smem:$0x3FB3]  }
0x2f: {  	lr =	sadd.s32 s0, s3;
	s0 =	sld [smem:$0x3FAA]  }
0x30: {  	s3 =	sld [smem:$0x3FAD]  }
0x31: {  	[smem:$0x3FB6] =	sst s10  }
0x32: {  	s10 =	sld [smem:$0x3FB4];
	_ =	sdelay $0x3  }
0x33: {  	p0 =	seq.s32 s10, $0x1;
	s10 =	sld [smem:$0x3FB6];
	_ =	sdelay $0x3  }
0x34: {  	[smem:$0x3FB6] =	sst s10  }
0x35: {  	s10 =	sld [smem:$0x3FB5];
	_ =	sdelay $0x3  }
0x36: {  	p1 =	seq.s32 s10, $0x1;
	s10 =	sld [smem:$0x3FB6];
	_ =	sdelay $0x3  }
0x37: {  	[smem:$0x3FB6] =	sst s10  }
0x38: {  	s10 =	sld [smem:$0x3FB7]  }
0x39: {  	_ = 	snop;
	(pc) =	sbr.ind lr, $3  }
0x3a: {  	_ = 	snop  }
0x3b: {  	_ = 	snop  }
0x3c: {  	p2 =	seq.s32 s10, $0x1;
	s10 =	sld [smem:$0x3FB6]  }
0x3d: {  	_ =	shalt  }
0x3e: {  	_ =	shalt  }
0x3f: {  	_ =	shalt  }
0x40: {  	_ =	shalt  }
0x41: {  	_ =	shalt  }
0x42: {  	_ =	shalt  }
0x43: {  	_ =	shalt  }
0x44: {  	_ =	shalt  }
0x45: {  	_ =	shalt  }
0x46: {  	_ =	shalt  }
0x47: {  	_ =	shalt  }
0x48: {  	_ =	shalt  }
0x49: {  	_ =	shalt  }
0x4a: {  	_ =	shalt  }
0x4b: {  	_ =	shalt  }
0x4c: {  	_ =	shalt  }
0x4d: {  	_ =	shalt  }
0x4e: {  	_ =	shalt  }
0x4f: {  	_ =	shalt  }
0x50: {  	_ =	shalt  }
0x51: {  	_ =	shalt  }
0x52: {  	_ =	shalt  }
0x53: {  	_ =	shalt  }
0x54: {  	_ =	shalt  }
0x55: {  	_ =	shalt  }
0x56: {  	_ =	shalt  }
0x57: {  	_ =	shalt  }
0x58: {  	_ =	shalt  }
0x59: {  	_ =	shalt  }
0x5a: {  	_ =	shalt  }
0x5b: {  	_ =	shalt  }
0x5c: {  	_ =	shalt  }
0x5d: {  	_ =	shalt  }
0x5e: {  	_ =	shalt  }
0x5f: {  	_ =	shalt  }
0x60: {  	_ =	shalt  }
0x61: {  	_ =	shalt  }
0x62: {  	_ =	shalt  }
0x63: {  	_ =	shalt  }
0x64: {  	_ =	shalt  }
0x65: {  	_ =	shalt  }
0x66: {  	_ =	shalt  }
0x67: {  	_ =	shalt  }
0x68: {  	_ =	shalt  }
0x69: {  	_ =	shalt  }
0x6a: {  	_ =	shalt  }
0x6b: {  	_ =	shalt  }
0x6c: {  	_ =	shalt  }
0x6d: {  	_ =	shalt  }
0x6e: {  	_ =	shalt  }
0x6f: {  	_ =	shalt  }
0x70: {  	_ =	shalt  }
0x71: {  	_ =	shalt  }
0x72: {  	_ =	shalt  }
0x73: {  	_ =	shalt  }
0x74: {  	_ =	shalt  }
0x75: {  	_ =	shalt  }
0x76: {  	_ =	shalt  }
0x77: {  	_ =	shalt  }
0x78: {  	_ =	shalt  }
0x79: {  	_ =	shalt  }
0x7a: {  	_ =	shalt  }
0x7b: {  	_ =	shalt  }
0x7c: {  	_ =	shalt  }
0x7d: {  	_ =	shalt  }
0x7e: {  	_ =	shalt  }
0x7f: {  	_ =	shalt  }
0x80: {  	_ =	shalt  }
0x81: {  	_ =	shalt  }
0x82: {  	_ =	shalt  }
0x83: {  	_ =	shalt  }
0x84: {  	_ =	shalt  }
0x85: {  	_ =	shalt  }
0x86: {  	_ =	shalt  }
0x87: {  	_ =	shalt  }
.Lfunc_end0:
.L_simem_size_0:
called_computation_lowered:
.L_overlay_start_0:
0x88: {  	s2 =	sld [smem:$0x3FD9]  }
0x89: {  	s3 =	sld [smem:$0x3FFE];
	_ =	sdelay $0x1  }
0x8a: {  	s1 =	srdreg.scid  }
0x8b: {  	s0 =	sand.u32 $0x1, s1  }
0x8c: {  	s17 =	sshll.u32 s0, $0xA;
	s2 =	sadd.s32 s3, s2  }
0x8d: {  	s2 =	sadd.s32 s2, s17  }
0x8e: {  	[smem:$0x3FC2] =	sst s2  }
0x8f: {  	_ = 	snop  }
0x90: {  	s2 =	sld [smem:$0x3FD0];
	(tm) =	ssettm $0x1  }
0x91: {  	s18 =	sld [smem:$0x3FFB];
	_ =	sdelay $0x3  }
0x92: {  	_ =	strace s18  }
0x93: {  	s3 =	sld [smem:$0x3FFC];
	_ =	sdelay $0x3  }
0x94: {  	_ =	strace s3  }
0x95: {  	s3 =	sld [smem:$0x3FFD];
	_ =	sdelay $0x3  }
0x96: {  	_ =	strace s3  }
0x97: {  	_ =	strace $0x8FFFFFFF  }
0x98: {  	s19 =	sld [smem:$0x3FDB];
	_ =	sdelay $0x1  }
0x99: {  	s4 =	simm.s32 $_scs_section_size  }
0x9a: {  	s5 =	simm.s32 $_size__tile_overlayer_lowered;
	s6 =	simm.s32 $_tile_overlayer_lowered  }
0x9b: {  	s22 =	simm.s32 $0x1BFF;
	s21 =	sshll.u32 s6, $0x1;
	s3 =	sadd.s32 s4, s19  }
0x9c: {  	s7 =	simm.s32 $0x0;
	s20 =	sshll.u32 s5, $0x1;
	s5 =	sadd.s32 s21, s3  }
0x9d: {  	[timem:s7], [sflag:s22] =	dma.local [hbm:s5], s20  }
0x9e: {  	_ =	swait.ge [sflag:s22], s20  }
0x9f: {  	s4 =	ssub.s32 $0x0, s20;
	[sflag:s22] =	ssyncset.done $0x0  }
0xa0: {  	[sflag:s22] =	ssyncadd.s32 s4;
	_ =	sdelay $0x1  }
0xa1: {  	s23 =	simm.s32 $0x1B8B  }
0xa2: {  	_ =	swait.ge [sflag:s23], $0x1  }
0xa3: {  	[sflag:s23] =	ssyncset.done $0x0  }
0xa4: {  	s25 =	simm.s32 $0x1B8E;
	s24 =	sld [smem:$0x3FFE];
	[sflag:s23] =	ssyncadd.s32 $0xFFFFFFFF  }
0xa5: {  	s26 =	simm.s32 $execute0_lowered;
	[smem:$0x3FD2] =	sst s25  }
0xa6: {  	s5 =	sshll.u32 s26, $0x1;
	_ =	strace $0x80000046;
	[dreg:$0x1] =	wrdreg $0xFFFFFFFF  }
0xa7: {  	s28 =	simm.s32 $_size_execute0_lowered;
	s3 =	sadd.s32 s3, s5;
	[dreg:$0x0] =	wrdreg $0x0  }
0xa8: {  	s5 =	sshll.u32 s28, $0x1;
	[dreg:$0x2] =	wrdreg s3  }
0xa9: {  	[dreg:$0x3] =	wrdreg s5  }
0xaa: {  	[dreg:$0x4] =	wrdreg $0xC0  }
0xab: {  	_ =	task [dreg:s7], $0x5FFFF  }
0xac: {  	[dreg:$0x1] =	wrdreg $0xFFFFFFFF  }
0xad: {  	[dreg:$0x0] =	wrdreg $0x60  }
0xae: {  	[dreg:$0x2] =	wrdreg s2  }
0xaf: {  	[dreg:$0x3] =	wrdreg s24  }
0xb0: {  	[dreg:$0x4] =	wrdreg $0xA8000  }
0xb1: {  	[dreg:$0x5] =	wrdreg $0x9  }
0xb2: {  	_ =	task.clear_ibuf [dreg:s7], $0x6FFFF;
	_ =	strace $0x90000046  }
0xb3: {  	s29 =	simm.s32 $0x9;
	_ =	strace $0x80000048  }
0xb4: {  	_ =	swait.ge [sflag:s29], $0x1  }
0xb5: {  	[sflag:s29] =	ssyncadd.s32 $0xFFFFFFFF  }
0xb6: {  	_ =	strace $0x90000048  }
0xb7: {  	_ =	sfence  }
0xb8: {  	s30 =	sld [smem:$0x0];
	_ =	sdelay $0x2  }
0xb9: {  	s31 =	sshll.u32 s1, $0xD;
	s1 =	sshrl.u32 s1, $0x2  }
0xba: {  	s3 =	sand.u32 $0x4000, s31;
	s1 =	sadd.s32 s1, s30  }
0xbb: {  	s0 =	sor.u32 s3, s0;
	s1 =	sshll.u32 s1, $0x11  }
0xbc: {  	s0 =	sor.u32 s1, s0  }
0xbd: {  	s0 =	sadd.s32 $0x8F2B, s0  }
0xbe: {  	[sflag:s0] =	ssyncadd.remote.s32 $0x1  }
0xbf: {  	_ =	sfence.sel $0xFFFF  }
0xc0: {  	[dreg:$0x0] =	wrdreg $0xFFFFFFFF;
	(pc) =	sbr.abs _section_cstart, $3  }
0xc1: {  	[dreg:$0x1] =	wrdreg $0xFFFFFFFF  }
0xc2: {  	_ =	task.clear_ibuf [dreg:s7], $0x2FFFF;
	_ =	strace $0x9FFFFFFF  }
0xc3: {  	(tm) =	ssettm $0x7FFFFFFF  }
tec
execute0_lowered:
.L_overlay_start_1:
0x0: {  	(tag) =	ssettag $0x1  }
0x1: {  	s4 =	rddreg [dreg:$0x0]  }
0x2: {  	s5 =	rddreg [dreg:$0x1]  }
0x3: {  	s1 =	rddreg [dreg:$0x2];
	s2 =	srdreg.scid  }
0x4: {  	s0 =	rddreg [dreg:$0x3];
	s3 =	simm.s32 $0x0;
	s16 =	simm.s32 $0x50  }
0x5: {  	s17 =	simm.s32 $0x4000;
	s18 =	simm.s32 $0x80;
	s19 =	simm.s32 $0x100  }
0x6: {  	s20 =	simm.s32 $0x180;
	s21 =	simm.s32 $0x200;
	s22 =	simm.s32 $0x1  }
0x7: {  	s6 =	sand.u32 $0x1, s2;
	[smem:$0x7FF] =	sst s3;
	s2 =	stileid.u32  }
0x8: {  	s11 =	sadd.s32 $0x16000, s5;
	s24 =	sadd.s32 $0x138000, s1;
	s9 =	smul.u32 $0x4E200, s2  }
0x9: {  	s7 =	ssub.s32 $0x2, s6;
	_ =	strace $0x80000047;
	s10 =	smul.u32 $0x138800, s6  }
0xa: {  	s25 =	sshll.u32 s6, $0xF;
	s26 =	sshll.u32 s2, $0xB;
	s30 =	smul.u32 $0x13800, s2  }
0xb: {  	s14 =	smul.u32 $0x4E000, s2;
	p0 =	sne.s32 s2, $0xF;
	s8 =	sshrl.u32 s7, $0x1  }
0xc: {  	s29 =	sadd.s32 s4, s26;
	s24 =	sshrl.u32 @!p0 s24, $0x3;
	s12 =	ssub.s32 s7, s8  }
0xd: {  	s28 =	sshrl.u32 s9, $0x2;
	s5 =	sadd.s32 s25, s29;
	s13 =	sadd.s32 s30, s10  }
0xe: {  	s15 =	sshrl.u32 s10, $0x3;
	s31 =	sshrl.u32 s14, $0x2;
	s14 =	simm.s32 $0x3  }
0xf: {  	s25 =	simm.s32 $0x0;
	s4 =	sadd.s32 s28, s1;
	s13 =	sshrl.u32 s13, $0x3  }
0x10: {  	s23 =	sadd.s32 s31, s1;
	s12 =	smax.u32 s12, $0x1;
	s6 =	sadd.s32 $0x3E80, s4  }
0x11: {  	s7 =	sadd.s32 $0x7D00, s4;
	s8 =	sadd.s32 $0xBB80, s4;
	s9 =	sadd.s32 $0xFA00, s4  }
0x12: {  	s10 =	sadd.s32 s11, s13;
	s11 =	sadd.s32 s11, s15;
	s13 =	simm.s32 $0x6800  }
0x13: {  	v0 =	vimm.f32 $0.0e+00;
	v1 =	vimm.f32 $1.000000000e+00;
	s15 =	simm.s32 $0x2;
	s23 =	sshrl.u32 s23, $0x3;
	s11 =	sadd.s32 $0x27000, s11  }
.LBB2_1:
0x14: {  	[tilespmem:s3], [sflag:$0x2] =	stream.linear.gather [hbm4b:s5+s3], $0x3E80, $0x38;
	[tilespmem:$0xCF10] =	vst v63  }
0x15: {  	s26 =	simm.s32 $0x0  }
.LBB2_2:
0x16: {  	p1 =	sne.s32 s26, $0xF800  }
.Ltmp0:
0x17: {  	_ = 	snop;
	(pc) =	sbr.rel @p1 .LBB2_2-.Ltmp0, $3  }
0x18: {  	_ =	sdelay $0x1  }
0x19: {  	s28 =	sshra.s32 s26, $0x2  }
0x1a: {  	s26 =	sadd.s32 $0x200, s26;
	[tilespmem:s28+$0x6800] =	vst v0  }
0x1b: {  	s26 =	simm.s32 $0x200;
	s28 =	simm.s32 $0x0  }
.LBB2_4:
0x1c: {  	p1 =	sne.s32 s26, $0x9E00;
	[tilespmem:s28+$0x4000] =	vst v1;
	s28 =	smov.u32 s26;
	s26 =	sadd.s32 $0x200, s26  }
.Ltmp1:
0x1d: {  	(pc) =	sbr.rel @p1 .LBB2_4-.Ltmp1, $2  }
0x1e: {  	_ =	sdelay $0x2  }
0x1f: {  	s28 =	sshra.s32 s28, $0x2  }
0x20: {  	[tilespmem:s28+$0x4000] =	vst v1  }
0x21: {  	[spmem:s4] =	stream.linear.scatter [tilespmem:s13], [sflag:$0x3], $0x3E80, $0x38;
	[tilespmem:$0xCF10] =	vst v63  }
0x22: {  	_ =	swait.ge [sflag:s14], $0x3E80  }
0x23: {  	[sflag:s14] =	ssyncset.done $0x0  }
0x24: {  	[sflag:s14] =	ssyncadd.s32 $0xFFFFC180  }
0x25: {  	[spmem:s6] =	stream.linear.scatter [tilespmem:s13], [sflag:$0x3], $0x3E80, $0x38;
	[tilespmem:$0xCF10] =	vst v63  }
0x26: {  	_ =	swait.ge [sflag:s14], $0x3E80  }
0x27: {  	[sflag:s14] =	ssyncset.done $0x0  }
0x28: {  	[sflag:s14] =	ssyncadd.s32 $0xFFFFC180  }
0x29: {  	[spmem:s7] =	stream.linear.scatter [tilespmem:s13], [sflag:$0x3], $0x3E80, $0x38;
	[tilespmem:$0xCF10] =	vst v63  }
0x2a: {  	_ =	swait.ge [sflag:s14], $0x3E80  }
0x2b: {  	[sflag:s14] =	ssyncset.done $0x0  }
0x2c: {  	[sflag:s14] =	ssyncadd.s32 $0xFFFFC180  }
0x2d: {  	[spmem:s8] =	stream.linear.scatter [tilespmem:s13], [sflag:$0x3], $0x3E80, $0x38;
	[tilespmem:$0xCF10] =	vst v63  }
0x2e: {  	_ =	swait.ge [sflag:s14], $0x3E80  }
0x2f: {  	[sflag:s14] =	ssyncset.done $0x0  }
0x30: {  	[sflag:s14] =	ssyncadd.s32 $0xFFFFC180  }
0x31: {  	[spmem:s9] =	stream.linear.scatter [tilespmem:s13], [sflag:$0x3], $0x3E80, $0x38;
	[tilespmem:$0xCF10] =	vst v63  }
0x32: {  	_ =	swait.ge [sflag:s14], $0x3E80  }
0x33: {  	[sflag:s14] =	ssyncset.done $0x0  }
0x34: {  	[sflag:s14] =	ssyncadd.s32 $0xFFFFC180  }
0x35: {  	_ =	swait.ge [sflag:s15], $0x3E80  }
0x36: {  	[sflag:s15] =	ssyncset.done $0x0  }
0x37: {  	[sflag:s15] =	ssyncadd.s32 $0xFFFFC180  }
0x38: {  	[bflag:$0x0] =	sbarrier.arrive $0xFFFF  }
0x39: {  	[spmem:s1] =	stream.indirect.scatter.add.f32 [tilespmem:s17], [sflag:$0x1], $0x10, s3, s16, $0xb8;
	[tilespmem:$0xCF10] =	vst v63  }
0x3a: {  	_ = 	snop  }
0x3b: {  	[spmem:s1] =	stream.indirect.scatter.add.f32 [tilespmem:s17], [sflag:$0x1], $0x10, s18, s16, $0xb8;
	[tilespmem:$0xCF10] =	vst v63  }
0x3c: {  	_ = 	snop  }
0x3d: {  	[spmem:s1] =	stream.indirect.scatter.add.f32 [tilespmem:s17], [sflag:$0x1], $0x10, s19, s16, $0xb8;
	[tilespmem:$0xCF10] =	vst v63  }
0x3e: {  	_ = 	snop  }
0x3f: {  	[spmem:s1] =	stream.indirect.scatter.add.f32 [tilespmem:s17], [sflag:$0x1], $0x10, s20, s16, $0xb8;
	[tilespmem:$0xCF10] =	vst v63  }
0x40: {  	_ = 	snop  }
0x41: {  	[spmem:s1] =	stream.indirect.scatter.add.f32 [tilespmem:s17], [sflag:$0x1], $0x10, s21, s16, $0xb8;
	[tilespmem:$0xCF10] =	vst v63  }
0x42: {  	s26 =	simm.s32 $0x280  }
0x43: {  	[spmem:s1] =	stream.indirect.scatter.add.f32 [tilespmem:s17], [sflag:$0x1], $0x10, s26, s16, $0xb8;
	[tilespmem:$0xCF10] =	vst v63  }
0x44: {  	s31 =	simm.s32 $0x300  }
0x45: {  	[spmem:s1] =	stream.indirect.scatter.add.f32 [tilespmem:s17], [sflag:$0x1], $0x10, s31, s16, $0xb8;
	[tilespmem:$0xCF10] =	vst v63  }
0x46: {  	s29 =	simm.s32 $0x380  }
0x47: {  	[spmem:s1] =	stream.indirect.scatter.add.f32 [tilespmem:s17], [sflag:$0x1], $0x10, s29, s16, $0xb8;
	[tilespmem:$0xCF10] =	vst v63  }
0x48: {  	s30 =	simm.s32 $0x400  }
0x49: {  	[spmem:s1] =	stream.indirect.scatter.add.f32 [tilespmem:s17], [sflag:$0x1], $0x10, s30, s16, $0xb8;
	[tilespmem:$0xCF10] =	vst v63  }
0x4a: {  	s31 =	simm.s32 $0x480  }
0x4b: {  	[spmem:s1] =	stream.indirect.scatter.add.f32 [tilespmem:s17], [sflag:$0x1], $0x10, s31, s16, $0xb8;
	[tilespmem:$0xCF10] =	vst v63  }
0x4c: {  	_ =	swait.ge [sflag:s22], $0x500  }
0x4d: {  	[sflag:s22] =	ssyncset.done $0x0  }
0x4e: {  	[sflag:s22] =	ssyncadd.s32 $0xFFFFFB00  }
0x4f: {  	_ =	swait.ge [sflag:s22], $0x500  }
0x50: {  	[sflag:s22] =	ssyncset.done $0x0  }
0x51: {  	[sflag:s22] =	ssyncadd.s32 $0xFFFFFB00  }
0x52: {  	_ =	swait.ge [sflag:s22], $0x500  }
0x53: {  	[sflag:s22] =	ssyncset.done $0x0  }
0x54: {  	[sflag:s22] =	ssyncadd.s32 $0xFFFFFB00  }
0x55: {  	_ =	swait.ge [sflag:s22], $0x500  }
0x56: {  	[sflag:s22] =	ssyncset.done $0x0  }
0x57: {  	[sflag:s22] =	ssyncadd.s32 $0xFFFFFB00  }
0x58: {  	_ =	swait.ge [sflag:s22], $0x500  }
0x59: {  	s28 =	simm.s32 $0xFFFF2400;
	s26 =	simm.s32 $0xFFFFC680;
	[sflag:s22] =	ssyncset.done $0x0  }
.LBB2_6:
0x5a: {  	s29 =	sadd.s32 $0x3E80, s26  }
0x5b: {  	[sflag:s22] =	ssyncadd.s32 $0xFFFFFB00;
	s30 =	smov.u32 s28;
	s31 =	sadd.s32 $0xA00, s28  }
0x5c: {  	[spmem:s1] =	stream.indirect.scatter.add.f32 [tilespmem:s17], [sflag:$0x1], $0x10, s29, s16, $0xb8;
	[tilespmem:$0xCF10] =	vst v63  }
0x5d: {  	p1 =	sne.s32 s28, $0xFFFFF600;
	s28 =	sadd.s32 $0x3F00, s26  }
0x5e: {  	[spmem:s1] =	stream.indirect.scatter.add.f32 [tilespmem:s17], [sflag:$0x1], $0x10, s28, s16, $0xb8;
	[tilespmem:$0xCF10] =	vst v63  }
0x5f: {  	s28 =	sadd.s32 $0x3F80, s26  }
0x60: {  	[spmem:s1] =	stream.indirect.scatter.add.f32 [tilespmem:s17], [sflag:$0x1], $0x10, s28, s16, $0xb8;
	[tilespmem:$0xCF10] =	vst v63  }
0x61: {  	s28 =	sadd.s32 $0x4000, s26  }
0x62: {  	[spmem:s1] =	stream.indirect.scatter.add.f32 [tilespmem:s17], [sflag:$0x1], $0x10, s28, s16, $0xb8;
	[tilespmem:$0xCF10] =	vst v63  }
0x63: {  	s26 =	sadd.s32 $0x4080, s26  }
0x64: {  	[spmem:s1] =	stream.indirect.scatter.add.f32 [tilespmem:s17], [sflag:$0x1], $0x10, s26, s16, $0xb8;
	[tilespmem:$0xCF10] =	vst v63  }
0x65: {  	_ =	swait.ge [sflag:s22], $0x500  }
0x66: {  	[sflag:s22] =	ssyncset.done $0x0  }
0x67: {  	[sflag:s22] =	ssyncadd.s32 $0xFFFFFB00  }
0x68: {  	_ =	swait.ge [sflag:s22], $0x500  }
0x69: {  	[sflag:s22] =	ssyncset.done $0x0  }
0x6a: {  	[sflag:s22] =	ssyncadd.s32 $0xFFFFFB00  }
0x6b: {  	_ =	swait.ge [sflag:s22], $0x500  }
0x6c: {  	[sflag:s22] =	ssyncset.done $0x0  }
0x6d: {  	[sflag:s22] =	ssyncadd.s32 $0xFFFFFB00  }
.Ltmp2:
0x6e: {  	_ =	swait.ge [sflag:s22], $0x500;
	(pc) =	sbr.rel @p1 .LBB2_6-.Ltmp2, $4  }
0x6f: {  	[sflag:s22] =	ssyncset.done $0x0  }
0x70: {  	[sflag:s22] =	ssyncadd.s32 $0xFFFFFB00  }
0x71: {  	_ =	swait.ge [sflag:s22], $0x500  }
0x72: {  	s28 =	smov.u32 s31;
	s26 =	sshra.s32 s30, $0x2;
	[sflag:s22] =	ssyncset.done $0x0  }
0x73: {  	s28 =	sadd.s32 $0x3E80, s26;
	[sflag:s22] =	ssyncadd.s32 $0xFFFFFB00  }
0x74: {  	[spmem:s1] =	stream.indirect.scatter.add.f32 [tilespmem:s17], [sflag:$0x1], $0x10, s28, s16, $0xb8;
	[tilespmem:$0xCF10] =	vst v63  }
0x75: {  	s30 =	sadd.s32 $0x3F00, s26  }
0x76: {  	[spmem:s1] =	stream.indirect.scatter.add.f32 [tilespmem:s17], [sflag:$0x1], $0x10, s30, s16, $0xb8;
	[tilespmem:$0xCF10] =	vst v63  }
0x77: {  	s31 =	sadd.s32 $0x3F80, s26  }
0x78: {  	[spmem:s1] =	stream.indirect.scatter.add.f32 [tilespmem:s17], [sflag:$0x1], $0x10, s31, s16, $0xb8;
	[tilespmem:$0xCF10] =	vst v63  }
0x79: {  	s29 =	sadd.s32 $0x4000, s26  }
0x7a: {  	[spmem:s1] =	stream.indirect.scatter.add.f32 [tilespmem:s17], [sflag:$0x1], $0x10, s29, s16, $0xb8;
	[tilespmem:$0xCF10] =	vst v63  }
0x7b: {  	s30 =	sadd.s32 $0x4080, s26  }
0x7c: {  	[spmem:s1] =	stream.indirect.scatter.add.f32 [tilespmem:s17], [sflag:$0x1], $0x10, s30, s16, $0xb8;
	[tilespmem:$0xCF10] =	vst v63  }
0x7d: {  	_ =	swait.ge [sflag:s22], $0x500  }
0x7e: {  	[sflag:s22] =	ssyncset.done $0x0  }
0x7f: {  	[sflag:s22] =	ssyncadd.s32 $0xFFFFFB00  }
0x80: {  	_ =	swait.ge [sflag:s22], $0x500  }
0x81: {  	[sflag:s22] =	ssyncset.done $0x0  }
0x82: {  	[sflag:s22] =	ssyncadd.s32 $0xFFFFFB00  }
0x83: {  	_ =	swait.ge [sflag:s22], $0x500  }
0x84: {  	[sflag:s22] =	ssyncset.done $0x0  }
0x85: {  	[sflag:s22] =	ssyncadd.s32 $0xFFFFFB00  }
0x86: {  	_ =	swait.ge [sflag:s22], $0x500  }
0x87: {  	[sflag:s22] =	ssyncset.done $0x0  }
0x88: {  	[sflag:s22] =	ssyncadd.s32 $0xFFFFFB00  }
0x89: {  	_ =	swait.ge [sflag:s22], $0x500  }
0x8a: {  	[sflag:s22] =	ssyncset.done $0x0  }
0x8b: {  	[sflag:s22] =	ssyncadd.s32 $0xFFFFFB00  }
0x8c: {  	_ =	swait.ge [sflag:s22], $0x500  }
0x8d: {  	[sflag:s22] =	ssyncset.done $0x0  }
0x8e: {  	[sflag:s22] =	ssyncadd.s32 $0xFFFFFB00  }
0x8f: {  	_ =	swait.ge [sflag:s22], $0x500  }
0x90: {  	[sflag:s22] =	ssyncset.done $0x0  }
0x91: {  	[sflag:s22] =	ssyncadd.s32 $0xFFFFFB00  }
0x92: {  	_ =	swait.ge [sflag:s22], $0x500  }
0x93: {  	[sflag:s22] =	ssyncset.done $0x0  }
0x94: {  	[sflag:s22] =	ssyncadd.s32 $0xFFFFFB00  }
0x95: {  	_ =	swait.ge [sflag:s22], $0x500  }
0x96: {  	[sflag:s22] =	ssyncset.done $0x0  }
0x97: {  	[sflag:s22] =	ssyncadd.s32 $0xFFFFFB00  }
0x98: {  	_ =	swait.ge [sflag:s22], $0x500  }
0x99: {  	[sflag:s22] =	ssyncset.done $0x0  }
0x9a: {  	s31 =	sshll.u32 s2, $0x6;
	[sflag:s22] =	ssyncadd.s32 $0xFFFFFB00  }
0x9b: {  	s26 =	sor.u32 $0x1C03, s31;
	[bflag:$0x0] =	sbarrier.arrive $0xFFFF  }
0x9c: {  	[hbm:s10], [sflag:s26] =	dma.local [spmem:s23], $0x2700  }
0x9d: {  	_ =	swait.ge [sflag:s14], $0x2700  }
0x9e: {  	s25 =	sadd.s32 $0x1, s25;
	[sflag:s14] =	ssyncset.done $0x0  }
0x9f: {  	p1 =	sne.s32 s25, s12;
	[sflag:s14] =	ssyncadd.s32 $0xFFFFD900  }
0xa0: {  	[hbm:s11], [sflag:s26] =	dma.local @!p0 [spmem:s24], $0x100  }
.Ltmp3:
0xa1: {  	_ = 	snop;
	(pc) =	sbr.rel @p1 .LBB2_1-.Ltmp3, $4  }
0xa2: {  	s26 =	simm.s32 @!p0 $0x3  }
0xa3: {  	_ =	swait.ge @!p0 [sflag:s26], $0x100  }
0xa4: {  	[sflag:s26] =	ssyncset.done @!p0 $0x0  }
0xa5: {  	[sflag:s26] =	ssyncadd.s32 @!p0 $0xFFFFFF00  }
0xa6: {  	_ =	sfence.sel $0x180000  }
0xa7: {  	[bflag:$0x0] =	sbarrier.arrive $0xFFFF  }
0xa8: {  	p0 =	sne.s32 s2, $0x0;
	_ =	strace $0x90000047  }
0xa9: {  	s0 =	sadd.s32 @!p0 $0x100000, s0;
	[bflag:$0x2] =	sbarrier.arrive $0xFFFF  }
0xaa: {  	[sflag:s0] =	ssyncadd.tile.s32 @!p0 $0x1;
	_ =	shalt  }
.Lfunc_end2:
_tile_overlayer_lowered:
.L_overlay_start_2:
0xab: {  	(tag) =	ssettag $0x2  }
0xac: {  	s0 =	rddreg [dreg:$0x0];
	s2 =	stileid.u32  }
0xad: {  	s1 =	rddreg [dreg:$0x1];
	p0 =	sne.s32 s2, $0x0  }
0xae: {  	s3 =	rddreg [dreg:$0x2];
	[bflag:$0x3] =	sbarrier.arrive $0xFFFF;
	s2 =	simm.s32 @!p0 $0x1C03  }
0xaf: {  	[timem:s3], [sflag:s2] =	dma.local @!p0 [hbm:s0], s1  }
0xb0: {  	s0 =	simm.s32 @!p0 $0x3  }
0xb1: {  	_ =	swait.ge @!p0 [sflag:s0], s1  }
0xb2: {  	s1 =	ssub.s32 @!p0 $0x0, s1;
	[sflag:s0] =	ssyncset.done @!p0 $0x0  }
0xb3: {  	[sflag:s0] =	ssyncadd.s32 @!p0 s1  }
0xb4: {  	[bflag:$0x3] =	sbarrier.arrive $0xFFFF  }
0xb5: {  	_ =	shalt  }

</sc_bundles>
